<compile_context>
chip_gen: v7x
topology: tpu7x:2x2x1
jax: 0.10.2.dev20260603
libtpu: 0.0.44.dev20260713+nightly
codegen_flags: <defaults>
</compile_context>

<pallas_src>
import functools

import jax
import jax.numpy as jnp
from jax import lax
from jax.experimental import pallas as pl
from jax.experimental.pallas import tpu as pltpu
from jax.experimental.pallas import tpu_sc as plsc

N = 100000
D = 128
S = 1000
S_PAD = 1024
NW = 32
SEG_W = S_PAD // NW
CHUNK = 256
NV = D // 16
OUT_W = SEG_W * 3 * D

_mesh = plsc.VectorSubcoreMesh(core_axis_name="c", subcore_axis_name="s")


def _extract(bndv, j):
    return bndv[pl.ds(j, 16)][0]


@functools.partial(
    pl.kernel,
    out_type=jax.ShapeDtypeStruct((S_PAD * 3 * D,), jnp.float32),
    mesh=_mesh,
    scratch_types=[
        pltpu.VMEM((CHUNK * D,), jnp.float32),
        pltpu.VMEM((CHUNK * D,), jnp.float32),
        pltpu.VMEM((OUT_W,), jnp.float32),
        pltpu.VMEM((48,), jnp.int32),
        pltpu.VMEM((48,), jnp.float32),
        pltpu.SemaphoreType.DMA,
        pltpu.SemaphoreType.DMA,
    ],
)
def _pool_kernel(
    x_hbm, bnd_hbm, rcp_hbm, out_hbm, buf0, buf1, stage, bndv, rcpv,
    sem0, sem1
):
    wid = lax.axis_index("s") * 2 + lax.axis_index("c")
    s0 = wid * SEG_W

    pltpu.sync_copy(bnd_hbm.at[pl.ds(s0, 48)], bndv)
    pltpu.sync_copy(rcp_hbm.at[pl.ds(s0, 48)], rcpv)

    zero = jnp.zeros((16,), jnp.float32)
    fmin = jnp.full((16,), -3.4028235e38, jnp.float32)

    def init_body(sl, _):
        base = sl * (3 * D)
        for jj in range(NV):
            stage[pl.ds(base + jj * 16, 16)] = zero
            stage[pl.ds(base + D + jj * 16, 16)] = fmin
        return 0

    lax.fori_loop(0, SEG_W, init_body, 0)

    r0 = _extract(bndv, 0)
    r1 = _extract(bndv, SEG_W)
    nch = (r1 - r0 + CHUNK - 1) // CHUNK

    def dma_start(ci, buf, sem):
        c0 = r0 + ci * CHUNK
        cb = jnp.minimum(c0, N - CHUNK)
        pltpu.async_copy(x_hbm.at[pl.ds(cb * D, CHUNK * D)], buf, sem)

    def dma_wait(buf, sem):
        pltpu.make_async_copy(x_hbm.at[pl.ds(0, CHUNK * D)], buf, sem).wait()

    def process(ci, buf):
        c0 = r0 + ci * CHUNK
        c1 = jnp.minimum(c0 + CHUNK, r1)
        cb = jnp.minimum(c0, N - CHUNK)

        def seg_body(j, _):
            rs = _extract(bndv, j)
            re = _extract(bndv, j + 1)
            glo = jnp.maximum(rs, c0)
            ghi = jnp.maximum(glo, jnp.minimum(re, c1))
            lo = glo - cb
            hi = ghi - cb

            @pl.when(hi > lo)
            def _():
                def row_body(i, acc):
                    sums, maxs = acc
                    ns, nm = [], []
                    for jj in range(NV):
                        v = buf[pl.ds(i * D + jj * 16, 16)]
                        ns.append(sums[jj] + v)
                        nm.append(jnp.maximum(maxs[jj], v))
                    return (tuple(ns), tuple(nm))

                sums, maxs = lax.fori_loop(
                    lo, hi, row_body, ((zero,) * NV, (fmin,) * NV)
                )

                base = j * (3 * D)
                for jj in range(NV):
                    p = pl.ds(base + jj * 16, 16)
                    stage[p] = stage[p] + sums[jj]
                    q = pl.ds(base + D + jj * 16, 16)
                    stage[q] = jnp.maximum(stage[q], maxs[jj])

            return 0

        lax.fori_loop(0, SEG_W, seg_body, 0)

    @pl.when(nch > 0)
    def _():
        dma_start(0, buf0, sem0)

    def pair_body(cc, _):
        ci0 = cc * 2
        ci1 = ci0 + 1

        @pl.when(ci1 < nch)
        def _():
            dma_start(ci1, buf1, sem1)

        dma_wait(buf0, sem0)
        process(ci0, buf0)

        @pl.when(ci1 < nch)
        def _():
            @pl.when(ci1 + 1 < nch)
            def _():
                dma_start(ci1 + 1, buf0, sem0)

            dma_wait(buf1, sem1)
            process(ci1, buf1)

        return 0

    lax.fori_loop(0, (nch + 1) // 2, pair_body, 0)

    def fin_body(sl, _):
        rs = _extract(bndv, sl)
        re = _extract(bndv, sl + 1)
        cnt = re - rs
        cntf = cnt.astype(jnp.float32)
        recip = rcpv[pl.ds(sl, 16)][0]
        scale = jnp.minimum(cntf, 1.0)
        base = sl * (3 * D)
        for jj in range(NV):
            sv = stage[pl.ds(base + jj * 16, 16)]
            stage[pl.ds(base + 2 * D + jj * 16, 16)] = sv * recip
            q = pl.ds(base + D + jj * 16, 16)
            stage[q] = stage[q] * scale + 0.0
        return 0

    lax.fori_loop(0, SEG_W, fin_body, 0)

    pltpu.sync_copy(stage, out_hbm.at[pl.ds(wid * OUT_W, OUT_W)])


def kernel(x, index):
    idx = index.astype(jnp.int32)
    queries = jnp.arange(S_PAD + 1, dtype=jnp.int32)
    bnd = jnp.full((S_PAD + 16,), N, dtype=jnp.int32)
    bnd = bnd.at[: S_PAD + 1].set(
        jnp.searchsorted(idx, queries, method='compare_all').astype(jnp.int32)
    )
    counts = bnd[1 : S_PAD + 1] - bnd[:S_PAD]
    rcp = jnp.zeros((S_PAD + 16,), jnp.float32)
    rcp = rcp.at[:S_PAD].set(1.0 / jnp.clip(counts, 1).astype(jnp.float32))
    out = _pool_kernel(x.reshape(-1), bnd, rcp)
    return out.reshape(S_PAD, 3 * D)[:S]

# --- scband reference (transcript-rebuilt; emitter-appended) ---
"""Pipeline reference for scband-global-pooling-3092376453274 (READ-ONLY COPY).

The authoritative reference and input builder live on the scoring server;
editing this copy changes nothing except your own understanding.
"""

import jax, jax.numpy as jnp
import numpy as np

N = 100000
D = 128
S = 1000

def setup_inputs(seed: int = 0) -> dict:
    key = jax.random.key(seed)
    k1, k2 = jax.random.split(key)
    x = jax.random.normal(k1, (N, D), dtype=jnp.float32)
    index = jnp.sort(jax.random.randint(k2, (N,), 0, S)).astype(jnp.int64)
    return {"x": x, "index": index}

def reference(x, index):
    # MultiAggregation([SumAggregation, MaxAggregation, MeanAggregation], mode='cat')
    num_segments = S
    s = jax.ops.segment_sum(x, index, num_segments=num_segments)
    m = jax.ops.segment_max(x, index, num_segments=num_segments)
    counts = jax.ops.segment_sum(jnp.ones((x.shape[0], 1), dtype=x.dtype), index, num_segments=num_segments)
    # PyG fills empty segments with 0 for max aggregation
    m = jnp.where(counts > 0, m, jnp.zeros_like(m))
    mean = s / jnp.clip(counts, 1.0)
    return jnp.concatenate([s, m, mean], axis=-1)

if __name__ == "__main__":
    import jax
    _d = setup_inputs()
    print(jax.jit(kernel)(*tuple(_d.values())))

</pallas_src>

<mosaic_0001>
#map = affine_map<(d0, d1) -> (0)>
module attributes {stable_mosaic.version = 14 : i64} {
  func.func @_pool_kernel(%arg0: i32, %arg1: i32, %arg2: memref<12800000xf32, #tpu.memory_space<hbm>>, %arg3: memref<1040xi32, #tpu.memory_space<hbm>>, %arg4: memref<1040xf32, #tpu.memory_space<hbm>>, %arg5: memref<393216xf32, #tpu.memory_space<hbm>>, %arg6: memref<32768xf32, #tpu.memory_space<vmem>>, %arg7: memref<32768xf32, #tpu.memory_space<vmem>>, %arg8: memref<12288xf32, #tpu.memory_space<vmem>>, %arg9: memref<48xi32, #tpu.memory_space<vmem>>, %arg10: memref<48xf32, #tpu.memory_space<vmem>>, %arg11: memref<!tpu.dma_semaphore, #tpu.memory_space<semaphore_mem>>, %arg12: memref<!tpu.dma_semaphore, #tpu.memory_space<semaphore_mem>>) attributes {dimension_semantics = [#tpu.dimension_semantics<core_parallel>, #tpu.dimension_semantics<subcore_parallel>], iteration_bounds = array<i64: 2, 16>, scalar_prefetch = 0 : i64, scratch_operands = 7 : i64, tpu.core_type = #tpu.core_type<sc_vector_subcore>, window_params = [{transform_indices = #map}, {transform_indices = #map}, {transform_indices = #map}, {transform_indices = #map}]} {
    %mul3A = arith.constant 2 : i32
    %mul3A_0 = arith.muli %arg1, %mul3A : i32
    %add3A = arith.addi %mul3A_0, %arg0 : i32
    %mul3A_1 = arith.constant 32 : i32
    %mul3A_2 = arith.muli %add3A, %mul3A_1 : i32
    "tpu.region"() ({
      %run_scoped3A = tpu.sem_alloc : memref<!tpu.dma_semaphore, #tpu.memory_space<semaphore_mem>>
      %dma_start3A = tpu.memref_slice %arg3[%mul3A_2] : memref<1040xi32, #tpu.memory_space<hbm>> -> memref<48xi32, #tpu.memory_space<hbm>>
      %dma_start3A_88 = tpu.memref_slice %arg3[%mul3A_2] : memref<1040xi32, #tpu.memory_space<hbm>> -> memref<48xi32, #tpu.memory_space<hbm>>
      tpu.enqueue_dma source(%dma_start3A_88 : memref<48xi32, #tpu.memory_space<hbm>>) target(%arg9 : memref<48xi32, #tpu.memory_space<vmem>>) target_semaphore(%run_scoped3A : memref<!tpu.dma_semaphore, #tpu.memory_space<semaphore_mem>>)
      %dma_wait3A = tpu.memref_slice %arg3[%mul3A_2] : memref<1040xi32, #tpu.memory_space<hbm>> -> memref<48xi32, #tpu.memory_space<hbm>>
      %dma_wait3A_89 = tpu.memref_slice %arg3[%mul3A_2] : memref<1040xi32, #tpu.memory_space<hbm>> -> memref<48xi32, #tpu.memory_space<hbm>>
      tpu.wait_dma2 semaphore(%run_scoped3A : memref<!tpu.dma_semaphore, #tpu.memory_space<semaphore_mem>>) src(%dma_wait3A_89 : memref<48xi32, #tpu.memory_space<hbm>>) dst(%arg9 : memref<48xi32, #tpu.memory_space<vmem>>)
      tpu.yield
    }) : () -> ()
    "tpu.region"() ({
      %run_scoped3A = tpu.sem_alloc : memref<!tpu.dma_semaphore, #tpu.memory_space<semaphore_mem>>
      %dma_start3A = tpu.memref_slice %arg4[%mul3A_2] : memref<1040xf32, #tpu.memory_space<hbm>> -> memref<48xf32, #tpu.memory_space<hbm>>
      %dma_start3A_88 = tpu.memref_slice %arg4[%mul3A_2] : memref<1040xf32, #tpu.memory_space<hbm>> -> memref<48xf32, #tpu.memory_space<hbm>>
      tpu.enqueue_dma source(%dma_start3A_88 : memref<48xf32, #tpu.memory_space<hbm>>) target(%arg10 : memref<48xf32, #tpu.memory_space<vmem>>) target_semaphore(%run_scoped3A : memref<!tpu.dma_semaphore, #tpu.memory_space<semaphore_mem>>)
      %dma_wait3A = tpu.memref_slice %arg4[%mul3A_2] : memref<1040xf32, #tpu.memory_space<hbm>> -> memref<48xf32, #tpu.memory_space<hbm>>
      %dma_wait3A_89 = tpu.memref_slice %arg4[%mul3A_2] : memref<1040xf32, #tpu.memory_space<hbm>> -> memref<48xf32, #tpu.memory_space<hbm>>
      tpu.wait_dma2 semaphore(%run_scoped3A : memref<!tpu.dma_semaphore, #tpu.memory_space<semaphore_mem>>) src(%dma_wait3A_89 : memref<48xf32, #tpu.memory_space<hbm>>) dst(%arg10 : memref<48xf32, #tpu.memory_space<vmem>>)
      tpu.yield
    }) : () -> ()
    %broadcast_in_dim3A = arith.constant 0.000000e+00 : f32
    %broadcast_in_dim3A_3 = vector.broadcast %broadcast_in_dim3A : f32 to vector<16xf32>
    %broadcast_in_dim3A_4 = arith.constant -3.40282347E+38 : f32
    %broadcast_in_dim3A_5 = vector.broadcast %broadcast_in_dim3A_4 : f32 to vector<16xf32>
    %scan3A = arith.constant 0 : i32
    %scan3A_6 = arith.constant 0 : i32
    %scan3A_7 = arith.constant 32 : i32
    %scan3A_8 = arith.addi %scan3A_6, %scan3A_7 : i32
    %scan3A_9 = arith.constant 1 : i32
    %scan3A_10 = scf.for %scan3A_88 = %scan3A_6 to %scan3A_8 step %scan3A_9 iter_args(%scan3A_89 = %scan3A) -> (i32)  : i32 {
      %mul3A_90 = arith.constant 384 : i32
      %mul3A_91 = arith.muli %scan3A_88, %mul3A_90 : i32
      %add3A_92 = arith.constant 0 : i32
      %add3A_93 = arith.addi %mul3A_91, %add3A_92 : i32
      %swap3A = arith.index_cast %add3A_93 : i32 to index
      %swap3A_94 = tpu.vector_load %arg8[%swap3A] {strides = array<i32>} : memref<12288xf32, #tpu.memory_space<vmem>>, vector<16xf32>,
      %swap3A_95 = vector.shape_cast %swap3A_94 : vector<16xf32> to vector<16xf32>
      %swap3A_96 = vector.shape_cast %broadcast_in_dim3A_3 : vector<16xf32> to vector<16xf32>
      tpu.vector_store %arg8[%swap3A], %swap3A_96 {strides = array<i32>} : memref<12288xf32, #tpu.memory_space<vmem>>, vector<16xf32>,
      %add3A_97 = arith.constant 128 : i32
      %add3A_98 = arith.addi %mul3A_91, %add3A_97 : i32
      %add3A_99 = arith.constant 0 : i32
      %add3A_100 = arith.addi %add3A_98, %add3A_99 : i32
      %swap3A_101 = arith.index_cast %add3A_100 : i32 to index
      %swap3A_102 = tpu.vector_load %arg8[%swap3A_101] {strides = array<i32>} : memref<12288xf32, #tpu.memory_space<vmem>>, vector<16xf32>,
      %swap3A_103 = vector.shape_cast %swap3A_102 : vector<16xf32> to vector<16xf32>
      %swap3A_104 = vector.shape_cast %broadcast_in_dim3A_5 : vector<16xf32> to vector<16xf32>
      tpu.vector_store %arg8[%swap3A_101], %swap3A_104 {strides = array<i32>} : memref<12288xf32, #tpu.memory_space<vmem>>, vector<16xf32>,
      %add3A_105 = arith.constant 16 : i32
      %add3A_106 = arith.addi %mul3A_91, %add3A_105 : i32
      %swap3A_107 = arith.index_cast %add3A_106 : i32 to index
      %swap3A_108 = tpu.vector_load %arg8[%swap3A_107] {strides = array<i32>} : memref<12288xf32, #tpu.memory_space<vmem>>, vector<16xf32>,
      %swap3A_109 = vector.shape_cast %swap3A_108 : vector<16xf32> to vector<16xf32>
      %swap3A_110 = vector.shape_cast %broadcast_in_dim3A_3 : vector<16xf32> to vector<16xf32>
      tpu.vector_store %arg8[%swap3A_107], %swap3A_110 {strides = array<i32>} : memref<12288xf32, #tpu.memory_space<vmem>>, vector<16xf32>,
      %add3A_111 = arith.constant 128 : i32
      %add3A_112 = arith.addi %mul3A_91, %add3A_111 : i32
      %add3A_113 = arith.constant 16 : i32
      %add3A_114 = arith.addi %add3A_112, %add3A_113 : i32
      %swap3A_115 = arith.index_cast %add3A_114 : i32 to index
      %swap3A_116 = tpu.vector_load %arg8[%swap3A_115] {strides = array<i32>} : memref<12288xf32, #tpu.memory_space<vmem>>, vector<16xf32>,
      %swap3A_117 = vector.shape_cast %swap3A_116 : vector<16xf32> to vector<16xf32>
      %swap3A_118 = vector.shape_cast %broadcast_in_dim3A_5 : vector<16xf32> to vector<16xf32>
      tpu.vector_store %arg8[%swap3A_115], %swap3A_118 {strides = array<i32>} : memref<12288xf32, #tpu.memory_space<vmem>>, vector<16xf32>,
      %add3A_119 = arith.constant 32 : i32
      %add3A_120 = arith.addi %mul3A_91, %add3A_119 : i32
      %swap3A_121 = arith.index_cast %add3A_120 : i32 to index
      %swap3A_122 = tpu.vector_load %arg8[%swap3A_121] {strides = array<i32>} : memref<12288xf32, #tpu.memory_space<vmem>>, vector<16xf32>,
      %swap3A_123 = vector.shape_cast %swap3A_122 : vector<16xf32> to vector<16xf32>
      %swap3A_124 = vector.shape_cast %broadcast_in_dim3A_3 : vector<16xf32> to vector<16xf32>
      tpu.vector_store %arg8[%swap3A_121], %swap3A_124 {strides = array<i32>} : memref<12288xf32, #tpu.memory_space<vmem>>, vector<16xf32>,
      %add3A_125 = arith.constant 128 : i32
      %add3A_126 = arith.addi %mul3A_91, %add3A_125 : i32
      %add3A_127 = arith.constant 32 : i32
      %add3A_128 = arith.addi %add3A_126, %add3A_127 : i32
      %swap3A_129 = arith.index_cast %add3A_128 : i32 to index
      %swap3A_130 = tpu.vector_load %arg8[%swap3A_129] {strides = array<i32>} : memref<12288xf32, #tpu.memory_space<vmem>>, vector<16xf32>,
      %swap3A_131 = vector.shape_cast %swap3A_130 : vector<16xf32> to vector<16xf32>
      %swap3A_132 = vector.shape_cast %broadcast_in_dim3A_5 : vector<16xf32> to vector<16xf32>
      tpu.vector_store %arg8[%swap3A_129], %swap3A_132 {strides = array<i32>} : memref<12288xf32, #tpu.memory_space<vmem>>, vector<16xf32>,
      %add3A_133 = arith.constant 48 : i32
      %add3A_134 = arith.addi %mul3A_91, %add3A_133 : i32
      %swap3A_135 = arith.index_cast %add3A_134 : i32 to index
      %swap3A_136 = tpu.vector_load %arg8[%swap3A_135] {strides = array<i32>} : memref<12288xf32, #tpu.memory_space<vmem>>, vector<16xf32>,
      %swap3A_137 = vector.shape_cast %swap3A_136 : vector<16xf32> to vector<16xf32>
      %swap3A_138 = vector.shape_cast %broadcast_in_dim3A_3 : vector<16xf32> to vector<16xf32>
      tpu.vector_store %arg8[%swap3A_135], %swap3A_138 {strides = array<i32>} : memref<12288xf32, #tpu.memory_space<vmem>>, vector<16xf32>,
      %add3A_139 = arith.constant 128 : i32
      %add3A_140 = arith.addi %mul3A_91, %add3A_139 : i32
      %add3A_141 = arith.constant 48 : i32
      %add3A_142 = arith.addi %add3A_140, %add3A_141 : i32
      %swap3A_143 = arith.index_cast %add3A_142 : i32 to index
      %swap3A_144 = tpu.vector_load %arg8[%swap3A_143] {strides = array<i32>} : memref<12288xf32, #tpu.memory_space<vmem>>, vector<16xf32>,
      %swap3A_145 = vector.shape_cast %swap3A_144 : vector<16xf32> to vector<16xf32>
      %swap3A_146 = vector.shape_cast %broadcast_in_dim3A_5 : vector<16xf32> to vector<16xf32>
      tpu.vector_store %arg8[%swap3A_143], %swap3A_146 {strides = array<i32>} : memref<12288xf32, #tpu.memory_space<vmem>>, vector<16xf32>,
      %add3A_147 = arith.constant 64 : i32
      %add3A_148 = arith.addi %mul3A_91, %add3A_147 : i32
      %swap3A_149 = arith.index_cast %add3A_148 : i32 to index
      %swap3A_150 = tpu.vector_load %arg8[%swap3A_149] {strides = array<i32>} : memref<12288xf32, #tpu.memory_space<vmem>>, vector<16xf32>,
      %swap3A_151 = vector.shape_cast %swap3A_150 : vector<16xf32> to vector<16xf32>
      %swap3A_152 = vector.shape_cast %broadcast_in_dim3A_3 : vector<16xf32> to vector<16xf32>
      tpu.vector_store %arg8[%swap3A_149], %swap3A_152 {strides = array<i32>} : memref<12288xf32, #tpu.memory_space<vmem>>, vector<16xf32>,
      %add3A_153 = arith.constant 128 : i32
      %add3A_154 = arith.addi %mul3A_91, %add3A_153 : i32
      %add3A_155 = arith.constant 64 : i32
      %add3A_156 = arith.addi %add3A_154, %add3A_155 : i32
      %swap3A_157 = arith.index_cast %add3A_156 : i32 to index
      %swap3A_158 = tpu.vector_load %arg8[%swap3A_157] {strides = array<i32>} : memref<12288xf32, #tpu.memory_space<vmem>>, vector<16xf32>,
      %swap3A_159 = vector.shape_cast %swap3A_158 : vector<16xf32> to vector<16xf32>
      %swap3A_160 = vector.shape_cast %broadcast_in_dim3A_5 : vector<16xf32> to vector<16xf32>
      tpu.vector_store %arg8[%swap3A_157], %swap3A_160 {strides = array<i32>} : memref<12288xf32, #tpu.memory_space<vmem>>, vector<16xf32>,
      %add3A_161 = arith.constant 80 : i32
      %add3A_162 = arith.addi %mul3A_91, %add3A_161 : i32
      %swap3A_163 = arith.index_cast %add3A_162 : i32 to index
      %swap3A_164 = tpu.vector_load %arg8[%swap3A_163] {strides = array<i32>} : memref<12288xf32, #tpu.memory_space<vmem>>, vector<16xf32>,
      %swap3A_165 = vector.shape_cast %swap3A_164 : vector<16xf32> to vector<16xf32>
      %swap3A_166 = vector.shape_cast %broadcast_in_dim3A_3 : vector<16xf32> to vector<16xf32>
      tpu.vector_store %arg8[%swap3A_163], %swap3A_166 {strides = array<i32>} : memref<12288xf32, #tpu.memory_space<vmem>>, vector<16xf32>,
      %add3A_167 = arith.constant 128 : i32
      %add3A_168 = arith.addi %mul3A_91, %add3A_167 : i32
      %add3A_169 = arith.constant 80 : i32
      %add3A_170 = arith.addi %add3A_168, %add3A_169 : i32
      %swap3A_171 = arith.index_cast %add3A_170 : i32 to index
      %swap3A_172 = tpu.vector_load %arg8[%swap3A_171] {strides = array<i32>} : memref<12288xf32, #tpu.memory_space<vmem>>, vector<16xf32>,
      %swap3A_173 = vector.shape_cast %swap3A_172 : vector<16xf32> to vector<16xf32>
      %swap3A_174 = vector.shape_cast %broadcast_in_dim3A_5 : vector<16xf32> to vector<16xf32>
      tpu.vector_store %arg8[%swap3A_171], %swap3A_174 {strides = array<i32>} : memref<12288xf32, #tpu.memory_space<vmem>>, vector<16xf32>,
      %add3A_175 = arith.constant 96 : i32
      %add3A_176 = arith.addi %mul3A_91, %add3A_175 : i32
      %swap3A_177 = arith.index_cast %add3A_176 : i32 to index
      %swap3A_178 = tpu.vector_load %arg8[%swap3A_177] {strides = array<i32>} : memref<12288xf32, #tpu.memory_space<vmem>>, vector<16xf32>,
      %swap3A_179 = vector.shape_cast %swap3A_178 : vector<16xf32> to vector<16xf32>
      %swap3A_180 = vector.shape_cast %broadcast_in_dim3A_3 : vector<16xf32> to vector<16xf32>
      tpu.vector_store %arg8[%swap3A_177], %swap3A_180 {strides = array<i32>} : memref<12288xf32, #tpu.memory_space<vmem>>, vector<16xf32>,
      %add3A_181 = arith.constant 128 : i32
      %add3A_182 = arith.addi %mul3A_91, %add3A_181 : i32
      %add3A_183 = arith.constant 96 : i32
      %add3A_184 = arith.addi %add3A_182, %add3A_183 : i32
      %swap3A_185 = arith.index_cast %add3A_184 : i32 to index
      %swap3A_186 = tpu.vector_load %arg8[%swap3A_185] {strides = array<i32>} : memref<12288xf32, #tpu.memory_space<vmem>>, vector<16xf32>,
      %swap3A_187 = vector.shape_cast %swap3A_186 : vector<16xf32> to vector<16xf32>
      %swap3A_188 = vector.shape_cast %broadcast_in_dim3A_5 : vector<16xf32> to vector<16xf32>
      tpu.vector_store %arg8[%swap3A_185], %swap3A_188 {strides = array<i32>} : memref<12288xf32, #tpu.memory_space<vmem>>, vector<16xf32>,
      %add3A_189 = arith.constant 112 : i32
      %add3A_190 = arith.addi %mul3A_91, %add3A_189 : i32
      %swap3A_191 = arith.index_cast %add3A_190 : i32 to index
      %swap3A_192 = tpu.vector_load %arg8[%swap3A_191] {strides = array<i32>} : memref<12288xf32, #tpu.memory_space<vmem>>, vector<16xf32>,
      %swap3A_193 = vector.shape_cast %swap3A_192 : vector<16xf32> to vector<16xf32>
      %swap3A_194 = vector.shape_cast %broadcast_in_dim3A_3 : vector<16xf32> to vector<16xf32>
      tpu.vector_store %arg8[%swap3A_191], %swap3A_194 {strides = array<i32>} : memref<12288xf32, #tpu.memory_space<vmem>>, vector<16xf32>,
      %add3A_195 = arith.constant 128 : i32
      %add3A_196 = arith.addi %mul3A_91, %add3A_195 : i32
      %add3A_197 = arith.constant 112 : i32
      %add3A_198 = arith.addi %add3A_196, %add3A_197 : i32
      %swap3A_199 = arith.index_cast %add3A_198 : i32 to index
      %swap3A_200 = tpu.vector_load %arg8[%swap3A_199] {strides = array<i32>} : memref<12288xf32, #tpu.memory_space<vmem>>, vector<16xf32>,
      %swap3A_201 = vector.shape_cast %swap3A_200 : vector<16xf32> to vector<16xf32>
      %swap3A_202 = vector.shape_cast %broadcast_in_dim3A_5 : vector<16xf32> to vector<16xf32>
      tpu.vector_store %arg8[%swap3A_199], %swap3A_202 {strides = array<i32>} : memref<12288xf32, #tpu.memory_space<vmem>>, vector<16xf32>,
      %scan3A_203 = arith.constant 0 : i32
      scf.yield %scan3A_203 : i32
    }
    %scan3A_11 = arith.constant 32 : i32
    %get3A = arith.constant 0 : index
    %get3A_12 = tpu.vector_load %arg9[%get3A] {strides = array<i32>} : memref<48xi32, #tpu.memory_space<vmem>>, vector<16xi32>,
    %get3A_13 = vector.shape_cast %get3A_12 : vector<16xi32> to vector<16xi32>
    %slice3A = vector.extract_strided_slice %get3A_13 {offsets = [0], sizes = [1], strides = [1]} : vector<16xi32> to vector<1xi32>
    %squeeze3A = vector.extract %slice3A[0] : i32 from vector<1xi32>
    %get3A_14 = arith.constant 32 : index
    %get3A_15 = tpu.vector_load %arg9[%get3A_14] {strides = array<i32>} : memref<48xi32, #tpu.memory_space<vmem>>, vector<16xi32>,
    %get3A_16 = vector.shape_cast %get3A_15 : vector<16xi32> to vector<16xi32>
    %slice3A_17 = vector.extract_strided_slice %get3A_16 {offsets = [0], sizes = [1], strides = [1]} : vector<16xi32> to vector<1xi32>
    %squeeze3A_18 = vector.extract %slice3A_17[0] : i32 from vector<1xi32>
    %sub3A = arith.subi %squeeze3A_18, %squeeze3A : i32
    %add3A_19 = arith.constant 256 : i32
    %add3A_20 = arith.addi %sub3A, %add3A_19 : i32
    %sub3A_21 = arith.constant 1 : i32
    %sub3A_22 = arith.subi %add3A_20, %sub3A_21 : i32
    %jit3A = arith.constant 256 : i32
    %div3A = arith.divsi %sub3A_22, %jit3A : i32
    %sign3A = arith.constant 0 : i32
    %sign3A_23 = arith.cmpi sgt, %sub3A_22, %sign3A : i32
    %sign3A_24 = arith.extui %sign3A_23 : i1 to i32
    %sign3A_25 = arith.constant 0 : i32
    %sign3A_26 = arith.cmpi slt, %sub3A_22, %sign3A_25 : i32
    %sign3A_27 = arith.extui %sign3A_26 : i1 to i32
    %sign3A_28 = arith.subi %sign3A_24, %sign3A_27 : i32
    %sign3A_29 = arith.constant 0 : i32
    %sign3A_30 = arith.cmpi sgt, %jit3A, %sign3A_29 : i32
    %sign3A_31 = arith.extui %sign3A_30 : i1 to i32
    %sign3A_32 = arith.constant 0 : i32
    %sign3A_33 = arith.cmpi slt, %jit3A, %sign3A_32 : i32
    %sign3A_34 = arith.extui %sign3A_33 : i1 to i32
    %sign3A_35 = arith.subi %sign3A_31, %sign3A_34 : i32
    %ne3A = arith.cmpi ne, %sign3A_28, %sign3A_35 : i32
    %rem3A = arith.remsi %sub3A_22, %jit3A : i32
    %ne3A_36 = arith.constant 0 : i32
    %ne3A_37 = arith.cmpi ne, %rem3A, %ne3A_36 : i32
    %and3A = arith.andi %ne3A, %ne3A_37 : i1
    %sub3A_38 = arith.constant 1 : i32
    %sub3A_39 = arith.subi %div3A, %sub3A_38 : i32
    %select_n3A = arith.select %and3A, %sub3A_39, %div3A : i32
    %gt3A = arith.constant 0 : i32
    %gt3A_40 = arith.cmpi sgt, %select_n3A, %gt3A : i32
    %convert_element_type3A = arith.extui %gt3A_40 : i1 to i32
    %cond3A = arith.constant 0 : i32
    %cond3A_41 = arith.cmpi ne, %convert_element_type3A, %cond3A : i32
    scf.if %cond3A_41 {
      %add3A_88 = arith.constant 0 : i32
      %add3A_89 = arith.addi %squeeze3A, %add3A_88 : i32
      %min3A = arith.constant 99744 : i32
      %min3A_90 = arith.minsi %add3A_89, %min3A : i32
      %mul3A_91 = arith.constant 128 : i32
      %mul3A_92 = arith.muli %min3A_90, %mul3A_91 : i32
      %dma_start3A = tpu.memref_slice %arg2[%mul3A_92] : memref<12800000xf32, #tpu.memory_space<hbm>> -> memref<32768xf32, #tpu.memory_space<hbm>>
      %dma_start3A_93 = tpu.memref_slice %arg2[%mul3A_92] : memref<12800000xf32, #tpu.memory_space<hbm>> -> memref<32768xf32, #tpu.memory_space<hbm>>
      tpu.enqueue_dma source(%dma_start3A_93 : memref<32768xf32, #tpu.memory_space<hbm>>) target(%arg6 : memref<32768xf32, #tpu.memory_space<vmem>>) target_semaphore(%arg11 : memref<!tpu.dma_semaphore, #tpu.memory_space<semaphore_mem>>)
    } else {
    }
    %add3A_42 = arith.constant 1 : i32
    %add3A_43 = arith.addi %select_n3A, %add3A_42 : i32
    %jit3A_44 = arith.constant 2 : i32
    %div3A_45 = arith.divsi %add3A_43, %jit3A_44 : i32
    %sign3A_46 = arith.constant 0 : i32
    %sign3A_47 = arith.cmpi sgt, %add3A_43, %sign3A_46 : i32
    %sign3A_48 = arith.extui %sign3A_47 : i1 to i32
    %sign3A_49 = arith.constant 0 : i32
    %sign3A_50 = arith.cmpi slt, %add3A_43, %sign3A_49 : i32
    %sign3A_51 = arith.extui %sign3A_50 : i1 to i32
    %sign3A_52 = arith.subi %sign3A_48, %sign3A_51 : i32
    %sign3A_53 = arith.constant 0 : i32
    %sign3A_54 = arith.cmpi sgt, %jit3A_44, %sign3A_53 : i32
    %sign3A_55 = arith.extui %sign3A_54 : i1 to i32
    %sign3A_56 = arith.constant 0 : i32
    %sign3A_57 = arith.cmpi slt, %jit3A_44, %sign3A_56 : i32
    %sign3A_58 = arith.extui %sign3A_57 : i1 to i32
    %sign3A_59 = arith.subi %sign3A_55, %sign3A_58 : i32
    %ne3A_60 = arith.cmpi ne, %sign3A_52, %sign3A_59 : i32
    %rem3A_61 = arith.remsi %add3A_43, %jit3A_44 : i32
    %ne3A_62 = arith.constant 0 : i32
    %ne3A_63 = arith.cmpi ne, %rem3A_61, %ne3A_62 : i32
    %and3A_64 = arith.andi %ne3A_60, %ne3A_63 : i1
    %sub3A_65 = arith.constant 1 : i32
    %sub3A_66 = arith.subi %div3A_45, %sub3A_65 : i32
    %select_n3A_67 = arith.select %and3A_64, %sub3A_66, %div3A_45 : i32
    %while3A = arith.constant 0 : i32
    %while3A_68 = arith.constant 0 : i32
    %while3A_69 = arith.subi %select_n3A_67, %while3A : i32
    %while3A_70 = arith.addi %while3A, %while3A_69 : i32
    %while3A_71 = arith.constant 1 : i32
    %while3A_72 = arith.divsi %while3A_69, %while3A_71 : i32
    %while3A_73 = arith.muli %while3A_72, %while3A_71 : i32
    %while3A_74 = arith.addi %while3A, %while3A_73 : i32
    %while3A_75 = arith.constant 1 : i32
    %while3A_76 = scf.for %while3A_88 = %while3A to %while3A_74 step %while3A_75 iter_args(%while3A_89 = %while3A_68) -> (i32)  : i32 {
      %mul3A_90 = arith.constant 2 : i32
      %mul3A_91 = arith.muli %while3A_88, %mul3A_90 : i32
      %add3A_92 = arith.constant 1 : i32
      %add3A_93 = arith.addi %mul3A_91, %add3A_92 : i32
      %lt3A = arith.cmpi slt, %add3A_93, %select_n3A : i32
      %convert_element_type3A_94 = arith.extui %lt3A : i1 to i32
      %cond3A_95 = arith.constant 0 : i32
      %cond3A_96 = arith.cmpi ne, %convert_element_type3A_94, %cond3A_95 : i32
      scf.if %cond3A_96 {
        %mul3A_119 = arith.constant 256 : i32
        %mul3A_120 = arith.muli %add3A_93, %mul3A_119 : i32
        %add3A_121 = arith.addi %squeeze3A, %mul3A_120 : i32
        %min3A_122 = arith.constant 99744 : i32
        %min3A_123 = arith.minsi %add3A_121, %min3A_122 : i32
        %mul3A_124 = arith.constant 128 : i32
        %mul3A_125 = arith.muli %min3A_123, %mul3A_124 : i32
        %dma_start3A = tpu.memref_slice %arg2[%mul3A_125] : memref<12800000xf32, #tpu.memory_space<hbm>> -> memref<32768xf32, #tpu.memory_space<hbm>>
        %dma_start3A_126 = tpu.memref_slice %arg2[%mul3A_125] : memref<12800000xf32, #tpu.memory_space<hbm>> -> memref<32768xf32, #tpu.memory_space<hbm>>
        tpu.enqueue_dma source(%dma_start3A_126 : memref<32768xf32, #tpu.memory_space<hbm>>) target(%arg7 : memref<32768xf32, #tpu.memory_space<vmem>>) target_semaphore(%arg12 : memref<!tpu.dma_semaphore, #tpu.memory_space<semaphore_mem>>)
      } else {
      }
      %dma_wait3A = arith.constant 0 : i32
      %dma_wait3A_97 = tpu.memref_slice %arg2[%dma_wait3A] : memref<12800000xf32, #tpu.memory_space<hbm>> -> memref<32768xf32, #tpu.memory_space<hbm>>
      %dma_wait3A_98 = arith.constant 0 : i32
      %dma_wait3A_99 = tpu.memref_slice %arg2[%dma_wait3A_98] : memref<12800000xf32, #tpu.memory_space<hbm>> -> memref<32768xf32, #tpu.memory_space<hbm>>
      tpu.wait_dma2 semaphore(%arg11 : memref<!tpu.dma_semaphore, #tpu.memory_space<semaphore_mem>>) src(%dma_wait3A_99 : memref<32768xf32, #tpu.memory_space<hbm>>) dst(%arg6 : memref<32768xf32, #tpu.memory_space<vmem>>)
      %mul3A_100 = arith.constant 256 : i32
      %mul3A_101 = arith.muli %mul3A_91, %mul3A_100 : i32
      %add3A_102 = arith.addi %squeeze3A, %mul3A_101 : i32
      %add3A_103 = arith.constant 256 : i32
      %add3A_104 = arith.addi %add3A_102, %add3A_103 : i32
      %min3A = arith.minsi %add3A_104, %squeeze3A_18 : i32
      %min3A_105 = arith.constant 99744 : i32
      %min3A_106 = arith.minsi %add3A_102, %min3A_105 : i32
      %scan3A_107 = arith.constant 0 : i32
      %scan3A_108 = arith.constant 0 : i32
      %scan3A_109 = arith.constant 32 : i32
      %scan3A_110 = arith.addi %scan3A_108, %scan3A_109 : i32
      %scan3A_111 = arith.constant 1 : i32
      %scan3A_112 = scf.for %scan3A_119 = %scan3A_108 to %scan3A_110 step %scan3A_111 iter_args(%scan3A_120 = %scan3A_107) -> (i32)  : i32 {
        %get3A_121 = arith.index_cast %scan3A_119 : i32 to index
        %get3A_122 = tpu.vector_load %arg9[%get3A_121] {strides = array<i32>} : memref<48xi32, #tpu.memory_space<vmem>>, vector<16xi32>,
        %get3A_123 = vector.shape_cast %get3A_122 : vector<16xi32> to vector<16xi32>
        %slice3A_124 = vector.extract_strided_slice %get3A_123 {offsets = [0], sizes = [1], strides = [1]} : vector<16xi32> to vector<1xi32>
        %squeeze3A_125 = vector.extract %slice3A_124[0] : i32 from vector<1xi32>
        %add3A_126 = arith.constant 1 : i32
        %add3A_127 = arith.addi %scan3A_119, %add3A_126 : i32
        %get3A_128 = arith.index_cast %add3A_127 : i32 to index
        %get3A_129 = tpu.vector_load %arg9[%get3A_128] {strides = array<i32>} : memref<48xi32, #tpu.memory_space<vmem>>, vector<16xi32>,
        %get3A_130 = vector.shape_cast %get3A_129 : vector<16xi32> to vector<16xi32>
        %slice3A_131 = vector.extract_strided_slice %get3A_130 {offsets = [0], sizes = [1], strides = [1]} : vector<16xi32> to vector<1xi32>
        %squeeze3A_132 = vector.extract %slice3A_131[0] : i32 from vector<1xi32>
        %max3A = arith.maxsi %squeeze3A_125, %add3A_102 : i32
        %min3A_133 = arith.minsi %squeeze3A_132, %min3A : i32
        %max3A_134 = arith.maxsi %max3A, %min3A_133 : i32
        %sub3A_135 = arith.subi %max3A, %min3A_106 : i32
        %sub3A_136 = arith.subi %max3A_134, %min3A_106 : i32
        %gt3A_137 = arith.cmpi sgt, %sub3A_136, %sub3A_135 : i32
        %convert_element_type3A_138 = arith.extui %gt3A_137 : i1 to i32
        %cond3A_139 = arith.constant 0 : i32
        %cond3A_140 = arith.cmpi ne, %convert_element_type3A_138, %cond3A_139 : i32
        scf.if %cond3A_140 {
          %while3A_142 = arith.subi %sub3A_136, %sub3A_135 : i32
          %while3A_143 = arith.addi %sub3A_135, %while3A_142 : i32
          %while3A_144 = arith.constant 1 : i32
          %while3A_145 = arith.divsi %while3A_142, %while3A_144 : i32
          %while3A_146 = arith.muli %while3A_145, %while3A_144 : i32
          %while3A_147 = arith.addi %sub3A_135, %while3A_146 : i32
          %while3A_148 = arith.constant 1 : i32
          %while3A_149:16 = scf.for %while3A_329 = %sub3A_135 to %while3A_147 step %while3A_148 iter_args(%while3A_330 = %broadcast_in_dim3A_3, %while3A_331 = %broadcast_in_dim3A_3, %while3A_332 = %broadcast_in_dim3A_3, %while3A_333 = %broadcast_in_dim3A_3, %while3A_334 = %broadcast_in_dim3A_3, %while3A_335 = %broadcast_in_dim3A_3, %while3A_336 = %broadcast_in_dim3A_3, %while3A_337 = %broadcast_in_dim3A_3, %while3A_338 = %broadcast_in_dim3A_5, %while3A_339 = %broadcast_in_dim3A_5, %while3A_340 = %broadcast_in_dim3A_5, %while3A_341 = %broadcast_in_dim3A_5, %while3A_342 = %broadcast_in_dim3A_5, %while3A_343 = %broadcast_in_dim3A_5, %while3A_344 = %broadcast_in_dim3A_5, %while3A_345 = %broadcast_in_dim3A_5) -> (vector<16xf32>, vector<16xf32>, vector<16xf32>, vector<16xf32>, vector<16xf32>, vector<16xf32>, vector<16xf32>, vector<16xf32>, vector<16xf32>, vector<16xf32>, vector<16xf32>, vector<16xf32>, vector<16xf32>, vector<16xf32>, vector<16xf32>, vector<16xf32>)  : i32 {
            %mul3A_346 = arith.constant 128 : i32
            %mul3A_347 = arith.muli %while3A_329, %mul3A_346 : i32
            %add3A_348 = arith.constant 0 : i32
            %add3A_349 = arith.addi %mul3A_347, %add3A_348 : i32
            %get3A_350 = arith.index_cast %add3A_349 : i32 to index
            %get3A_351 = tpu.vector_load %arg6[%get3A_350] {strides = array<i32>} : memref<32768xf32, #tpu.memory_space<vmem>>, vector<16xf32>,
            %get3A_352 = vector.shape_cast %get3A_351 : vector<16xf32> to vector<16xf32>
            %add3A_353 = arith.addf %while3A_330, %get3A_352 : vector<16xf32>
            %max3A_354 = arith.maximumf %while3A_338, %get3A_352 : vector<16xf32>
            %mul3A_355 = arith.constant 128 : i32
            %mul3A_356 = arith.muli %while3A_329, %mul3A_355 : i32
            %add3A_357 = arith.constant 16 : i32
            %add3A_358 = arith.addi %mul3A_356, %add3A_357 : i32
            %get3A_359 = arith.index_cast %add3A_358 : i32 to index
            %get3A_360 = tpu.vector_load %arg6[%get3A_359] {strides = array<i32>} : memref<32768xf32, #tpu.memory_space<vmem>>, vector<16xf32>,
            %get3A_361 = vector.shape_cast %get3A_360 : vector<16xf32> to vector<16xf32>
            %add3A_362 = arith.addf %while3A_331, %get3A_361 : vector<16xf32>
            %max3A_363 = arith.maximumf %while3A_339, %get3A_361 : vector<16xf32>
            %mul3A_364 = arith.constant 128 : i32
            %mul3A_365 = arith.muli %while3A_329, %mul3A_364 : i32
            %add3A_366 = arith.constant 32 : i32
            %add3A_367 = arith.addi %mul3A_365, %add3A_366 : i32
            %get3A_368 = arith.index_cast %add3A_367 : i32 to index
            %get3A_369 = tpu.vector_load %arg6[%get3A_368] {strides = array<i32>} : memref<32768xf32, #tpu.memory_space<vmem>>, vector<16xf32>,
            %get3A_370 = vector.shape_cast %get3A_369 : vector<16xf32> to vector<16xf32>
            %add3A_371 = arith.addf %while3A_332, %get3A_370 : vector<16xf32>
            %max3A_372 = arith.maximumf %while3A_340, %get3A_370 : vector<16xf32>
            %mul3A_373 = arith.constant 128 : i32
            %mul3A_374 = arith.muli %while3A_329, %mul3A_373 : i32
            %add3A_375 = arith.constant 48 : i32
            %add3A_376 = arith.addi %mul3A_374, %add3A_375 : i32
            %get3A_377 = arith.index_cast %add3A_376 : i32 to index
            %get3A_378 = tpu.vector_load %arg6[%get3A_377] {strides = array<i32>} : memref<32768xf32, #tpu.memory_space<vmem>>, vector<16xf32>,
            %get3A_379 = vector.shape_cast %get3A_378 : vector<16xf32> to vector<16xf32>
            %add3A_380 = arith.addf %while3A_333, %get3A_379 : vector<16xf32>
            %max3A_381 = arith.maximumf %while3A_341, %get3A_379 : vector<16xf32>
            %mul3A_382 = arith.constant 128 : i32
            %mul3A_383 = arith.muli %while3A_329, %mul3A_382 : i32
            %add3A_384 = arith.constant 64 : i32
            %add3A_385 = arith.addi %mul3A_383, %add3A_384 : i32
            %get3A_386 = arith.index_cast %add3A_385 : i32 to index
            %get3A_387 = tpu.vector_load %arg6[%get3A_386] {strides = array<i32>} : memref<32768xf32, #tpu.memory_space<vmem>>, vector<16xf32>,
            %get3A_388 = vector.shape_cast %get3A_387 : vector<16xf32> to vector<16xf32>
            %add3A_389 = arith.addf %while3A_334, %get3A_388 : vector<16xf32>
            %max3A_390 = arith.maximumf %while3A_342, %get3A_388 : vector<16xf32>
            %mul3A_391 = arith.constant 128 : i32
            %mul3A_392 = arith.muli %while3A_329, %mul3A_391 : i32
            %add3A_393 = arith.constant 80 : i32
            %add3A_394 = arith.addi %mul3A_392, %add3A_393 : i32
            %get3A_395 = arith.index_cast %add3A_394 : i32 to index
            %get3A_396 = tpu.vector_load %arg6[%get3A_395] {strides = array<i32>} : memref<32768xf32, #tpu.memory_space<vmem>>, vector<16xf32>,
            %get3A_397 = vector.shape_cast %get3A_396 : vector<16xf32> to vector<16xf32>
            %add3A_398 = arith.addf %while3A_335, %get3A_397 : vector<16xf32>
            %max3A_399 = arith.maximumf %while3A_343, %get3A_397 : vector<16xf32>
            %mul3A_400 = arith.constant 128 : i32
            %mul3A_401 = arith.muli %while3A_329, %mul3A_400 : i32
            %add3A_402 = arith.constant 96 : i32
            %add3A_403 = arith.addi %mul3A_401, %add3A_402 : i32
            %get3A_404 = arith.index_cast %add3A_403 : i32 to index
            %get3A_405 = tpu.vector_load %arg6[%get3A_404] {strides = array<i32>} : memref<32768xf32, #tpu.memory_space<vmem>>, vector<16xf32>,
            %get3A_406 = vector.shape_cast %get3A_405 : vector<16xf32> to vector<16xf32>
            %add3A_407 = arith.addf %while3A_336, %get3A_406 : vector<16xf32>
            %max3A_408 = arith.maximumf %while3A_344, %get3A_406 : vector<16xf32>
            %mul3A_409 = arith.constant 128 : i32
            %mul3A_410 = arith.muli %while3A_329, %mul3A_409 : i32
            %add3A_411 = arith.constant 112 : i32
            %add3A_412 = arith.addi %mul3A_410, %add3A_411 : i32
            %get3A_413 = arith.index_cast %add3A_412 : i32 to index
            %get3A_414 = tpu.vector_load %arg6[%get3A_413] {strides = array<i32>} : memref<32768xf32, #tpu.memory_space<vmem>>, vector<16xf32>,
            %get3A_415 = vector.shape_cast %get3A_414 : vector<16xf32> to vector<16xf32>
            %add3A_416 = arith.addf %while3A_337, %get3A_415 : vector<16xf32>
            %max3A_417 = arith.maximumf %while3A_345, %get3A_415 : vector<16xf32>
            scf.yield %add3A_353, %add3A_362, %add3A_371, %add3A_380, %add3A_389, %add3A_398, %add3A_407, %add3A_416, %max3A_354, %max3A_363, %max3A_372, %max3A_381, %max3A_390, %max3A_399, %max3A_408, %max3A_417 : vector<16xf32>, vector<16xf32>, vector<16xf32>, vector<16xf32>, vector<16xf32>, vector<16xf32>, vector<16xf32>, vector<16xf32>, vector<16xf32>, vector<16xf32>, vector<16xf32>, vector<16xf32>, vector<16xf32>, vector<16xf32>, vector<16xf32>, vector<16xf32>
          }
          %while3A_150 = arith.constant 1 : i32
          %while3A_151:16 = scf.for %while3A_329 = %while3A_147 to %while3A_143 step %while3A_150 iter_args(%while3A_330 = %while3A_149#0, %while3A_331 = %while3A_149#1, %while3A_332 = %while3A_149#2, %while3A_333 = %while3A_149#3, %while3A_334 = %while3A_149#4, %while3A_335 = %while3A_149#5, %while3A_336 = %while3A_149#6, %while3A_337 = %while3A_149#7, %while3A_338 = %while3A_149#8, %while3A_339 = %while3A_149#9, %while3A_340 = %while3A_149#10, %while3A_341 = %while3A_149#11, %while3A_342 = %while3A_149#12, %while3A_343 = %while3A_149#13, %while3A_344 = %while3A_149#14, %while3A_345 = %while3A_149#15) -> (vector<16xf32>, vector<16xf32>, vector<16xf32>, vector<16xf32>, vector<16xf32>, vector<16xf32>, vector<16xf32>, vector<16xf32>, vector<16xf32>, vector<16xf32>, vector<16xf32>, vector<16xf32>, vector<16xf32>, vector<16xf32>, vector<16xf32>, vector<16xf32>)  : i32 {
            %mul3A_346 = arith.constant 128 : i32
            %mul3A_347 = arith.muli %while3A_329, %mul3A_346 : i32
            %add3A_348 = arith.constant 0 : i32
            %add3A_349 = arith.addi %mul3A_347, %add3A_348 : i32
            %get3A_350 = arith.index_cast %add3A_349 : i32 to index
            %get3A_351 = tpu.vector_load %arg6[%get3A_350] {strides = array<i32>} : memref<32768xf32, #tpu.memory_space<vmem>>, vector<16xf32>,
            %get3A_352 = vector.shape_cast %get3A_351 : vector<16xf32> to vector<16xf32>
            %add3A_353 = arith.addf %while3A_330, %get3A_352 : vector<16xf32>
            %max3A_354 = arith.maximumf %while3A_338, %get3A_352 : vector<16xf32>
            %mul3A_355 = arith.constant 128 : i32
            %mul3A_356 = arith.muli %while3A_329, %mul3A_355 : i32
            %add3A_357 = arith.constant 16 : i32
            %add3A_358 = arith.addi %mul3A_356, %add3A_357 : i32
            %get3A_359 = arith.index_cast %add3A_358 : i32 to index
            %get3A_360 = tpu.vector_load %arg6[%get3A_359] {strides = array<i32>} : memref<32768xf32, #tpu.memory_space<vmem>>, vector<16xf32>,
            %get3A_361 = vector.shape_cast %get3A_360 : vector<16xf32> to vector<16xf32>
            %add3A_362 = arith.addf %while3A_331, %get3A_361 : vector<16xf32>
            %max3A_363 = arith.maximumf %while3A_339, %get3A_361 : vector<16xf32>
            %mul3A_364 = arith.constant 128 : i32
            %mul3A_365 = arith.muli %while3A_329, %mul3A_364 : i32
            %add3A_366 = arith.constant 32 : i32
            %add3A_367 = arith.addi %mul3A_365, %add3A_366 : i32
            %get3A_368 = arith.index_cast %add3A_367 : i32 to index
            %get3A_369 = tpu.vector_load %arg6[%get3A_368] {strides = array<i32>} : memref<32768xf32, #tpu.memory_space<vmem>>, vector<16xf32>,
            %get3A_370 = vector.shape_cast %get3A_369 : vector<16xf32> to vector<16xf32>
            %add3A_371 = arith.addf %while3A_332, %get3A_370 : vector<16xf32>
            %max3A_372 = arith.maximumf %while3A_340, %get3A_370 : vector<16xf32>
            %mul3A_373 = arith.constant 128 : i32
            %mul3A_374 = arith.muli %while3A_329, %mul3A_373 : i32
            %add3A_375 = arith.constant 48 : i32
            %add3A_376 = arith.addi %mul3A_374, %add3A_375 : i32
            %get3A_377 = arith.index_cast %add3A_376 : i32 to index
            %get3A_378 = tpu.vector_load %arg6[%get3A_377] {strides = array<i32>} : memref<32768xf32, #tpu.memory_space<vmem>>, vector<16xf32>,
            %get3A_379 = vector.shape_cast %get3A_378 : vector<16xf32> to vector<16xf32>
            %add3A_380 = arith.addf %while3A_333, %get3A_379 : vector<16xf32>
            %max3A_381 = arith.maximumf %while3A_341, %get3A_379 : vector<16xf32>
            %mul3A_382 = arith.constant 128 : i32
            %mul3A_383 = arith.muli %while3A_329, %mul3A_382 : i32
            %add3A_384 = arith.constant 64 : i32
            %add3A_385 = arith.addi %mul3A_383, %add3A_384 : i32
            %get3A_386 = arith.index_cast %add3A_385 : i32 to index
            %get3A_387 = tpu.vector_load %arg6[%get3A_386] {strides = array<i32>} : memref<32768xf32, #tpu.memory_space<vmem>>, vector<16xf32>,
            %get3A_388 = vector.shape_cast %get3A_387 : vector<16xf32> to vector<16xf32>
            %add3A_389 = arith.addf %while3A_334, %get3A_388 : vector<16xf32>
            %max3A_390 = arith.maximumf %while3A_342, %get3A_388 : vector<16xf32>
            %mul3A_391 = arith.constant 128 : i32
            %mul3A_392 = arith.muli %while3A_329, %mul3A_391 : i32
            %add3A_393 = arith.constant 80 : i32
            %add3A_394 = arith.addi %mul3A_392, %add3A_393 : i32
            %get3A_395 = arith.index_cast %add3A_394 : i32 to index
            %get3A_396 = tpu.vector_load %arg6[%get3A_395] {strides = array<i32>} : memref<32768xf32, #tpu.memory_space<vmem>>, vector<16xf32>,
            %get3A_397 = vector.shape_cast %get3A_396 : vector<16xf32> to vector<16xf32>
            %add3A_398 = arith.addf %while3A_335, %get3A_397 : vector<16xf32>
            %max3A_399 = arith.maximumf %while3A_343, %get3A_397 : vector<16xf32>
            %mul3A_400 = arith.constant 128 : i32
            %mul3A_401 = arith.muli %while3A_329, %mul3A_400 : i32
            %add3A_402 = arith.constant 96 : i32
            %add3A_403 = arith.addi %mul3A_401, %add3A_402 : i32
            %get3A_404 = arith.index_cast %add3A_403 : i32 to index
            %get3A_405 = tpu.vector_load %arg6[%get3A_404] {strides = array<i32>} : memref<32768xf32, #tpu.memory_space<vmem>>, vector<16xf32>,
            %get3A_406 = vector.shape_cast %get3A_405 : vector<16xf32> to vector<16xf32>
            %add3A_407 = arith.addf %while3A_336, %get3A_406 : vector<16xf32>
            %max3A_408 = arith.maximumf %while3A_344, %get3A_406 : vector<16xf32>
            %mul3A_409 = arith.constant 128 : i32
            %mul3A_410 = arith.muli %while3A_329, %mul3A_409 : i32
            %add3A_411 = arith.constant 112 : i32
            %add3A_412 = arith.addi %mul3A_410, %add3A_411 : i32
            %get3A_413 = arith.index_cast %add3A_412 : i32 to index
            %get3A_414 = tpu.vector_load %arg6[%get3A_413] {strides = array<i32>} : memref<32768xf32, #tpu.memory_space<vmem>>, vector<16xf32>,
            %get3A_415 = vector.shape_cast %get3A_414 : vector<16xf32> to vector<16xf32>
            %add3A_416 = arith.addf %while3A_337, %get3A_415 : vector<16xf32>
            %max3A_417 = arith.maximumf %while3A_345, %get3A_415 : vector<16xf32>
            scf.yield %add3A_353, %add3A_362, %add3A_371, %add3A_380, %add3A_389, %add3A_398, %add3A_407, %add3A_416, %max3A_354, %max3A_363, %max3A_372, %max3A_381, %max3A_390, %max3A_399, %max3A_408, %max3A_417 : vector<16xf32>, vector<16xf32>, vector<16xf32>, vector<16xf32>, vector<16xf32>, vector<16xf32>, vector<16xf32>, vector<16xf32>, vector<16xf32>, vector<16xf32>, vector<16xf32>, vector<16xf32>, vector<16xf32>, vector<16xf32>, vector<16xf32>, vector<16xf32>
          }
          %mul3A_152 = arith.constant 384 : i32
          %mul3A_153 = arith.muli %scan3A_119, %mul3A_152 : i32
          %add3A_154 = arith.constant 0 : i32
          %add3A_155 = arith.addi %mul3A_153, %add3A_154 : i32
          %get3A_156 = arith.index_cast %add3A_155 : i32 to index
          %get3A_157 = tpu.vector_load %arg8[%get3A_156] {strides = array<i32>} : memref<12288xf32, #tpu.memory_space<vmem>>, vector<16xf32>,
          %get3A_158 = vector.shape_cast %get3A_157 : vector<16xf32> to vector<16xf32>
          %add3A_159 = arith.addf %get3A_158, %while3A_151#0 : vector<16xf32>
          %swap3A = arith.index_cast %add3A_155 : i32 to index
          %swap3A_160 = tpu.vector_load %arg8[%swap3A] {strides = array<i32>} : memref<12288xf32, #tpu.memory_space<vmem>>, vector<16xf32>,
          %swap3A_161 = vector.shape_cast %swap3A_160 : vector<16xf32> to vector<16xf32>
          %swap3A_162 = vector.shape_cast %add3A_159 : vector<16xf32> to vector<16xf32>
          tpu.vector_store %arg8[%swap3A], %swap3A_162 {strides = array<i32>} : memref<12288xf32, #tpu.memory_space<vmem>>, vector<16xf32>,
          %add3A_163 = arith.constant 128 : i32
          %add3A_164 = arith.addi %mul3A_153, %add3A_163 : i32
          %add3A_165 = arith.constant 0 : i32
          %add3A_166 = arith.addi %add3A_164, %add3A_165 : i32
          %get3A_167 = arith.index_cast %add3A_166 : i32 to index
          %get3A_168 = tpu.vector_load %arg8[%get3A_167] {strides = array<i32>} : memref<12288xf32, #tpu.memory_space<vmem>>, vector<16xf32>,
          %get3A_169 = vector.shape_cast %get3A_168 : vector<16xf32> to vector<16xf32>
          %max3A_170 = arith.maximumf %get3A_169, %while3A_151#8 : vector<16xf32>
          %swap3A_171 = arith.index_cast %add3A_166 : i32 to index
          %swap3A_172 = tpu.vector_load %arg8[%swap3A_171] {strides = array<i32>} : memref<12288xf32, #tpu.memory_space<vmem>>, vector<16xf32>,
          %swap3A_173 = vector.shape_cast %swap3A_172 : vector<16xf32> to vector<16xf32>
          %swap3A_174 = vector.shape_cast %max3A_170 : vector<16xf32> to vector<16xf32>
          tpu.vector_store %arg8[%swap3A_171], %swap3A_174 {strides = array<i32>} : memref<12288xf32, #tpu.memory_space<vmem>>, vector<16xf32>,
          %add3A_175 = arith.constant 16 : i32
          %add3A_176 = arith.addi %mul3A_153, %add3A_175 : i32
          %get3A_177 = arith.index_cast %add3A_176 : i32 to index
          %get3A_178 = tpu.vector_load %arg8[%get3A_177] {strides = array<i32>} : memref<12288xf32, #tpu.memory_space<vmem>>, vector<16xf32>,
          %get3A_179 = vector.shape_cast %get3A_178 : vector<16xf32> to vector<16xf32>
          %add3A_180 = arith.addf %get3A_179, %while3A_151#1 : vector<16xf32>
          %swap3A_181 = arith.index_cast %add3A_176 : i32 to index
          %swap3A_182 = tpu.vector_load %arg8[%swap3A_181] {strides = array<i32>} : memref<12288xf32, #tpu.memory_space<vmem>>, vector<16xf32>,
          %swap3A_183 = vector.shape_cast %swap3A_182 : vector<16xf32> to vector<16xf32>
          %swap3A_184 = vector.shape_cast %add3A_180 : vector<16xf32> to vector<16xf32>
          tpu.vector_store %arg8[%swap3A_181], %swap3A_184 {strides = array<i32>} : memref<12288xf32, #tpu.memory_space<vmem>>, vector<16xf32>,
          %add3A_185 = arith.constant 128 : i32
          %add3A_186 = arith.addi %mul3A_153, %add3A_185 : i32
          %add3A_187 = arith.constant 16 : i32
          %add3A_188 = arith.addi %add3A_186, %add3A_187 : i32
          %get3A_189 = arith.index_cast %add3A_188 : i32 to index
          %get3A_190 = tpu.vector_load %arg8[%get3A_189] {strides = array<i32>} : memref<12288xf32, #tpu.memory_space<vmem>>, vector<16xf32>,
          %get3A_191 = vector.shape_cast %get3A_190 : vector<16xf32> to vector<16xf32>
          %max3A_192 = arith.maximumf %get3A_191, %while3A_151#9 : vector<16xf32>
          %swap3A_193 = arith.index_cast %add3A_188 : i32 to index
          %swap3A_194 = tpu.vector_load %arg8[%swap3A_193] {strides = array<i32>} : memref<12288xf32, #tpu.memory_space<vmem>>, vector<16xf32>,
          %swap3A_195 = vector.shape_cast %swap3A_194 : vector<16xf32> to vector<16xf32>
          %swap3A_196 = vector.shape_cast %max3A_192 : vector<16xf32> to vector<16xf32>
          tpu.vector_store %arg8[%swap3A_193], %swap3A_196 {strides = array<i32>} : memref<12288xf32, #tpu.memory_space<vmem>>, vector<16xf32>,
          %add3A_197 = arith.constant 32 : i32
          %add3A_198 = arith.addi %mul3A_153, %add3A_197 : i32
          %get3A_199 = arith.index_cast %add3A_198 : i32 to index
          %get3A_200 = tpu.vector_load %arg8[%get3A_199] {strides = array<i32>} : memref<12288xf32, #tpu.memory_space<vmem>>, vector<16xf32>,
          %get3A_201 = vector.shape_cast %get3A_200 : vector<16xf32> to vector<16xf32>
          %add3A_202 = arith.addf %get3A_201, %while3A_151#2 : vector<16xf32>
          %swap3A_203 = arith.index_cast %add3A_198 : i32 to index
          %swap3A_204 = tpu.vector_load %arg8[%swap3A_203] {strides = array<i32>} : memref<12288xf32, #tpu.memory_space<vmem>>, vector<16xf32>,
          %swap3A_205 = vector.shape_cast %swap3A_204 : vector<16xf32> to vector<16xf32>
          %swap3A_206 = vector.shape_cast %add3A_202 : vector<16xf32> to vector<16xf32>
          tpu.vector_store %arg8[%swap3A_203], %swap3A_206 {strides = array<i32>} : memref<12288xf32, #tpu.memory_space<vmem>>, vector<16xf32>,
          %add3A_207 = arith.constant 128 : i32
          %add3A_208 = arith.addi %mul3A_153, %add3A_207 : i32
          %add3A_209 = arith.constant 32 : i32
          %add3A_210 = arith.addi %add3A_208, %add3A_209 : i32
          %get3A_211 = arith.index_cast %add3A_210 : i32 to index
          %get3A_212 = tpu.vector_load %arg8[%get3A_211] {strides = array<i32>} : memref<12288xf32, #tpu.memory_space<vmem>>, vector<16xf32>,
          %get3A_213 = vector.shape_cast %get3A_212 : vector<16xf32> to vector<16xf32>
          %max3A_214 = arith.maximumf %get3A_213, %while3A_151#10 : vector<16xf32>
          %swap3A_215 = arith.index_cast %add3A_210 : i32 to index
          %swap3A_216 = tpu.vector_load %arg8[%swap3A_215] {strides = array<i32>} : memref<12288xf32, #tpu.memory_space<vmem>>, vector<16xf32>,
          %swap3A_217 = vector.shape_cast %swap3A_216 : vector<16xf32> to vector<16xf32>
          %swap3A_218 = vector.shape_cast %max3A_214 : vector<16xf32> to vector<16xf32>
          tpu.vector_store %arg8[%swap3A_215], %swap3A_218 {strides = array<i32>} : memref<12288xf32, #tpu.memory_space<vmem>>, vector<16xf32>,
          %add3A_219 = arith.constant 48 : i32
          %add3A_220 = arith.addi %mul3A_153, %add3A_219 : i32
          %get3A_221 = arith.index_cast %add3A_220 : i32 to index
          %get3A_222 = tpu.vector_load %arg8[%get3A_221] {strides = array<i32>} : memref<12288xf32, #tpu.memory_space<vmem>>, vector<16xf32>,
          %get3A_223 = vector.shape_cast %get3A_222 : vector<16xf32> to vector<16xf32>
          %add3A_224 = arith.addf %get3A_223, %while3A_151#3 : vector<16xf32>
          %swap3A_225 = arith.index_cast %add3A_220 : i32 to index
          %swap3A_226 = tpu.vector_load %arg8[%swap3A_225] {strides = array<i32>} : memref<12288xf32, #tpu.memory_space<vmem>>, vector<16xf32>,
          %swap3A_227 = vector.shape_cast %swap3A_226 : vector<16xf32> to vector<16xf32>
          %swap3A_228 = vector.shape_cast %add3A_224 : vector<16xf32> to vector<16xf32>
          tpu.vector_store %arg8[%swap3A_225], %swap3A_228 {strides = array<i32>} : memref<12288xf32, #tpu.memory_space<vmem>>, vector<16xf32>,
          %add3A_229 = arith.constant 128 : i32
          %add3A_230 = arith.addi %mul3A_153, %add3A_229 : i32
          %add3A_231 = arith.constant 48 : i32
          %add3A_232 = arith.addi %add3A_230, %add3A_231 : i32
          %get3A_233 = arith.index_cast %add3A_232 : i32 to index
          %get3A_234 = tpu.vector_load %arg8[%get3A_233] {strides = array<i32>} : memref<12288xf32, #tpu.memory_space<vmem>>, vector<16xf32>,
          %get3A_235 = vector.shape_cast %get3A_234 : vector<16xf32> to vector<16xf32>
          %max3A_236 = arith.maximumf %get3A_235, %while3A_151#11 : vector<16xf32>
          %swap3A_237 = arith.index_cast %add3A_232 : i32 to index
          %swap3A_238 = tpu.vector_load %arg8[%swap3A_237] {strides = array<i32>} : memref<12288xf32, #tpu.memory_space<vmem>>, vector<16xf32>,
          %swap3A_239 = vector.shape_cast %swap3A_238 : vector<16xf32> to vector<16xf32>
          %swap3A_240 = vector.shape_cast %max3A_236 : vector<16xf32> to vector<16xf32>
          tpu.vector_store %arg8[%swap3A_237], %swap3A_240 {strides = array<i32>} : memref<12288xf32, #tpu.memory_space<vmem>>, vector<16xf32>,
          %add3A_241 = arith.constant 64 : i32
          %add3A_242 = arith.addi %mul3A_153, %add3A_241 : i32
          %get3A_243 = arith.index_cast %add3A_242 : i32 to index
          %get3A_244 = tpu.vector_load %arg8[%get3A_243] {strides = array<i32>} : memref<12288xf32, #tpu.memory_space<vmem>>, vector<16xf32>,
          %get3A_245 = vector.shape_cast %get3A_244 : vector<16xf32> to vector<16xf32>
          %add3A_246 = arith.addf %get3A_245, %while3A_151#4 : vector<16xf32>
          %swap3A_247 = arith.index_cast %add3A_242 : i32 to index
          %swap3A_248 = tpu.vector_load %arg8[%swap3A_247] {strides = array<i32>} : memref<12288xf32, #tpu.memory_space<vmem>>, vector<16xf32>,
          %swap3A_249 = vector.shape_cast %swap3A_248 : vector<16xf32> to vector<16xf32>
          %swap3A_250 = vector.shape_cast %add3A_246 : vector<16xf32> to vector<16xf32>
          tpu.vector_store %arg8[%swap3A_247], %swap3A_250 {strides = array<i32>} : memref<12288xf32, #tpu.memory_space<vmem>>, vector<16xf32>,
          %add3A_251 = arith.constant 128 : i32
          %add3A_252 = arith.addi %mul3A_153, %add3A_251 : i32
          %add3A_253 = arith.constant 64 : i32
          %add3A_254 = arith.addi %add3A_252, %add3A_253 : i32
          %get3A_255 = arith.index_cast %add3A_254 : i32 to index
          %get3A_256 = tpu.vector_load %arg8[%get3A_255] {strides = array<i32>} : memref<12288xf32, #tpu.memory_space<vmem>>, vector<16xf32>,
          %get3A_257 = vector.shape_cast %get3A_256 : vector<16xf32> to vector<16xf32>
          %max3A_258 = arith.maximumf %get3A_257, %while3A_151#12 : vector<16xf32>
          %swap3A_259 = arith.index_cast %add3A_254 : i32 to index
          %swap3A_260 = tpu.vector_load %arg8[%swap3A_259] {strides = array<i32>} : memref<12288xf32, #tpu.memory_space<vmem>>, vector<16xf32>,
          %swap3A_261 = vector.shape_cast %swap3A_260 : vector<16xf32> to vector<16xf32>
          %swap3A_262 = vector.shape_cast %max3A_258 : vector<16xf32> to vector<16xf32>
          tpu.vector_store %arg8[%swap3A_259], %swap3A_262 {strides = array<i32>} : memref<12288xf32, #tpu.memory_space<vmem>>, vector<16xf32>,
          %add3A_263 = arith.constant 80 : i32
          %add3A_264 = arith.addi %mul3A_153, %add3A_263 : i32
          %get3A_265 = arith.index_cast %add3A_264 : i32 to index
          %get3A_266 = tpu.vector_load %arg8[%get3A_265] {strides = array<i32>} : memref<12288xf32, #tpu.memory_space<vmem>>, vector<16xf32>,
          %get3A_267 = vector.shape_cast %get3A_266 : vector<16xf32> to vector<16xf32>
          %add3A_268 = arith.addf %get3A_267, %while3A_151#5 : vector<16xf32>
          %swap3A_269 = arith.index_cast %add3A_264 : i32 to index
          %swap3A_270 = tpu.vector_load %arg8[%swap3A_269] {strides = array<i32>} : memref<12288xf32, #tpu.memory_space<vmem>>, vector<16xf32>,
          %swap3A_271 = vector.shape_cast %swap3A_270 : vector<16xf32> to vector<16xf32>
          %swap3A_272 = vector.shape_cast %add3A_268 : vector<16xf32> to vector<16xf32>
          tpu.vector_store %arg8[%swap3A_269], %swap3A_272 {strides = array<i32>} : memref<12288xf32, #tpu.memory_space<vmem>>, vector<16xf32>,
          %add3A_273 = arith.constant 128 : i32
          %add3A_274 = arith.addi %mul3A_153, %add3A_273 : i32
          %add3A_275 = arith.constant 80 : i32
          %add3A_276 = arith.addi %add3A_274, %add3A_275 : i32
          %get3A_277 = arith.index_cast %add3A_276 : i32 to index
          %get3A_278 = tpu.vector_load %arg8[%get3A_277] {strides = array<i32>} : memref<12288xf32, #tpu.memory_space<vmem>>, vector<16xf32>,
          %get3A_279 = vector.shape_cast %get3A_278 : vector<16xf32> to vector<16xf32>
          %max3A_280 = arith.maximumf %get3A_279, %while3A_151#13 : vector<16xf32>
          %swap3A_281 = arith.index_cast %add3A_276 : i32 to index
          %swap3A_282 = tpu.vector_load %arg8[%swap3A_281] {strides = array<i32>} : memref<12288xf32, #tpu.memory_space<vmem>>, vector<16xf32>,
          %swap3A_283 = vector.shape_cast %swap3A_282 : vector<16xf32> to vector<16xf32>
          %swap3A_284 = vector.shape_cast %max3A_280 : vector<16xf32> to vector<16xf32>
          tpu.vector_store %arg8[%swap3A_281], %swap3A_284 {strides = array<i32>} : memref<12288xf32, #tpu.memory_space<vmem>>, vector<16xf32>,
          %add3A_285 = arith.constant 96 : i32
          %add3A_286 = arith.addi %mul3A_153, %add3A_285 : i32
          %get3A_287 = arith.index_cast %add3A_286 : i32 to index
          %get3A_288 = tpu.vector_load %arg8[%get3A_287] {strides = array<i32>} : memref<12288xf32, #tpu.memory_space<vmem>>, vector<16xf32>,
          %get3A_289 = vector.shape_cast %get3A_288 : vector<16xf32> to vector<16xf32>
          %add3A_290 = arith.addf %get3A_289, %while3A_151#6 : vector<16xf32>
          %swap3A_291 = arith.index_cast %add3A_286 : i32 to index
          %swap3A_292 = tpu.vector_load %arg8[%swap3A_291] {strides = array<i32>} : memref<12288xf32, #tpu.memory_space<vmem>>, vector<16xf32>,
          %swap3A_293 = vector.shape_cast %swap3A_292 : vector<16xf32> to vector<16xf32>
          %swap3A_294 = vector.shape_cast %add3A_290 : vector<16xf32> to vector<16xf32>
          tpu.vector_store %arg8[%swap3A_291], %swap3A_294 {strides = array<i32>} : memref<12288xf32, #tpu.memory_space<vmem>>, vector<16xf32>,
          %add3A_295 = arith.constant 128 : i32
          %add3A_296 = arith.addi %mul3A_153, %add3A_295 : i32
          %add3A_297 = arith.constant 96 : i32
          %add3A_298 = arith.addi %add3A_296, %add3A_297 : i32
          %get3A_299 = arith.index_cast %add3A_298 : i32 to index
          %get3A_300 = tpu.vector_load %arg8[%get3A_299] {strides = array<i32>} : memref<12288xf32, #tpu.memory_space<vmem>>, vector<16xf32>,
          %get3A_301 = vector.shape_cast %get3A_300 : vector<16xf32> to vector<16xf32>
          %max3A_302 = arith.maximumf %get3A_301, %while3A_151#14 : vector<16xf32>
          %swap3A_303 = arith.index_cast %add3A_298 : i32 to index
          %swap3A_304 = tpu.vector_load %arg8[%swap3A_303] {strides = array<i32>} : memref<12288xf32, #tpu.memory_space<vmem>>, vector<16xf32>,
          %swap3A_305 = vector.shape_cast %swap3A_304 : vector<16xf32> to vector<16xf32>
          %swap3A_306 = vector.shape_cast %max3A_302 : vector<16xf32> to vector<16xf32>
          tpu.vector_store %arg8[%swap3A_303], %swap3A_306 {strides = array<i32>} : memref<12288xf32, #tpu.memory_space<vmem>>, vector<16xf32>,
          %add3A_307 = arith.constant 112 : i32
          %add3A_308 = arith.addi %mul3A_153, %add3A_307 : i32
          %get3A_309 = arith.index_cast %add3A_308 : i32 to index
          %get3A_310 = tpu.vector_load %arg8[%get3A_309] {strides = array<i32>} : memref<12288xf32, #tpu.memory_space<vmem>>, vector<16xf32>,
          %get3A_311 = vector.shape_cast %get3A_310 : vector<16xf32> to vector<16xf32>
          %add3A_312 = arith.addf %get3A_311, %while3A_151#7 : vector<16xf32>
          %swap3A_313 = arith.index_cast %add3A_308 : i32 to index
          %swap3A_314 = tpu.vector_load %arg8[%swap3A_313] {strides = array<i32>} : memref<12288xf32, #tpu.memory_space<vmem>>, vector<16xf32>,
          %swap3A_315 = vector.shape_cast %swap3A_314 : vector<16xf32> to vector<16xf32>
          %swap3A_316 = vector.shape_cast %add3A_312 : vector<16xf32> to vector<16xf32>
          tpu.vector_store %arg8[%swap3A_313], %swap3A_316 {strides = array<i32>} : memref<12288xf32, #tpu.memory_space<vmem>>, vector<16xf32>,
          %add3A_317 = arith.constant 128 : i32
          %add3A_318 = arith.addi %mul3A_153, %add3A_317 : i32
          %add3A_319 = arith.constant 112 : i32
          %add3A_320 = arith.addi %add3A_318, %add3A_319 : i32
          %get3A_321 = arith.index_cast %add3A_320 : i32 to index
          %get3A_322 = tpu.vector_load %arg8[%get3A_321] {strides = array<i32>} : memref<12288xf32, #tpu.memory_space<vmem>>, vector<16xf32>,
          %get3A_323 = vector.shape_cast %get3A_322 : vector<16xf32> to vector<16xf32>
          %max3A_324 = arith.maximumf %get3A_323, %while3A_151#15 : vector<16xf32>
          %swap3A_325 = arith.index_cast %add3A_320 : i32 to index
          %swap3A_326 = tpu.vector_load %arg8[%swap3A_325] {strides = array<i32>} : memref<12288xf32, #tpu.memory_space<vmem>>, vector<16xf32>,
          %swap3A_327 = vector.shape_cast %swap3A_326 : vector<16xf32> to vector<16xf32>
          %swap3A_328 = vector.shape_cast %max3A_324 : vector<16xf32> to vector<16xf32>
          tpu.vector_store %arg8[%swap3A_325], %swap3A_328 {strides = array<i32>} : memref<12288xf32, #tpu.memory_space<vmem>>, vector<16xf32>,
        } else {
        }
        %scan3A_141 = arith.constant 0 : i32
        scf.yield %scan3A_141 : i32
      }
      %scan3A_113 = arith.constant 32 : i32
      %lt3A_114 = arith.cmpi slt, %add3A_93, %select_n3A : i32
      %convert_element_type3A_115 = arith.extui %lt3A_114 : i1 to i32
      %cond3A_116 = arith.constant 0 : i32
      %cond3A_117 = arith.cmpi ne, %convert_element_type3A_115, %cond3A_116 : i32
      scf.if %cond3A_117 {
        %add3A_119 = arith.constant 1 : i32
        %add3A_120 = arith.addi %add3A_93, %add3A_119 : i32
        %lt3A_121 = arith.cmpi slt, %add3A_120, %select_n3A : i32
        %convert_element_type3A_122 = arith.extui %lt3A_121 : i1 to i32
        %cond3A_123 = arith.constant 0 : i32
        %cond3A_124 = arith.cmpi ne, %convert_element_type3A_122, %cond3A_123 : i32
        scf.if %cond3A_124 {
          %add3A_144 = arith.constant 1 : i32
          %add3A_145 = arith.addi %add3A_93, %add3A_144 : i32
          %mul3A_146 = arith.constant 256 : i32
          %mul3A_147 = arith.muli %add3A_145, %mul3A_146 : i32
          %add3A_148 = arith.addi %squeeze3A, %mul3A_147 : i32
          %min3A_149 = arith.constant 99744 : i32
          %min3A_150 = arith.minsi %add3A_148, %min3A_149 : i32
          %mul3A_151 = arith.constant 128 : i32
          %mul3A_152 = arith.muli %min3A_150, %mul3A_151 : i32
          %dma_start3A = tpu.memref_slice %arg2[%mul3A_152] : memref<12800000xf32, #tpu.memory_space<hbm>> -> memref<32768xf32, #tpu.memory_space<hbm>>
          %dma_start3A_153 = tpu.memref_slice %arg2[%mul3A_152] : memref<12800000xf32, #tpu.memory_space<hbm>> -> memref<32768xf32, #tpu.memory_space<hbm>>
          tpu.enqueue_dma source(%dma_start3A_153 : memref<32768xf32, #tpu.memory_space<hbm>>) target(%arg6 : memref<32768xf32, #tpu.memory_space<vmem>>) target_semaphore(%arg11 : memref<!tpu.dma_semaphore, #tpu.memory_space<semaphore_mem>>)
        } else {
        }
        %dma_wait3A_125 = arith.constant 0 : i32
        %dma_wait3A_126 = tpu.memref_slice %arg2[%dma_wait3A_125] : memref<12800000xf32, #tpu.memory_space<hbm>> -> memref<32768xf32, #tpu.memory_space<hbm>>
        %dma_wait3A_127 = arith.constant 0 : i32
        %dma_wait3A_128 = tpu.memref_slice %arg2[%dma_wait3A_127] : memref<12800000xf32, #tpu.memory_space<hbm>> -> memref<32768xf32, #tpu.memory_space<hbm>>
        tpu.wait_dma2 semaphore(%arg12 : memref<!tpu.dma_semaphore, #tpu.memory_space<semaphore_mem>>) src(%dma_wait3A_128 : memref<32768xf32, #tpu.memory_space<hbm>>) dst(%arg7 : memref<32768xf32, #tpu.memory_space<vmem>>)
        %mul3A_129 = arith.constant 256 : i32
        %mul3A_130 = arith.muli %add3A_93, %mul3A_129 : i32
        %add3A_131 = arith.addi %squeeze3A, %mul3A_130 : i32
        %add3A_132 = arith.constant 256 : i32
        %add3A_133 = arith.addi %add3A_131, %add3A_132 : i32
        %min3A_134 = arith.minsi %add3A_133, %squeeze3A_18 : i32
        %min3A_135 = arith.constant 99744 : i32
        %min3A_136 = arith.minsi %add3A_131, %min3A_135 : i32
        %scan3A_137 = arith.constant 0 : i32
        %scan3A_138 = arith.constant 0 : i32
        %scan3A_139 = arith.constant 32 : i32
        %scan3A_140 = arith.addi %scan3A_138, %scan3A_139 : i32
        %scan3A_141 = arith.constant 1 : i32
        %scan3A_142 = scf.for %scan3A_144 = %scan3A_138 to %scan3A_140 step %scan3A_141 iter_args(%scan3A_145 = %scan3A_137) -> (i32)  : i32 {
          %get3A_146 = arith.index_cast %scan3A_144 : i32 to index
          %get3A_147 = tpu.vector_load %arg9[%get3A_146] {strides = array<i32>} : memref<48xi32, #tpu.memory_space<vmem>>, vector<16xi32>,
          %get3A_148 = vector.shape_cast %get3A_147 : vector<16xi32> to vector<16xi32>
          %slice3A_149 = vector.extract_strided_slice %get3A_148 {offsets = [0], sizes = [1], strides = [1]} : vector<16xi32> to vector<1xi32>
          %squeeze3A_150 = vector.extract %slice3A_149[0] : i32 from vector<1xi32>
          %add3A_151 = arith.constant 1 : i32
          %add3A_152 = arith.addi %scan3A_144, %add3A_151 : i32
          %get3A_153 = arith.index_cast %add3A_152 : i32 to index
          %get3A_154 = tpu.vector_load %arg9[%get3A_153] {strides = array<i32>} : memref<48xi32, #tpu.memory_space<vmem>>, vector<16xi32>,
          %get3A_155 = vector.shape_cast %get3A_154 : vector<16xi32> to vector<16xi32>
          %slice3A_156 = vector.extract_strided_slice %get3A_155 {offsets = [0], sizes = [1], strides = [1]} : vector<16xi32> to vector<1xi32>
          %squeeze3A_157 = vector.extract %slice3A_156[0] : i32 from vector<1xi32>
          %max3A = arith.maxsi %squeeze3A_150, %add3A_131 : i32
          %min3A_158 = arith.minsi %squeeze3A_157, %min3A_134 : i32
          %max3A_159 = arith.maxsi %max3A, %min3A_158 : i32
          %sub3A_160 = arith.subi %max3A, %min3A_136 : i32
          %sub3A_161 = arith.subi %max3A_159, %min3A_136 : i32
          %gt3A_162 = arith.cmpi sgt, %sub3A_161, %sub3A_160 : i32
          %convert_element_type3A_163 = arith.extui %gt3A_162 : i1 to i32
          %cond3A_164 = arith.constant 0 : i32
          %cond3A_165 = arith.cmpi ne, %convert_element_type3A_163, %cond3A_164 : i32
          scf.if %cond3A_165 {
            %while3A_167 = arith.subi %sub3A_161, %sub3A_160 : i32
            %while3A_168 = arith.addi %sub3A_160, %while3A_167 : i32
            %while3A_169 = arith.constant 1 : i32
            %while3A_170 = arith.divsi %while3A_167, %while3A_169 : i32
            %while3A_171 = arith.muli %while3A_170, %while3A_169 : i32
            %while3A_172 = arith.addi %sub3A_160, %while3A_171 : i32
            %while3A_173 = arith.constant 1 : i32
            %while3A_174:16 = scf.for %while3A_354 = %sub3A_160 to %while3A_172 step %while3A_173 iter_args(%while3A_355 = %broadcast_in_dim3A_3, %while3A_356 = %broadcast_in_dim3A_3, %while3A_357 = %broadcast_in_dim3A_3, %while3A_358 = %broadcast_in_dim3A_3, %while3A_359 = %broadcast_in_dim3A_3, %while3A_360 = %broadcast_in_dim3A_3, %while3A_361 = %broadcast_in_dim3A_3, %while3A_362 = %broadcast_in_dim3A_3, %while3A_363 = %broadcast_in_dim3A_5, %while3A_364 = %broadcast_in_dim3A_5, %while3A_365 = %broadcast_in_dim3A_5, %while3A_366 = %broadcast_in_dim3A_5, %while3A_367 = %broadcast_in_dim3A_5, %while3A_368 = %broadcast_in_dim3A_5, %while3A_369 = %broadcast_in_dim3A_5, %while3A_370 = %broadcast_in_dim3A_5) -> (vector<16xf32>, vector<16xf32>, vector<16xf32>, vector<16xf32>, vector<16xf32>, vector<16xf32>, vector<16xf32>, vector<16xf32>, vector<16xf32>, vector<16xf32>, vector<16xf32>, vector<16xf32>, vector<16xf32>, vector<16xf32>, vector<16xf32>, vector<16xf32>)  : i32 {
              %mul3A_371 = arith.constant 128 : i32
              %mul3A_372 = arith.muli %while3A_354, %mul3A_371 : i32
              %add3A_373 = arith.constant 0 : i32
              %add3A_374 = arith.addi %mul3A_372, %add3A_373 : i32
              %get3A_375 = arith.index_cast %add3A_374 : i32 to index
              %get3A_376 = tpu.vector_load %arg7[%get3A_375] {strides = array<i32>} : memref<32768xf32, #tpu.memory_space<vmem>>, vector<16xf32>,
              %get3A_377 = vector.shape_cast %get3A_376 : vector<16xf32> to vector<16xf32>
              %add3A_378 = arith.addf %while3A_355, %get3A_377 : vector<16xf32>
              %max3A_379 = arith.maximumf %while3A_363, %get3A_377 : vector<16xf32>
              %mul3A_380 = arith.constant 128 : i32
              %mul3A_381 = arith.muli %while3A_354, %mul3A_380 : i32
              %add3A_382 = arith.constant 16 : i32
              %add3A_383 = arith.addi %mul3A_381, %add3A_382 : i32
              %get3A_384 = arith.index_cast %add3A_383 : i32 to index
              %get3A_385 = tpu.vector_load %arg7[%get3A_384] {strides = array<i32>} : memref<32768xf32, #tpu.memory_space<vmem>>, vector<16xf32>,
              %get3A_386 = vector.shape_cast %get3A_385 : vector<16xf32> to vector<16xf32>
              %add3A_387 = arith.addf %while3A_356, %get3A_386 : vector<16xf32>
              %max3A_388 = arith.maximumf %while3A_364, %get3A_386 : vector<16xf32>
              %mul3A_389 = arith.constant 128 : i32
              %mul3A_390 = arith.muli %while3A_354, %mul3A_389 : i32
              %add3A_391 = arith.constant 32 : i32
              %add3A_392 = arith.addi %mul3A_390, %add3A_391 : i32
              %get3A_393 = arith.index_cast %add3A_392 : i32 to index
              %get3A_394 = tpu.vector_load %arg7[%get3A_393] {strides = array<i32>} : memref<32768xf32, #tpu.memory_space<vmem>>, vector<16xf32>,
              %get3A_395 = vector.shape_cast %get3A_394 : vector<16xf32> to vector<16xf32>
              %add3A_396 = arith.addf %while3A_357, %get3A_395 : vector<16xf32>
              %max3A_397 = arith.maximumf %while3A_365, %get3A_395 : vector<16xf32>
              %mul3A_398 = arith.constant 128 : i32
              %mul3A_399 = arith.muli %while3A_354, %mul3A_398 : i32
              %add3A_400 = arith.constant 48 : i32
              %add3A_401 = arith.addi %mul3A_399, %add3A_400 : i32
              %get3A_402 = arith.index_cast %add3A_401 : i32 to index
              %get3A_403 = tpu.vector_load %arg7[%get3A_402] {strides = array<i32>} : memref<32768xf32, #tpu.memory_space<vmem>>, vector<16xf32>,
              %get3A_404 = vector.shape_cast %get3A_403 : vector<16xf32> to vector<16xf32>
              %add3A_405 = arith.addf %while3A_358, %get3A_404 : vector<16xf32>
              %max3A_406 = arith.maximumf %while3A_366, %get3A_404 : vector<16xf32>
              %mul3A_407 = arith.constant 128 : i32
              %mul3A_408 = arith.muli %while3A_354, %mul3A_407 : i32
              %add3A_409 = arith.constant 64 : i32
              %add3A_410 = arith.addi %mul3A_408, %add3A_409 : i32
              %get3A_411 = arith.index_cast %add3A_410 : i32 to index
              %get3A_412 = tpu.vector_load %arg7[%get3A_411] {strides = array<i32>} : memref<32768xf32, #tpu.memory_space<vmem>>, vector<16xf32>,
              %get3A_413 = vector.shape_cast %get3A_412 : vector<16xf32> to vector<16xf32>
              %add3A_414 = arith.addf %while3A_359, %get3A_413 : vector<16xf32>
              %max3A_415 = arith.maximumf %while3A_367, %get3A_413 : vector<16xf32>
              %mul3A_416 = arith.constant 128 : i32
              %mul3A_417 = arith.muli %while3A_354, %mul3A_416 : i32
              %add3A_418 = arith.constant 80 : i32
              %add3A_419 = arith.addi %mul3A_417, %add3A_418 : i32
              %get3A_420 = arith.index_cast %add3A_419 : i32 to index
              %get3A_421 = tpu.vector_load %arg7[%get3A_420] {strides = array<i32>} : memref<32768xf32, #tpu.memory_space<vmem>>, vector<16xf32>,
              %get3A_422 = vector.shape_cast %get3A_421 : vector<16xf32> to vector<16xf32>
              %add3A_423 = arith.addf %while3A_360, %get3A_422 : vector<16xf32>
              %max3A_424 = arith.maximumf %while3A_368, %get3A_422 : vector<16xf32>
              %mul3A_425 = arith.constant 128 : i32
              %mul3A_426 = arith.muli %while3A_354, %mul3A_425 : i32
              %add3A_427 = arith.constant 96 : i32
              %add3A_428 = arith.addi %mul3A_426, %add3A_427 : i32
              %get3A_429 = arith.index_cast %add3A_428 : i32 to index
              %get3A_430 = tpu.vector_load %arg7[%get3A_429] {strides = array<i32>} : memref<32768xf32, #tpu.memory_space<vmem>>, vector<16xf32>,
              %get3A_431 = vector.shape_cast %get3A_430 : vector<16xf32> to vector<16xf32>
              %add3A_432 = arith.addf %while3A_361, %get3A_431 : vector<16xf32>
              %max3A_433 = arith.maximumf %while3A_369, %get3A_431 : vector<16xf32>
              %mul3A_434 = arith.constant 128 : i32
              %mul3A_435 = arith.muli %while3A_354, %mul3A_434 : i32
              %add3A_436 = arith.constant 112 : i32
              %add3A_437 = arith.addi %mul3A_435, %add3A_436 : i32
              %get3A_438 = arith.index_cast %add3A_437 : i32 to index
              %get3A_439 = tpu.vector_load %arg7[%get3A_438] {strides = array<i32>} : memref<32768xf32, #tpu.memory_space<vmem>>, vector<16xf32>,
              %get3A_440 = vector.shape_cast %get3A_439 : vector<16xf32> to vector<16xf32>
              %add3A_441 = arith.addf %while3A_362, %get3A_440 : vector<16xf32>
              %max3A_442 = arith.maximumf %while3A_370, %get3A_440 : vector<16xf32>
              scf.yield %add3A_378, %add3A_387, %add3A_396, %add3A_405, %add3A_414, %add3A_423, %add3A_432, %add3A_441, %max3A_379, %max3A_388, %max3A_397, %max3A_406, %max3A_415, %max3A_424, %max3A_433, %max3A_442 : vector<16xf32>, vector<16xf32>, vector<16xf32>, vector<16xf32>, vector<16xf32>, vector<16xf32>, vector<16xf32>, vector<16xf32>, vector<16xf32>, vector<16xf32>, vector<16xf32>, vector<16xf32>, vector<16xf32>, vector<16xf32>, vector<16xf32>, vector<16xf32>
            }
            %while3A_175 = arith.constant 1 : i32
            %while3A_176:16 = scf.for %while3A_354 = %while3A_172 to %while3A_168 step %while3A_175 iter_args(%while3A_355 = %while3A_174#0, %while3A_356 = %while3A_174#1, %while3A_357 = %while3A_174#2, %while3A_358 = %while3A_174#3, %while3A_359 = %while3A_174#4, %while3A_360 = %while3A_174#5, %while3A_361 = %while3A_174#6, %while3A_362 = %while3A_174#7, %while3A_363 = %while3A_174#8, %while3A_364 = %while3A_174#9, %while3A_365 = %while3A_174#10, %while3A_366 = %while3A_174#11, %while3A_367 = %while3A_174#12, %while3A_368 = %while3A_174#13, %while3A_369 = %while3A_174#14, %while3A_370 = %while3A_174#15) -> (vector<16xf32>, vector<16xf32>, vector<16xf32>, vector<16xf32>, vector<16xf32>, vector<16xf32>, vector<16xf32>, vector<16xf32>, vector<16xf32>, vector<16xf32>, vector<16xf32>, vector<16xf32>, vector<16xf32>, vector<16xf32>, vector<16xf32>, vector<16xf32>)  : i32 {
              %mul3A_371 = arith.constant 128 : i32
              %mul3A_372 = arith.muli %while3A_354, %mul3A_371 : i32
              %add3A_373 = arith.constant 0 : i32
              %add3A_374 = arith.addi %mul3A_372, %add3A_373 : i32
              %get3A_375 = arith.index_cast %add3A_374 : i32 to index
              %get3A_376 = tpu.vector_load %arg7[%get3A_375] {strides = array<i32>} : memref<32768xf32, #tpu.memory_space<vmem>>, vector<16xf32>,
              %get3A_377 = vector.shape_cast %get3A_376 : vector<16xf32> to vector<16xf32>
              %add3A_378 = arith.addf %while3A_355, %get3A_377 : vector<16xf32>
              %max3A_379 = arith.maximumf %while3A_363, %get3A_377 : vector<16xf32>
              %mul3A_380 = arith.constant 128 : i32
              %mul3A_381 = arith.muli %while3A_354, %mul3A_380 : i32
              %add3A_382 = arith.constant 16 : i32
              %add3A_383 = arith.addi %mul3A_381, %add3A_382 : i32
              %get3A_384 = arith.index_cast %add3A_383 : i32 to index
              %get3A_385 = tpu.vector_load %arg7[%get3A_384] {strides = array<i32>} : memref<32768xf32, #tpu.memory_space<vmem>>, vector<16xf32>,
              %get3A_386 = vector.shape_cast %get3A_385 : vector<16xf32> to vector<16xf32>
              %add3A_387 = arith.addf %while3A_356, %get3A_386 : vector<16xf32>
              %max3A_388 = arith.maximumf %while3A_364, %get3A_386 : vector<16xf32>
              %mul3A_389 = arith.constant 128 : i32
              %mul3A_390 = arith.muli %while3A_354, %mul3A_389 : i32
              %add3A_391 = arith.constant 32 : i32
              %add3A_392 = arith.addi %mul3A_390, %add3A_391 : i32
              %get3A_393 = arith.index_cast %add3A_392 : i32 to index
              %get3A_394 = tpu.vector_load %arg7[%get3A_393] {strides = array<i32>} : memref<32768xf32, #tpu.memory_space<vmem>>, vector<16xf32>,
              %get3A_395 = vector.shape_cast %get3A_394 : vector<16xf32> to vector<16xf32>
              %add3A_396 = arith.addf %while3A_357, %get3A_395 : vector<16xf32>
              %max3A_397 = arith.maximumf %while3A_365, %get3A_395 : vector<16xf32>
              %mul3A_398 = arith.constant 128 : i32
              %mul3A_399 = arith.muli %while3A_354, %mul3A_398 : i32
              %add3A_400 = arith.constant 48 : i32
              %add3A_401 = arith.addi %mul3A_399, %add3A_400 : i32
              %get3A_402 = arith.index_cast %add3A_401 : i32 to index
              %get3A_403 = tpu.vector_load %arg7[%get3A_402] {strides = array<i32>} : memref<32768xf32, #tpu.memory_space<vmem>>, vector<16xf32>,
              %get3A_404 = vector.shape_cast %get3A_403 : vector<16xf32> to vector<16xf32>
              %add3A_405 = arith.addf %while3A_358, %get3A_404 : vector<16xf32>
              %max3A_406 = arith.maximumf %while3A_366, %get3A_404 : vector<16xf32>
              %mul3A_407 = arith.constant 128 : i32
              %mul3A_408 = arith.muli %while3A_354, %mul3A_407 : i32
              %add3A_409 = arith.constant 64 : i32
              %add3A_410 = arith.addi %mul3A_408, %add3A_409 : i32
              %get3A_411 = arith.index_cast %add3A_410 : i32 to index
              %get3A_412 = tpu.vector_load %arg7[%get3A_411] {strides = array<i32>} : memref<32768xf32, #tpu.memory_space<vmem>>, vector<16xf32>,
              %get3A_413 = vector.shape_cast %get3A_412 : vector<16xf32> to vector<16xf32>
              %add3A_414 = arith.addf %while3A_359, %get3A_413 : vector<16xf32>
              %max3A_415 = arith.maximumf %while3A_367, %get3A_413 : vector<16xf32>
              %mul3A_416 = arith.constant 128 : i32
              %mul3A_417 = arith.muli %while3A_354, %mul3A_416 : i32
              %add3A_418 = arith.constant 80 : i32
              %add3A_419 = arith.addi %mul3A_417, %add3A_418 : i32
              %get3A_420 = arith.index_cast %add3A_419 : i32 to index
              %get3A_421 = tpu.vector_load %arg7[%get3A_420] {strides = array<i32>} : memref<32768xf32, #tpu.memory_space<vmem>>, vector<16xf32>,
              %get3A_422 = vector.shape_cast %get3A_421 : vector<16xf32> to vector<16xf32>
              %add3A_423 = arith.addf %while3A_360, %get3A_422 : vector<16xf32>
              %max3A_424 = arith.maximumf %while3A_368, %get3A_422 : vector<16xf32>
              %mul3A_425 = arith.constant 128 : i32
              %mul3A_426 = arith.muli %while3A_354, %mul3A_425 : i32
              %add3A_427 = arith.constant 96 : i32
              %add3A_428 = arith.addi %mul3A_426, %add3A_427 : i32
              %get3A_429 = arith.index_cast %add3A_428 : i32 to index
              %get3A_430 = tpu.vector_load %arg7[%get3A_429] {strides = array<i32>} : memref<32768xf32, #tpu.memory_space<vmem>>, vector<16xf32>,
              %get3A_431 = vector.shape_cast %get3A_430 : vector<16xf32> to vector<16xf32>
              %add3A_432 = arith.addf %while3A_361, %get3A_431 : vector<16xf32>
              %max3A_433 = arith.maximumf %while3A_369, %get3A_431 : vector<16xf32>
              %mul3A_434 = arith.constant 128 : i32
              %mul3A_435 = arith.muli %while3A_354, %mul3A_434 : i32
              %add3A_436 = arith.constant 112 : i32
              %add3A_437 = arith.addi %mul3A_435, %add3A_436 : i32
              %get3A_438 = arith.index_cast %add3A_437 : i32 to index
              %get3A_439 = tpu.vector_load %arg7[%get3A_438] {strides = array<i32>} : memref<32768xf32, #tpu.memory_space<vmem>>, vector<16xf32>,
              %get3A_440 = vector.shape_cast %get3A_439 : vector<16xf32> to vector<16xf32>
              %add3A_441 = arith.addf %while3A_362, %get3A_440 : vector<16xf32>
              %max3A_442 = arith.maximumf %while3A_370, %get3A_440 : vector<16xf32>
              scf.yield %add3A_378, %add3A_387, %add3A_396, %add3A_405, %add3A_414, %add3A_423, %add3A_432, %add3A_441, %max3A_379, %max3A_388, %max3A_397, %max3A_406, %max3A_415, %max3A_424, %max3A_433, %max3A_442 : vector<16xf32>, vector<16xf32>, vector<16xf32>, vector<16xf32>, vector<16xf32>, vector<16xf32>, vector<16xf32>, vector<16xf32>, vector<16xf32>, vector<16xf32>, vector<16xf32>, vector<16xf32>, vector<16xf32>, vector<16xf32>, vector<16xf32>, vector<16xf32>
            }
            %mul3A_177 = arith.constant 384 : i32
            %mul3A_178 = arith.muli %scan3A_144, %mul3A_177 : i32
            %add3A_179 = arith.constant 0 : i32
            %add3A_180 = arith.addi %mul3A_178, %add3A_179 : i32
            %get3A_181 = arith.index_cast %add3A_180 : i32 to index
            %get3A_182 = tpu.vector_load %arg8[%get3A_181] {strides = array<i32>} : memref<12288xf32, #tpu.memory_space<vmem>>, vector<16xf32>,
            %get3A_183 = vector.shape_cast %get3A_182 : vector<16xf32> to vector<16xf32>
            %add3A_184 = arith.addf %get3A_183, %while3A_176#0 : vector<16xf32>
            %swap3A = arith.index_cast %add3A_180 : i32 to index
            %swap3A_185 = tpu.vector_load %arg8[%swap3A] {strides = array<i32>} : memref<12288xf32, #tpu.memory_space<vmem>>, vector<16xf32>,
            %swap3A_186 = vector.shape_cast %swap3A_185 : vector<16xf32> to vector<16xf32>
            %swap3A_187 = vector.shape_cast %add3A_184 : vector<16xf32> to vector<16xf32>
            tpu.vector_store %arg8[%swap3A], %swap3A_187 {strides = array<i32>} : memref<12288xf32, #tpu.memory_space<vmem>>, vector<16xf32>,
            %add3A_188 = arith.constant 128 : i32
            %add3A_189 = arith.addi %mul3A_178, %add3A_188 : i32
            %add3A_190 = arith.constant 0 : i32
            %add3A_191 = arith.addi %add3A_189, %add3A_190 : i32
            %get3A_192 = arith.index_cast %add3A_191 : i32 to index
            %get3A_193 = tpu.vector_load %arg8[%get3A_192] {strides = array<i32>} : memref<12288xf32, #tpu.memory_space<vmem>>, vector<16xf32>,
            %get3A_194 = vector.shape_cast %get3A_193 : vector<16xf32> to vector<16xf32>
            %max3A_195 = arith.maximumf %get3A_194, %while3A_176#8 : vector<16xf32>
            %swap3A_196 = arith.index_cast %add3A_191 : i32 to index
            %swap3A_197 = tpu.vector_load %arg8[%swap3A_196] {strides = array<i32>} : memref<12288xf32, #tpu.memory_space<vmem>>, vector<16xf32>,
            %swap3A_198 = vector.shape_cast %swap3A_197 : vector<16xf32> to vector<16xf32>
            %swap3A_199 = vector.shape_cast %max3A_195 : vector<16xf32> to vector<16xf32>
            tpu.vector_store %arg8[%swap3A_196], %swap3A_199 {strides = array<i32>} : memref<12288xf32, #tpu.memory_space<vmem>>, vector<16xf32>,
            %add3A_200 = arith.constant 16 : i32
            %add3A_201 = arith.addi %mul3A_178, %add3A_200 : i32
            %get3A_202 = arith.index_cast %add3A_201 : i32 to index
            %get3A_203 = tpu.vector_load %arg8[%get3A_202] {strides = array<i32>} : memref<12288xf32, #tpu.memory_space<vmem>>, vector<16xf32>,
            %get3A_204 = vector.shape_cast %get3A_203 : vector<16xf32> to vector<16xf32>
            %add3A_205 = arith.addf %get3A_204, %while3A_176#1 : vector<16xf32>
            %swap3A_206 = arith.index_cast %add3A_201 : i32 to index
            %swap3A_207 = tpu.vector_load %arg8[%swap3A_206] {strides = array<i32>} : memref<12288xf32, #tpu.memory_space<vmem>>, vector<16xf32>,
            %swap3A_208 = vector.shape_cast %swap3A_207 : vector<16xf32> to vector<16xf32>
            %swap3A_209 = vector.shape_cast %add3A_205 : vector<16xf32> to vector<16xf32>
            tpu.vector_store %arg8[%swap3A_206], %swap3A_209 {strides = array<i32>} : memref<12288xf32, #tpu.memory_space<vmem>>, vector<16xf32>,
            %add3A_210 = arith.constant 128 : i32
            %add3A_211 = arith.addi %mul3A_178, %add3A_210 : i32
            %add3A_212 = arith.constant 16 : i32
            %add3A_213 = arith.addi %add3A_211, %add3A_212 : i32
            %get3A_214 = arith.index_cast %add3A_213 : i32 to index
            %get3A_215 = tpu.vector_load %arg8[%get3A_214] {strides = array<i32>} : memref<12288xf32, #tpu.memory_space<vmem>>, vector<16xf32>,
            %get3A_216 = vector.shape_cast %get3A_215 : vector<16xf32> to vector<16xf32>
            %max3A_217 = arith.maximumf %get3A_216, %while3A_176#9 : vector<16xf32>
            %swap3A_218 = arith.index_cast %add3A_213 : i32 to index
            %swap3A_219 = tpu.vector_load %arg8[%swap3A_218] {strides = array<i32>} : memref<12288xf32, #tpu.memory_space<vmem>>, vector<16xf32>,
            %swap3A_220 = vector.shape_cast %swap3A_219 : vector<16xf32> to vector<16xf32>
            %swap3A_221 = vector.shape_cast %max3A_217 : vector<16xf32> to vector<16xf32>
            tpu.vector_store %arg8[%swap3A_218], %swap3A_221 {strides = array<i32>} : memref<12288xf32, #tpu.memory_space<vmem>>, vector<16xf32>,
            %add3A_222 = arith.constant 32 : i32
            %add3A_223 = arith.addi %mul3A_178, %add3A_222 : i32
            %get3A_224 = arith.index_cast %add3A_223 : i32 to index
            %get3A_225 = tpu.vector_load %arg8[%get3A_224] {strides = array<i32>} : memref<12288xf32, #tpu.memory_space<vmem>>, vector<16xf32>,
            %get3A_226 = vector.shape_cast %get3A_225 : vector<16xf32> to vector<16xf32>
            %add3A_227 = arith.addf %get3A_226, %while3A_176#2 : vector<16xf32>
            %swap3A_228 = arith.index_cast %add3A_223 : i32 to index
            %swap3A_229 = tpu.vector_load %arg8[%swap3A_228] {strides = array<i32>} : memref<12288xf32, #tpu.memory_space<vmem>>, vector<16xf32>,
            %swap3A_230 = vector.shape_cast %swap3A_229 : vector<16xf32> to vector<16xf32>
            %swap3A_231 = vector.shape_cast %add3A_227 : vector<16xf32> to vector<16xf32>
            tpu.vector_store %arg8[%swap3A_228], %swap3A_231 {strides = array<i32>} : memref<12288xf32, #tpu.memory_space<vmem>>, vector<16xf32>,
            %add3A_232 = arith.constant 128 : i32
            %add3A_233 = arith.addi %mul3A_178, %add3A_232 : i32
            %add3A_234 = arith.constant 32 : i32
            %add3A_235 = arith.addi %add3A_233, %add3A_234 : i32
            %get3A_236 = arith.index_cast %add3A_235 : i32 to index
            %get3A_237 = tpu.vector_load %arg8[%get3A_236] {strides = array<i32>} : memref<12288xf32, #tpu.memory_space<vmem>>, vector<16xf32>,
            %get3A_238 = vector.shape_cast %get3A_237 : vector<16xf32> to vector<16xf32>
            %max3A_239 = arith.maximumf %get3A_238, %while3A_176#10 : vector<16xf32>
            %swap3A_240 = arith.index_cast %add3A_235 : i32 to index
            %swap3A_241 = tpu.vector_load %arg8[%swap3A_240] {strides = array<i32>} : memref<12288xf32, #tpu.memory_space<vmem>>, vector<16xf32>,
            %swap3A_242 = vector.shape_cast %swap3A_241 : vector<16xf32> to vector<16xf32>
            %swap3A_243 = vector.shape_cast %max3A_239 : vector<16xf32> to vector<16xf32>
            tpu.vector_store %arg8[%swap3A_240], %swap3A_243 {strides = array<i32>} : memref<12288xf32, #tpu.memory_space<vmem>>, vector<16xf32>,
            %add3A_244 = arith.constant 48 : i32
            %add3A_245 = arith.addi %mul3A_178, %add3A_244 : i32
            %get3A_246 = arith.index_cast %add3A_245 : i32 to index
            %get3A_247 = tpu.vector_load %arg8[%get3A_246] {strides = array<i32>} : memref<12288xf32, #tpu.memory_space<vmem>>, vector<16xf32>,
            %get3A_248 = vector.shape_cast %get3A_247 : vector<16xf32> to vector<16xf32>
            %add3A_249 = arith.addf %get3A_248, %while3A_176#3 : vector<16xf32>
            %swap3A_250 = arith.index_cast %add3A_245 : i32 to index
            %swap3A_251 = tpu.vector_load %arg8[%swap3A_250] {strides = array<i32>} : memref<12288xf32, #tpu.memory_space<vmem>>, vector<16xf32>,
            %swap3A_252 = vector.shape_cast %swap3A_251 : vector<16xf32> to vector<16xf32>
            %swap3A_253 = vector.shape_cast %add3A_249 : vector<16xf32> to vector<16xf32>
            tpu.vector_store %arg8[%swap3A_250], %swap3A_253 {strides = array<i32>} : memref<12288xf32, #tpu.memory_space<vmem>>, vector<16xf32>,
            %add3A_254 = arith.constant 128 : i32
            %add3A_255 = arith.addi %mul3A_178, %add3A_254 : i32
            %add3A_256 = arith.constant 48 : i32
            %add3A_257 = arith.addi %add3A_255, %add3A_256 : i32
            %get3A_258 = arith.index_cast %add3A_257 : i32 to index
            %get3A_259 = tpu.vector_load %arg8[%get3A_258] {strides = array<i32>} : memref<12288xf32, #tpu.memory_space<vmem>>, vector<16xf32>,
            %get3A_260 = vector.shape_cast %get3A_259 : vector<16xf32> to vector<16xf32>
            %max3A_261 = arith.maximumf %get3A_260, %while3A_176#11 : vector<16xf32>
            %swap3A_262 = arith.index_cast %add3A_257 : i32 to index
            %swap3A_263 = tpu.vector_load %arg8[%swap3A_262] {strides = array<i32>} : memref<12288xf32, #tpu.memory_space<vmem>>, vector<16xf32>,
            %swap3A_264 = vector.shape_cast %swap3A_263 : vector<16xf32> to vector<16xf32>
            %swap3A_265 = vector.shape_cast %max3A_261 : vector<16xf32> to vector<16xf32>
            tpu.vector_store %arg8[%swap3A_262], %swap3A_265 {strides = array<i32>} : memref<12288xf32, #tpu.memory_space<vmem>>, vector<16xf32>,
            %add3A_266 = arith.constant 64 : i32
            %add3A_267 = arith.addi %mul3A_178, %add3A_266 : i32
            %get3A_268 = arith.index_cast %add3A_267 : i32 to index
            %get3A_269 = tpu.vector_load %arg8[%get3A_268] {strides = array<i32>} : memref<12288xf32, #tpu.memory_space<vmem>>, vector<16xf32>,
            %get3A_270 = vector.shape_cast %get3A_269 : vector<16xf32> to vector<16xf32>
            %add3A_271 = arith.addf %get3A_270, %while3A_176#4 : vector<16xf32>
            %swap3A_272 = arith.index_cast %add3A_267 : i32 to index
            %swap3A_273 = tpu.vector_load %arg8[%swap3A_272] {strides = array<i32>} : memref<12288xf32, #tpu.memory_space<vmem>>, vector<16xf32>,
            %swap3A_274 = vector.shape_cast %swap3A_273 : vector<16xf32> to vector<16xf32>
            %swap3A_275 = vector.shape_cast %add3A_271 : vector<16xf32> to vector<16xf32>
            tpu.vector_store %arg8[%swap3A_272], %swap3A_275 {strides = array<i32>} : memref<12288xf32, #tpu.memory_space<vmem>>, vector<16xf32>,
            %add3A_276 = arith.constant 128 : i32
            %add3A_277 = arith.addi %mul3A_178, %add3A_276 : i32
            %add3A_278 = arith.constant 64 : i32
            %add3A_279 = arith.addi %add3A_277, %add3A_278 : i32
            %get3A_280 = arith.index_cast %add3A_279 : i32 to index
            %get3A_281 = tpu.vector_load %arg8[%get3A_280] {strides = array<i32>} : memref<12288xf32, #tpu.memory_space<vmem>>, vector<16xf32>,
            %get3A_282 = vector.shape_cast %get3A_281 : vector<16xf32> to vector<16xf32>
            %max3A_283 = arith.maximumf %get3A_282, %while3A_176#12 : vector<16xf32>
            %swap3A_284 = arith.index_cast %add3A_279 : i32 to index
            %swap3A_285 = tpu.vector_load %arg8[%swap3A_284] {strides = array<i32>} : memref<12288xf32, #tpu.memory_space<vmem>>, vector<16xf32>,
            %swap3A_286 = vector.shape_cast %swap3A_285 : vector<16xf32> to vector<16xf32>
            %swap3A_287 = vector.shape_cast %max3A_283 : vector<16xf32> to vector<16xf32>
            tpu.vector_store %arg8[%swap3A_284], %swap3A_287 {strides = array<i32>} : memref<12288xf32, #tpu.memory_space<vmem>>, vector<16xf32>,
            %add3A_288 = arith.constant 80 : i32
            %add3A_289 = arith.addi %mul3A_178, %add3A_288 : i32
            %get3A_290 = arith.index_cast %add3A_289 : i32 to index
            %get3A_291 = tpu.vector_load %arg8[%get3A_290] {strides = array<i32>} : memref<12288xf32, #tpu.memory_space<vmem>>, vector<16xf32>,
            %get3A_292 = vector.shape_cast %get3A_291 : vector<16xf32> to vector<16xf32>
            %add3A_293 = arith.addf %get3A_292, %while3A_176#5 : vector<16xf32>
            %swap3A_294 = arith.index_cast %add3A_289 : i32 to index
            %swap3A_295 = tpu.vector_load %arg8[%swap3A_294] {strides = array<i32>} : memref<12288xf32, #tpu.memory_space<vmem>>, vector<16xf32>,
            %swap3A_296 = vector.shape_cast %swap3A_295 : vector<16xf32> to vector<16xf32>
            %swap3A_297 = vector.shape_cast %add3A_293 : vector<16xf32> to vector<16xf32>
            tpu.vector_store %arg8[%swap3A_294], %swap3A_297 {strides = array<i32>} : memref<12288xf32, #tpu.memory_space<vmem>>, vector<16xf32>,
            %add3A_298 = arith.constant 128 : i32
            %add3A_299 = arith.addi %mul3A_178, %add3A_298 : i32
            %add3A_300 = arith.constant 80 : i32
            %add3A_301 = arith.addi %add3A_299, %add3A_300 : i32
            %get3A_302 = arith.index_cast %add3A_301 : i32 to index
            %get3A_303 = tpu.vector_load %arg8[%get3A_302] {strides = array<i32>} : memref<12288xf32, #tpu.memory_space<vmem>>, vector<16xf32>,
            %get3A_304 = vector.shape_cast %get3A_303 : vector<16xf32> to vector<16xf32>
            %max3A_305 = arith.maximumf %get3A_304, %while3A_176#13 : vector<16xf32>
            %swap3A_306 = arith.index_cast %add3A_301 : i32 to index
            %swap3A_307 = tpu.vector_load %arg8[%swap3A_306] {strides = array<i32>} : memref<12288xf32, #tpu.memory_space<vmem>>, vector<16xf32>,
            %swap3A_308 = vector.shape_cast %swap3A_307 : vector<16xf32> to vector<16xf32>
            %swap3A_309 = vector.shape_cast %max3A_305 : vector<16xf32> to vector<16xf32>
            tpu.vector_store %arg8[%swap3A_306], %swap3A_309 {strides = array<i32>} : memref<12288xf32, #tpu.memory_space<vmem>>, vector<16xf32>,
            %add3A_310 = arith.constant 96 : i32
            %add3A_311 = arith.addi %mul3A_178, %add3A_310 : i32
            %get3A_312 = arith.index_cast %add3A_311 : i32 to index
            %get3A_313 = tpu.vector_load %arg8[%get3A_312] {strides = array<i32>} : memref<12288xf32, #tpu.memory_space<vmem>>, vector<16xf32>,
            %get3A_314 = vector.shape_cast %get3A_313 : vector<16xf32> to vector<16xf32>
            %add3A_315 = arith.addf %get3A_314, %while3A_176#6 : vector<16xf32>
            %swap3A_316 = arith.index_cast %add3A_311 : i32 to index
            %swap3A_317 = tpu.vector_load %arg8[%swap3A_316] {strides = array<i32>} : memref<12288xf32, #tpu.memory_space<vmem>>, vector<16xf32>,
            %swap3A_318 = vector.shape_cast %swap3A_317 : vector<16xf32> to vector<16xf32>
            %swap3A_319 = vector.shape_cast %add3A_315 : vector<16xf32> to vector<16xf32>
            tpu.vector_store %arg8[%swap3A_316], %swap3A_319 {strides = array<i32>} : memref<12288xf32, #tpu.memory_space<vmem>>, vector<16xf32>,
            %add3A_320 = arith.constant 128 : i32
            %add3A_321 = arith.addi %mul3A_178, %add3A_320 : i32
            %add3A_322 = arith.constant 96 : i32
            %add3A_323 = arith.addi %add3A_321, %add3A_322 : i32
            %get3A_324 = arith.index_cast %add3A_323 : i32 to index
            %get3A_325 = tpu.vector_load %arg8[%get3A_324] {strides = array<i32>} : memref<12288xf32, #tpu.memory_space<vmem>>, vector<16xf32>,
            %get3A_326 = vector.shape_cast %get3A_325 : vector<16xf32> to vector<16xf32>
            %max3A_327 = arith.maximumf %get3A_326, %while3A_176#14 : vector<16xf32>
            %swap3A_328 = arith.index_cast %add3A_323 : i32 to index
            %swap3A_329 = tpu.vector_load %arg8[%swap3A_328] {strides = array<i32>} : memref<12288xf32, #tpu.memory_space<vmem>>, vector<16xf32>,
            %swap3A_330 = vector.shape_cast %swap3A_329 : vector<16xf32> to vector<16xf32>
            %swap3A_331 = vector.shape_cast %max3A_327 : vector<16xf32> to vector<16xf32>
            tpu.vector_store %arg8[%swap3A_328], %swap3A_331 {strides = array<i32>} : memref<12288xf32, #tpu.memory_space<vmem>>, vector<16xf32>,
            %add3A_332 = arith.constant 112 : i32
            %add3A_333 = arith.addi %mul3A_178, %add3A_332 : i32
            %get3A_334 = arith.index_cast %add3A_333 : i32 to index
            %get3A_335 = tpu.vector_load %arg8[%get3A_334] {strides = array<i32>} : memref<12288xf32, #tpu.memory_space<vmem>>, vector<16xf32>,
            %get3A_336 = vector.shape_cast %get3A_335 : vector<16xf32> to vector<16xf32>
            %add3A_337 = arith.addf %get3A_336, %while3A_176#7 : vector<16xf32>
            %swap3A_338 = arith.index_cast %add3A_333 : i32 to index
            %swap3A_339 = tpu.vector_load %arg8[%swap3A_338] {strides = array<i32>} : memref<12288xf32, #tpu.memory_space<vmem>>, vector<16xf32>,
            %swap3A_340 = vector.shape_cast %swap3A_339 : vector<16xf32> to vector<16xf32>
            %swap3A_341 = vector.shape_cast %add3A_337 : vector<16xf32> to vector<16xf32>
            tpu.vector_store %arg8[%swap3A_338], %swap3A_341 {strides = array<i32>} : memref<12288xf32, #tpu.memory_space<vmem>>, vector<16xf32>,
            %add3A_342 = arith.constant 128 : i32
            %add3A_343 = arith.addi %mul3A_178, %add3A_342 : i32
            %add3A_344 = arith.constant 112 : i32
            %add3A_345 = arith.addi %add3A_343, %add3A_344 : i32
            %get3A_346 = arith.index_cast %add3A_345 : i32 to index
            %get3A_347 = tpu.vector_load %arg8[%get3A_346] {strides = array<i32>} : memref<12288xf32, #tpu.memory_space<vmem>>, vector<16xf32>,
            %get3A_348 = vector.shape_cast %get3A_347 : vector<16xf32> to vector<16xf32>
            %max3A_349 = arith.maximumf %get3A_348, %while3A_176#15 : vector<16xf32>
            %swap3A_350 = arith.index_cast %add3A_345 : i32 to index
            %swap3A_351 = tpu.vector_load %arg8[%swap3A_350] {strides = array<i32>} : memref<12288xf32, #tpu.memory_space<vmem>>, vector<16xf32>,
            %swap3A_352 = vector.shape_cast %swap3A_351 : vector<16xf32> to vector<16xf32>
            %swap3A_353 = vector.shape_cast %max3A_349 : vector<16xf32> to vector<16xf32>
            tpu.vector_store %arg8[%swap3A_350], %swap3A_353 {strides = array<i32>} : memref<12288xf32, #tpu.memory_space<vmem>>, vector<16xf32>,
          } else {
          }
          %scan3A_166 = arith.constant 0 : i32
          scf.yield %scan3A_166 : i32
        }
        %scan3A_143 = arith.constant 32 : i32
      } else {
      }
      %while3A_118 = arith.constant 0 : i32
      scf.yield %while3A_118 : i32
    }
    %while3A_77 = arith.constant 1 : i32
    %while3A_78 = scf.for %while3A_88 = %while3A_74 to %while3A_70 step %while3A_77 iter_args(%while3A_89 = %while3A_76) -> (i32)  : i32 {
      %mul3A_90 = arith.constant 2 : i32
      %mul3A_91 = arith.muli %while3A_88, %mul3A_90 : i32
      %add3A_92 = arith.constant 1 : i32
      %add3A_93 = arith.addi %mul3A_91, %add3A_92 : i32
      %lt3A = arith.cmpi slt, %add3A_93, %select_n3A : i32
      %convert_element_type3A_94 = arith.extui %lt3A : i1 to i32
      %cond3A_95 = arith.constant 0 : i32
      %cond3A_96 = arith.cmpi ne, %convert_element_type3A_94, %cond3A_95 : i32
      scf.if %cond3A_96 {
        %mul3A_119 = arith.constant 256 : i32
        %mul3A_120 = arith.muli %add3A_93, %mul3A_119 : i32
        %add3A_121 = arith.addi %squeeze3A, %mul3A_120 : i32
        %min3A_122 = arith.constant 99744 : i32
        %min3A_123 = arith.minsi %add3A_121, %min3A_122 : i32
        %mul3A_124 = arith.constant 128 : i32
        %mul3A_125 = arith.muli %min3A_123, %mul3A_124 : i32
        %dma_start3A = tpu.memref_slice %arg2[%mul3A_125] : memref<12800000xf32, #tpu.memory_space<hbm>> -> memref<32768xf32, #tpu.memory_space<hbm>>
        %dma_start3A_126 = tpu.memref_slice %arg2[%mul3A_125] : memref<12800000xf32, #tpu.memory_space<hbm>> -> memref<32768xf32, #tpu.memory_space<hbm>>
        tpu.enqueue_dma source(%dma_start3A_126 : memref<32768xf32, #tpu.memory_space<hbm>>) target(%arg7 : memref<32768xf32, #tpu.memory_space<vmem>>) target_semaphore(%arg12 : memref<!tpu.dma_semaphore, #tpu.memory_space<semaphore_mem>>)
      } else {
      }
      %dma_wait3A = arith.constant 0 : i32
      %dma_wait3A_97 = tpu.memref_slice %arg2[%dma_wait3A] : memref<12800000xf32, #tpu.memory_space<hbm>> -> memref<32768xf32, #tpu.memory_space<hbm>>
      %dma_wait3A_98 = arith.constant 0 : i32
      %dma_wait3A_99 = tpu.memref_slice %arg2[%dma_wait3A_98] : memref<12800000xf32, #tpu.memory_space<hbm>> -> memref<32768xf32, #tpu.memory_space<hbm>>
      tpu.wait_dma2 semaphore(%arg11 : memref<!tpu.dma_semaphore, #tpu.memory_space<semaphore_mem>>) src(%dma_wait3A_99 : memref<32768xf32, #tpu.memory_space<hbm>>) dst(%arg6 : memref<32768xf32, #tpu.memory_space<vmem>>)
      %mul3A_100 = arith.constant 256 : i32
      %mul3A_101 = arith.muli %mul3A_91, %mul3A_100 : i32
      %add3A_102 = arith.addi %squeeze3A, %mul3A_101 : i32
      %add3A_103 = arith.constant 256 : i32
      %add3A_104 = arith.addi %add3A_102, %add3A_103 : i32
      %min3A = arith.minsi %add3A_104, %squeeze3A_18 : i32
      %min3A_105 = arith.constant 99744 : i32
      %min3A_106 = arith.minsi %add3A_102, %min3A_105 : i32
      %scan3A_107 = arith.constant 0 : i32
      %scan3A_108 = arith.constant 0 : i32
      %scan3A_109 = arith.constant 32 : i32
      %scan3A_110 = arith.addi %scan3A_108, %scan3A_109 : i32
      %scan3A_111 = arith.constant 1 : i32
      %scan3A_112 = scf.for %scan3A_119 = %scan3A_108 to %scan3A_110 step %scan3A_111 iter_args(%scan3A_120 = %scan3A_107) -> (i32)  : i32 {
        %get3A_121 = arith.index_cast %scan3A_119 : i32 to index
        %get3A_122 = tpu.vector_load %arg9[%get3A_121] {strides = array<i32>} : memref<48xi32, #tpu.memory_space<vmem>>, vector<16xi32>,
        %get3A_123 = vector.shape_cast %get3A_122 : vector<16xi32> to vector<16xi32>
        %slice3A_124 = vector.extract_strided_slice %get3A_123 {offsets = [0], sizes = [1], strides = [1]} : vector<16xi32> to vector<1xi32>
        %squeeze3A_125 = vector.extract %slice3A_124[0] : i32 from vector<1xi32>
        %add3A_126 = arith.constant 1 : i32
        %add3A_127 = arith.addi %scan3A_119, %add3A_126 : i32
        %get3A_128 = arith.index_cast %add3A_127 : i32 to index
        %get3A_129 = tpu.vector_load %arg9[%get3A_128] {strides = array<i32>} : memref<48xi32, #tpu.memory_space<vmem>>, vector<16xi32>,
        %get3A_130 = vector.shape_cast %get3A_129 : vector<16xi32> to vector<16xi32>
        %slice3A_131 = vector.extract_strided_slice %get3A_130 {offsets = [0], sizes = [1], strides = [1]} : vector<16xi32> to vector<1xi32>
        %squeeze3A_132 = vector.extract %slice3A_131[0] : i32 from vector<1xi32>
        %max3A = arith.maxsi %squeeze3A_125, %add3A_102 : i32
        %min3A_133 = arith.minsi %squeeze3A_132, %min3A : i32
        %max3A_134 = arith.maxsi %max3A, %min3A_133 : i32
        %sub3A_135 = arith.subi %max3A, %min3A_106 : i32
        %sub3A_136 = arith.subi %max3A_134, %min3A_106 : i32
        %gt3A_137 = arith.cmpi sgt, %sub3A_136, %sub3A_135 : i32
        %convert_element_type3A_138 = arith.extui %gt3A_137 : i1 to i32
        %cond3A_139 = arith.constant 0 : i32
        %cond3A_140 = arith.cmpi ne, %convert_element_type3A_138, %cond3A_139 : i32
        scf.if %cond3A_140 {
          %while3A_142 = arith.subi %sub3A_136, %sub3A_135 : i32
          %while3A_143 = arith.addi %sub3A_135, %while3A_142 : i32
          %while3A_144 = arith.constant 1 : i32
          %while3A_145 = arith.divsi %while3A_142, %while3A_144 : i32
          %while3A_146 = arith.muli %while3A_145, %while3A_144 : i32
          %while3A_147 = arith.addi %sub3A_135, %while3A_146 : i32
          %while3A_148 = arith.constant 1 : i32
          %while3A_149:16 = scf.for %while3A_329 = %sub3A_135 to %while3A_147 step %while3A_148 iter_args(%while3A_330 = %broadcast_in_dim3A_3, %while3A_331 = %broadcast_in_dim3A_3, %while3A_332 = %broadcast_in_dim3A_3, %while3A_333 = %broadcast_in_dim3A_3, %while3A_334 = %broadcast_in_dim3A_3, %while3A_335 = %broadcast_in_dim3A_3, %while3A_336 = %broadcast_in_dim3A_3, %while3A_337 = %broadcast_in_dim3A_3, %while3A_338 = %broadcast_in_dim3A_5, %while3A_339 = %broadcast_in_dim3A_5, %while3A_340 = %broadcast_in_dim3A_5, %while3A_341 = %broadcast_in_dim3A_5, %while3A_342 = %broadcast_in_dim3A_5, %while3A_343 = %broadcast_in_dim3A_5, %while3A_344 = %broadcast_in_dim3A_5, %while3A_345 = %broadcast_in_dim3A_5) -> (vector<16xf32>, vector<16xf32>, vector<16xf32>, vector<16xf32>, vector<16xf32>, vector<16xf32>, vector<16xf32>, vector<16xf32>, vector<16xf32>, vector<16xf32>, vector<16xf32>, vector<16xf32>, vector<16xf32>, vector<16xf32>, vector<16xf32>, vector<16xf32>)  : i32 {
            %mul3A_346 = arith.constant 128 : i32
            %mul3A_347 = arith.muli %while3A_329, %mul3A_346 : i32
            %add3A_348 = arith.constant 0 : i32
            %add3A_349 = arith.addi %mul3A_347, %add3A_348 : i32
            %get3A_350 = arith.index_cast %add3A_349 : i32 to index
            %get3A_351 = tpu.vector_load %arg6[%get3A_350] {strides = array<i32>} : memref<32768xf32, #tpu.memory_space<vmem>>, vector<16xf32>,
            %get3A_352 = vector.shape_cast %get3A_351 : vector<16xf32> to vector<16xf32>
            %add3A_353 = arith.addf %while3A_330, %get3A_352 : vector<16xf32>
            %max3A_354 = arith.maximumf %while3A_338, %get3A_352 : vector<16xf32>
            %mul3A_355 = arith.constant 128 : i32
            %mul3A_356 = arith.muli %while3A_329, %mul3A_355 : i32
            %add3A_357 = arith.constant 16 : i32
            %add3A_358 = arith.addi %mul3A_356, %add3A_357 : i32
            %get3A_359 = arith.index_cast %add3A_358 : i32 to index
            %get3A_360 = tpu.vector_load %arg6[%get3A_359] {strides = array<i32>} : memref<32768xf32, #tpu.memory_space<vmem>>, vector<16xf32>,
            %get3A_361 = vector.shape_cast %get3A_360 : vector<16xf32> to vector<16xf32>
            %add3A_362 = arith.addf %while3A_331, %get3A_361 : vector<16xf32>
            %max3A_363 = arith.maximumf %while3A_339, %get3A_361 : vector<16xf32>
            %mul3A_364 = arith.constant 128 : i32
            %mul3A_365 = arith.muli %while3A_329, %mul3A_364 : i32
            %add3A_366 = arith.constant 32 : i32
            %add3A_367 = arith.addi %mul3A_365, %add3A_366 : i32
            %get3A_368 = arith.index_cast %add3A_367 : i32 to index
            %get3A_369 = tpu.vector_load %arg6[%get3A_368] {strides = array<i32>} : memref<32768xf32, #tpu.memory_space<vmem>>, vector<16xf32>,
            %get3A_370 = vector.shape_cast %get3A_369 : vector<16xf32> to vector<16xf32>
            %add3A_371 = arith.addf %while3A_332, %get3A_370 : vector<16xf32>
            %max3A_372 = arith.maximumf %while3A_340, %get3A_370 : vector<16xf32>
            %mul3A_373 = arith.constant 128 : i32
            %mul3A_374 = arith.muli %while3A_329, %mul3A_373 : i32
            %add3A_375 = arith.constant 48 : i32
            %add3A_376 = arith.addi %mul3A_374, %add3A_375 : i32
            %get3A_377 = arith.index_cast %add3A_376 : i32 to index
            %get3A_378 = tpu.vector_load %arg6[%get3A_377] {strides = array<i32>} : memref<32768xf32, #tpu.memory_space<vmem>>, vector<16xf32>,
            %get3A_379 = vector.shape_cast %get3A_378 : vector<16xf32> to vector<16xf32>
            %add3A_380 = arith.addf %while3A_333, %get3A_379 : vector<16xf32>
            %max3A_381 = arith.maximumf %while3A_341, %get3A_379 : vector<16xf32>
            %mul3A_382 = arith.constant 128 : i32
            %mul3A_383 = arith.muli %while3A_329, %mul3A_382 : i32
            %add3A_384 = arith.constant 64 : i32
            %add3A_385 = arith.addi %mul3A_383, %add3A_384 : i32
            %get3A_386 = arith.index_cast %add3A_385 : i32 to index
            %get3A_387 = tpu.vector_load %arg6[%get3A_386] {strides = array<i32>} : memref<32768xf32, #tpu.memory_space<vmem>>, vector<16xf32>,
            %get3A_388 = vector.shape_cast %get3A_387 : vector<16xf32> to vector<16xf32>
            %add3A_389 = arith.addf %while3A_334, %get3A_388 : vector<16xf32>
            %max3A_390 = arith.maximumf %while3A_342, %get3A_388 : vector<16xf32>
            %mul3A_391 = arith.constant 128 : i32
            %mul3A_392 = arith.muli %while3A_329, %mul3A_391 : i32
            %add3A_393 = arith.constant 80 : i32
            %add3A_394 = arith.addi %mul3A_392, %add3A_393 : i32
            %get3A_395 = arith.index_cast %add3A_394 : i32 to index
            %get3A_396 = tpu.vector_load %arg6[%get3A_395] {strides = array<i32>} : memref<32768xf32, #tpu.memory_space<vmem>>, vector<16xf32>,
            %get3A_397 = vector.shape_cast %get3A_396 : vector<16xf32> to vector<16xf32>
            %add3A_398 = arith.addf %while3A_335, %get3A_397 : vector<16xf32>
            %max3A_399 = arith.maximumf %while3A_343, %get3A_397 : vector<16xf32>
            %mul3A_400 = arith.constant 128 : i32
            %mul3A_401 = arith.muli %while3A_329, %mul3A_400 : i32
            %add3A_402 = arith.constant 96 : i32
            %add3A_403 = arith.addi %mul3A_401, %add3A_402 : i32
            %get3A_404 = arith.index_cast %add3A_403 : i32 to index
            %get3A_405 = tpu.vector_load %arg6[%get3A_404] {strides = array<i32>} : memref<32768xf32, #tpu.memory_space<vmem>>, vector<16xf32>,
            %get3A_406 = vector.shape_cast %get3A_405 : vector<16xf32> to vector<16xf32>
            %add3A_407 = arith.addf %while3A_336, %get3A_406 : vector<16xf32>
            %max3A_408 = arith.maximumf %while3A_344, %get3A_406 : vector<16xf32>
            %mul3A_409 = arith.constant 128 : i32
            %mul3A_410 = arith.muli %while3A_329, %mul3A_409 : i32
            %add3A_411 = arith.constant 112 : i32
            %add3A_412 = arith.addi %mul3A_410, %add3A_411 : i32
            %get3A_413 = arith.index_cast %add3A_412 : i32 to index
            %get3A_414 = tpu.vector_load %arg6[%get3A_413] {strides = array<i32>} : memref<32768xf32, #tpu.memory_space<vmem>>, vector<16xf32>,
            %get3A_415 = vector.shape_cast %get3A_414 : vector<16xf32> to vector<16xf32>
            %add3A_416 = arith.addf %while3A_337, %get3A_415 : vector<16xf32>
            %max3A_417 = arith.maximumf %while3A_345, %get3A_415 : vector<16xf32>
            scf.yield %add3A_353, %add3A_362, %add3A_371, %add3A_380, %add3A_389, %add3A_398, %add3A_407, %add3A_416, %max3A_354, %max3A_363, %max3A_372, %max3A_381, %max3A_390, %max3A_399, %max3A_408, %max3A_417 : vector<16xf32>, vector<16xf32>, vector<16xf32>, vector<16xf32>, vector<16xf32>, vector<16xf32>, vector<16xf32>, vector<16xf32>, vector<16xf32>, vector<16xf32>, vector<16xf32>, vector<16xf32>, vector<16xf32>, vector<16xf32>, vector<16xf32>, vector<16xf32>
          }
          %while3A_150 = arith.constant 1 : i32
          %while3A_151:16 = scf.for %while3A_329 = %while3A_147 to %while3A_143 step %while3A_150 iter_args(%while3A_330 = %while3A_149#0, %while3A_331 = %while3A_149#1, %while3A_332 = %while3A_149#2, %while3A_333 = %while3A_149#3, %while3A_334 = %while3A_149#4, %while3A_335 = %while3A_149#5, %while3A_336 = %while3A_149#6, %while3A_337 = %while3A_149#7, %while3A_338 = %while3A_149#8, %while3A_339 = %while3A_149#9, %while3A_340 = %while3A_149#10, %while3A_341 = %while3A_149#11, %while3A_342 = %while3A_149#12, %while3A_343 = %while3A_149#13, %while3A_344 = %while3A_149#14, %while3A_345 = %while3A_149#15) -> (vector<16xf32>, vector<16xf32>, vector<16xf32>, vector<16xf32>, vector<16xf32>, vector<16xf32>, vector<16xf32>, vector<16xf32>, vector<16xf32>, vector<16xf32>, vector<16xf32>, vector<16xf32>, vector<16xf32>, vector<16xf32>, vector<16xf32>, vector<16xf32>)  : i32 {
            %mul3A_346 = arith.constant 128 : i32
            %mul3A_347 = arith.muli %while3A_329, %mul3A_346 : i32
            %add3A_348 = arith.constant 0 : i32
            %add3A_349 = arith.addi %mul3A_347, %add3A_348 : i32
            %get3A_350 = arith.index_cast %add3A_349 : i32 to index
            %get3A_351 = tpu.vector_load %arg6[%get3A_350] {strides = array<i32>} : memref<32768xf32, #tpu.memory_space<vmem>>, vector<16xf32>,
            %get3A_352 = vector.shape_cast %get3A_351 : vector<16xf32> to vector<16xf32>
            %add3A_353 = arith.addf %while3A_330, %get3A_352 : vector<16xf32>
            %max3A_354 = arith.maximumf %while3A_338, %get3A_352 : vector<16xf32>
            %mul3A_355 = arith.constant 128 : i32
            %mul3A_356 = arith.muli %while3A_329, %mul3A_355 : i32
            %add3A_357 = arith.constant 16 : i32
            %add3A_358 = arith.addi %mul3A_356, %add3A_357 : i32
            %get3A_359 = arith.index_cast %add3A_358 : i32 to index
            %get3A_360 = tpu.vector_load %arg6[%get3A_359] {strides = array<i32>} : memref<32768xf32, #tpu.memory_space<vmem>>, vector<16xf32>,
            %get3A_361 = vector.shape_cast %get3A_360 : vector<16xf32> to vector<16xf32>
            %add3A_362 = arith.addf %while3A_331, %get3A_361 : vector<16xf32>
            %max3A_363 = arith.maximumf %while3A_339, %get3A_361 : vector<16xf32>
            %mul3A_364 = arith.constant 128 : i32
            %mul3A_365 = arith.muli %while3A_329, %mul3A_364 : i32
            %add3A_366 = arith.constant 32 : i32
            %add3A_367 = arith.addi %mul3A_365, %add3A_366 : i32
            %get3A_368 = arith.index_cast %add3A_367 : i32 to index
            %get3A_369 = tpu.vector_load %arg6[%get3A_368] {strides = array<i32>} : memref<32768xf32, #tpu.memory_space<vmem>>, vector<16xf32>,
            %get3A_370 = vector.shape_cast %get3A_369 : vector<16xf32> to vector<16xf32>
            %add3A_371 = arith.addf %while3A_332, %get3A_370 : vector<16xf32>
            %max3A_372 = arith.maximumf %while3A_340, %get3A_370 : vector<16xf32>
            %mul3A_373 = arith.constant 128 : i32
            %mul3A_374 = arith.muli %while3A_329, %mul3A_373 : i32
            %add3A_375 = arith.constant 48 : i32
            %add3A_376 = arith.addi %mul3A_374, %add3A_375 : i32
            %get3A_377 = arith.index_cast %add3A_376 : i32 to index
            %get3A_378 = tpu.vector_load %arg6[%get3A_377] {strides = array<i32>} : memref<32768xf32, #tpu.memory_space<vmem>>, vector<16xf32>,
            %get3A_379 = vector.shape_cast %get3A_378 : vector<16xf32> to vector<16xf32>
            %add3A_380 = arith.addf %while3A_333, %get3A_379 : vector<16xf32>
            %max3A_381 = arith.maximumf %while3A_341, %get3A_379 : vector<16xf32>
            %mul3A_382 = arith.constant 128 : i32
            %mul3A_383 = arith.muli %while3A_329, %mul3A_382 : i32
            %add3A_384 = arith.constant 64 : i32
            %add3A_385 = arith.addi %mul3A_383, %add3A_384 : i32
            %get3A_386 = arith.index_cast %add3A_385 : i32 to index
            %get3A_387 = tpu.vector_load %arg6[%get3A_386] {strides = array<i32>} : memref<32768xf32, #tpu.memory_space<vmem>>, vector<16xf32>,
            %get3A_388 = vector.shape_cast %get3A_387 : vector<16xf32> to vector<16xf32>
            %add3A_389 = arith.addf %while3A_334, %get3A_388 : vector<16xf32>
            %max3A_390 = arith.maximumf %while3A_342, %get3A_388 : vector<16xf32>
            %mul3A_391 = arith.constant 128 : i32
            %mul3A_392 = arith.muli %while3A_329, %mul3A_391 : i32
            %add3A_393 = arith.constant 80 : i32
            %add3A_394 = arith.addi %mul3A_392, %add3A_393 : i32
            %get3A_395 = arith.index_cast %add3A_394 : i32 to index
            %get3A_396 = tpu.vector_load %arg6[%get3A_395] {strides = array<i32>} : memref<32768xf32, #tpu.memory_space<vmem>>, vector<16xf32>,
            %get3A_397 = vector.shape_cast %get3A_396 : vector<16xf32> to vector<16xf32>
            %add3A_398 = arith.addf %while3A_335, %get3A_397 : vector<16xf32>
            %max3A_399 = arith.maximumf %while3A_343, %get3A_397 : vector<16xf32>
            %mul3A_400 = arith.constant 128 : i32
            %mul3A_401 = arith.muli %while3A_329, %mul3A_400 : i32
            %add3A_402 = arith.constant 96 : i32
            %add3A_403 = arith.addi %mul3A_401, %add3A_402 : i32
            %get3A_404 = arith.index_cast %add3A_403 : i32 to index
            %get3A_405 = tpu.vector_load %arg6[%get3A_404] {strides = array<i32>} : memref<32768xf32, #tpu.memory_space<vmem>>, vector<16xf32>,
            %get3A_406 = vector.shape_cast %get3A_405 : vector<16xf32> to vector<16xf32>
            %add3A_407 = arith.addf %while3A_336, %get3A_406 : vector<16xf32>
            %max3A_408 = arith.maximumf %while3A_344, %get3A_406 : vector<16xf32>
            %mul3A_409 = arith.constant 128 : i32
            %mul3A_410 = arith.muli %while3A_329, %mul3A_409 : i32
            %add3A_411 = arith.constant 112 : i32
            %add3A_412 = arith.addi %mul3A_410, %add3A_411 : i32
            %get3A_413 = arith.index_cast %add3A_412 : i32 to index
            %get3A_414 = tpu.vector_load %arg6[%get3A_413] {strides = array<i32>} : memref<32768xf32, #tpu.memory_space<vmem>>, vector<16xf32>,
            %get3A_415 = vector.shape_cast %get3A_414 : vector<16xf32> to vector<16xf32>
            %add3A_416 = arith.addf %while3A_337, %get3A_415 : vector<16xf32>
            %max3A_417 = arith.maximumf %while3A_345, %get3A_415 : vector<16xf32>
            scf.yield %add3A_353, %add3A_362, %add3A_371, %add3A_380, %add3A_389, %add3A_398, %add3A_407, %add3A_416, %max3A_354, %max3A_363, %max3A_372, %max3A_381, %max3A_390, %max3A_399, %max3A_408, %max3A_417 : vector<16xf32>, vector<16xf32>, vector<16xf32>, vector<16xf32>, vector<16xf32>, vector<16xf32>, vector<16xf32>, vector<16xf32>, vector<16xf32>, vector<16xf32>, vector<16xf32>, vector<16xf32>, vector<16xf32>, vector<16xf32>, vector<16xf32>, vector<16xf32>
          }
          %mul3A_152 = arith.constant 384 : i32
          %mul3A_153 = arith.muli %scan3A_119, %mul3A_152 : i32
          %add3A_154 = arith.constant 0 : i32
          %add3A_155 = arith.addi %mul3A_153, %add3A_154 : i32
          %get3A_156 = arith.index_cast %add3A_155 : i32 to index
          %get3A_157 = tpu.vector_load %arg8[%get3A_156] {strides = array<i32>} : memref<12288xf32, #tpu.memory_space<vmem>>, vector<16xf32>,
          %get3A_158 = vector.shape_cast %get3A_157 : vector<16xf32> to vector<16xf32>
          %add3A_159 = arith.addf %get3A_158, %while3A_151#0 : vector<16xf32>
          %swap3A = arith.index_cast %add3A_155 : i32 to index
          %swap3A_160 = tpu.vector_load %arg8[%swap3A] {strides = array<i32>} : memref<12288xf32, #tpu.memory_space<vmem>>, vector<16xf32>,
          %swap3A_161 = vector.shape_cast %swap3A_160 : vector<16xf32> to vector<16xf32>
          %swap3A_162 = vector.shape_cast %add3A_159 : vector<16xf32> to vector<16xf32>
          tpu.vector_store %arg8[%swap3A], %swap3A_162 {strides = array<i32>} : memref<12288xf32, #tpu.memory_space<vmem>>, vector<16xf32>,
          %add3A_163 = arith.constant 128 : i32
          %add3A_164 = arith.addi %mul3A_153, %add3A_163 : i32
          %add3A_165 = arith.constant 0 : i32
          %add3A_166 = arith.addi %add3A_164, %add3A_165 : i32
          %get3A_167 = arith.index_cast %add3A_166 : i32 to index
          %get3A_168 = tpu.vector_load %arg8[%get3A_167] {strides = array<i32>} : memref<12288xf32, #tpu.memory_space<vmem>>, vector<16xf32>,
          %get3A_169 = vector.shape_cast %get3A_168 : vector<16xf32> to vector<16xf32>
          %max3A_170 = arith.maximumf %get3A_169, %while3A_151#8 : vector<16xf32>
          %swap3A_171 = arith.index_cast %add3A_166 : i32 to index
          %swap3A_172 = tpu.vector_load %arg8[%swap3A_171] {strides = array<i32>} : memref<12288xf32, #tpu.memory_space<vmem>>, vector<16xf32>,
          %swap3A_173 = vector.shape_cast %swap3A_172 : vector<16xf32> to vector<16xf32>
          %swap3A_174 = vector.shape_cast %max3A_170 : vector<16xf32> to vector<16xf32>
          tpu.vector_store %arg8[%swap3A_171], %swap3A_174 {strides = array<i32>} : memref<12288xf32, #tpu.memory_space<vmem>>, vector<16xf32>,
          %add3A_175 = arith.constant 16 : i32
          %add3A_176 = arith.addi %mul3A_153, %add3A_175 : i32
          %get3A_177 = arith.index_cast %add3A_176 : i32 to index
          %get3A_178 = tpu.vector_load %arg8[%get3A_177] {strides = array<i32>} : memref<12288xf32, #tpu.memory_space<vmem>>, vector<16xf32>,
          %get3A_179 = vector.shape_cast %get3A_178 : vector<16xf32> to vector<16xf32>
          %add3A_180 = arith.addf %get3A_179, %while3A_151#1 : vector<16xf32>
          %swap3A_181 = arith.index_cast %add3A_176 : i32 to index
          %swap3A_182 = tpu.vector_load %arg8[%swap3A_181] {strides = array<i32>} : memref<12288xf32, #tpu.memory_space<vmem>>, vector<16xf32>,
          %swap3A_183 = vector.shape_cast %swap3A_182 : vector<16xf32> to vector<16xf32>
          %swap3A_184 = vector.shape_cast %add3A_180 : vector<16xf32> to vector<16xf32>
          tpu.vector_store %arg8[%swap3A_181], %swap3A_184 {strides = array<i32>} : memref<12288xf32, #tpu.memory_space<vmem>>, vector<16xf32>,
          %add3A_185 = arith.constant 128 : i32
          %add3A_186 = arith.addi %mul3A_153, %add3A_185 : i32
          %add3A_187 = arith.constant 16 : i32
          %add3A_188 = arith.addi %add3A_186, %add3A_187 : i32
          %get3A_189 = arith.index_cast %add3A_188 : i32 to index
          %get3A_190 = tpu.vector_load %arg8[%get3A_189] {strides = array<i32>} : memref<12288xf32, #tpu.memory_space<vmem>>, vector<16xf32>,
          %get3A_191 = vector.shape_cast %get3A_190 : vector<16xf32> to vector<16xf32>
          %max3A_192 = arith.maximumf %get3A_191, %while3A_151#9 : vector<16xf32>
          %swap3A_193 = arith.index_cast %add3A_188 : i32 to index
          %swap3A_194 = tpu.vector_load %arg8[%swap3A_193] {strides = array<i32>} : memref<12288xf32, #tpu.memory_space<vmem>>, vector<16xf32>,
          %swap3A_195 = vector.shape_cast %swap3A_194 : vector<16xf32> to vector<16xf32>
          %swap3A_196 = vector.shape_cast %max3A_192 : vector<16xf32> to vector<16xf32>
          tpu.vector_store %arg8[%swap3A_193], %swap3A_196 {strides = array<i32>} : memref<12288xf32, #tpu.memory_space<vmem>>, vector<16xf32>,
          %add3A_197 = arith.constant 32 : i32
          %add3A_198 = arith.addi %mul3A_153, %add3A_197 : i32
          %get3A_199 = arith.index_cast %add3A_198 : i32 to index
          %get3A_200 = tpu.vector_load %arg8[%get3A_199] {strides = array<i32>} : memref<12288xf32, #tpu.memory_space<vmem>>, vector<16xf32>,
          %get3A_201 = vector.shape_cast %get3A_200 : vector<16xf32> to vector<16xf32>
          %add3A_202 = arith.addf %get3A_201, %while3A_151#2 : vector<16xf32>
          %swap3A_203 = arith.index_cast %add3A_198 : i32 to index
          %swap3A_204 = tpu.vector_load %arg8[%swap3A_203] {strides = array<i32>} : memref<12288xf32, #tpu.memory_space<vmem>>, vector<16xf32>,
          %swap3A_205 = vector.shape_cast %swap3A_204 : vector<16xf32> to vector<16xf32>
          %swap3A_206 = vector.shape_cast %add3A_202 : vector<16xf32> to vector<16xf32>
          tpu.vector_store %arg8[%swap3A_203], %swap3A_206 {strides = array<i32>} : memref<12288xf32, #tpu.memory_space<vmem>>, vector<16xf32>,
          %add3A_207 = arith.constant 128 : i32
          %add3A_208 = arith.addi %mul3A_153, %add3A_207 : i32
          %add3A_209 = arith.constant 32 : i32
          %add3A_210 = arith.addi %add3A_208, %add3A_209 : i32
          %get3A_211 = arith.index_cast %add3A_210 : i32 to index
          %get3A_212 = tpu.vector_load %arg8[%get3A_211] {strides = array<i32>} : memref<12288xf32, #tpu.memory_space<vmem>>, vector<16xf32>,
          %get3A_213 = vector.shape_cast %get3A_212 : vector<16xf32> to vector<16xf32>
          %max3A_214 = arith.maximumf %get3A_213, %while3A_151#10 : vector<16xf32>
          %swap3A_215 = arith.index_cast %add3A_210 : i32 to index
          %swap3A_216 = tpu.vector_load %arg8[%swap3A_215] {strides = array<i32>} : memref<12288xf32, #tpu.memory_space<vmem>>, vector<16xf32>,
          %swap3A_217 = vector.shape_cast %swap3A_216 : vector<16xf32> to vector<16xf32>
          %swap3A_218 = vector.shape_cast %max3A_214 : vector<16xf32> to vector<16xf32>
          tpu.vector_store %arg8[%swap3A_215], %swap3A_218 {strides = array<i32>} : memref<12288xf32, #tpu.memory_space<vmem>>, vector<16xf32>,
          %add3A_219 = arith.constant 48 : i32
          %add3A_220 = arith.addi %mul3A_153, %add3A_219 : i32
          %get3A_221 = arith.index_cast %add3A_220 : i32 to index
          %get3A_222 = tpu.vector_load %arg8[%get3A_221] {strides = array<i32>} : memref<12288xf32, #tpu.memory_space<vmem>>, vector<16xf32>,
          %get3A_223 = vector.shape_cast %get3A_222 : vector<16xf32> to vector<16xf32>
          %add3A_224 = arith.addf %get3A_223, %while3A_151#3 : vector<16xf32>
          %swap3A_225 = arith.index_cast %add3A_220 : i32 to index
          %swap3A_226 = tpu.vector_load %arg8[%swap3A_225] {strides = array<i32>} : memref<12288xf32, #tpu.memory_space<vmem>>, vector<16xf32>,
          %swap3A_227 = vector.shape_cast %swap3A_226 : vector<16xf32> to vector<16xf32>
          %swap3A_228 = vector.shape_cast %add3A_224 : vector<16xf32> to vector<16xf32>
          tpu.vector_store %arg8[%swap3A_225], %swap3A_228 {strides = array<i32>} : memref<12288xf32, #tpu.memory_space<vmem>>, vector<16xf32>,
          %add3A_229 = arith.constant 128 : i32
          %add3A_230 = arith.addi %mul3A_153, %add3A_229 : i32
          %add3A_231 = arith.constant 48 : i32
          %add3A_232 = arith.addi %add3A_230, %add3A_231 : i32
          %get3A_233 = arith.index_cast %add3A_232 : i32 to index
          %get3A_234 = tpu.vector_load %arg8[%get3A_233] {strides = array<i32>} : memref<12288xf32, #tpu.memory_space<vmem>>, vector<16xf32>,
          %get3A_235 = vector.shape_cast %get3A_234 : vector<16xf32> to vector<16xf32>
          %max3A_236 = arith.maximumf %get3A_235, %while3A_151#11 : vector<16xf32>
          %swap3A_237 = arith.index_cast %add3A_232 : i32 to index
          %swap3A_238 = tpu.vector_load %arg8[%swap3A_237] {strides = array<i32>} : memref<12288xf32, #tpu.memory_space<vmem>>, vector<16xf32>,
          %swap3A_239 = vector.shape_cast %swap3A_238 : vector<16xf32> to vector<16xf32>
          %swap3A_240 = vector.shape_cast %max3A_236 : vector<16xf32> to vector<16xf32>
          tpu.vector_store %arg8[%swap3A_237], %swap3A_240 {strides = array<i32>} : memref<12288xf32, #tpu.memory_space<vmem>>, vector<16xf32>,
          %add3A_241 = arith.constant 64 : i32
          %add3A_242 = arith.addi %mul3A_153, %add3A_241 : i32
          %get3A_243 = arith.index_cast %add3A_242 : i32 to index
          %get3A_244 = tpu.vector_load %arg8[%get3A_243] {strides = array<i32>} : memref<12288xf32, #tpu.memory_space<vmem>>, vector<16xf32>,
          %get3A_245 = vector.shape_cast %get3A_244 : vector<16xf32> to vector<16xf32>
          %add3A_246 = arith.addf %get3A_245, %while3A_151#4 : vector<16xf32>
          %swap3A_247 = arith.index_cast %add3A_242 : i32 to index
          %swap3A_248 = tpu.vector_load %arg8[%swap3A_247] {strides = array<i32>} : memref<12288xf32, #tpu.memory_space<vmem>>, vector<16xf32>,
          %swap3A_249 = vector.shape_cast %swap3A_248 : vector<16xf32> to vector<16xf32>
          %swap3A_250 = vector.shape_cast %add3A_246 : vector<16xf32> to vector<16xf32>
          tpu.vector_store %arg8[%swap3A_247], %swap3A_250 {strides = array<i32>} : memref<12288xf32, #tpu.memory_space<vmem>>, vector<16xf32>,
          %add3A_251 = arith.constant 128 : i32
          %add3A_252 = arith.addi %mul3A_153, %add3A_251 : i32
          %add3A_253 = arith.constant 64 : i32
          %add3A_254 = arith.addi %add3A_252, %add3A_253 : i32
          %get3A_255 = arith.index_cast %add3A_254 : i32 to index
          %get3A_256 = tpu.vector_load %arg8[%get3A_255] {strides = array<i32>} : memref<12288xf32, #tpu.memory_space<vmem>>, vector<16xf32>,
          %get3A_257 = vector.shape_cast %get3A_256 : vector<16xf32> to vector<16xf32>
          %max3A_258 = arith.maximumf %get3A_257, %while3A_151#12 : vector<16xf32>
          %swap3A_259 = arith.index_cast %add3A_254 : i32 to index
          %swap3A_260 = tpu.vector_load %arg8[%swap3A_259] {strides = array<i32>} : memref<12288xf32, #tpu.memory_space<vmem>>, vector<16xf32>,
          %swap3A_261 = vector.shape_cast %swap3A_260 : vector<16xf32> to vector<16xf32>
          %swap3A_262 = vector.shape_cast %max3A_258 : vector<16xf32> to vector<16xf32>
          tpu.vector_store %arg8[%swap3A_259], %swap3A_262 {strides = array<i32>} : memref<12288xf32, #tpu.memory_space<vmem>>, vector<16xf32>,
          %add3A_263 = arith.constant 80 : i32
          %add3A_264 = arith.addi %mul3A_153, %add3A_263 : i32
          %get3A_265 = arith.index_cast %add3A_264 : i32 to index
          %get3A_266 = tpu.vector_load %arg8[%get3A_265] {strides = array<i32>} : memref<12288xf32, #tpu.memory_space<vmem>>, vector<16xf32>,
          %get3A_267 = vector.shape_cast %get3A_266 : vector<16xf32> to vector<16xf32>
          %add3A_268 = arith.addf %get3A_267, %while3A_151#5 : vector<16xf32>
          %swap3A_269 = arith.index_cast %add3A_264 : i32 to index
          %swap3A_270 = tpu.vector_load %arg8[%swap3A_269] {strides = array<i32>} : memref<12288xf32, #tpu.memory_space<vmem>>, vector<16xf32>,
          %swap3A_271 = vector.shape_cast %swap3A_270 : vector<16xf32> to vector<16xf32>
          %swap3A_272 = vector.shape_cast %add3A_268 : vector<16xf32> to vector<16xf32>
          tpu.vector_store %arg8[%swap3A_269], %swap3A_272 {strides = array<i32>} : memref<12288xf32, #tpu.memory_space<vmem>>, vector<16xf32>,
          %add3A_273 = arith.constant 128 : i32
          %add3A_274 = arith.addi %mul3A_153, %add3A_273 : i32
          %add3A_275 = arith.constant 80 : i32
          %add3A_276 = arith.addi %add3A_274, %add3A_275 : i32
          %get3A_277 = arith.index_cast %add3A_276 : i32 to index
          %get3A_278 = tpu.vector_load %arg8[%get3A_277] {strides = array<i32>} : memref<12288xf32, #tpu.memory_space<vmem>>, vector<16xf32>,
          %get3A_279 = vector.shape_cast %get3A_278 : vector<16xf32> to vector<16xf32>
          %max3A_280 = arith.maximumf %get3A_279, %while3A_151#13 : vector<16xf32>
          %swap3A_281 = arith.index_cast %add3A_276 : i32 to index
          %swap3A_282 = tpu.vector_load %arg8[%swap3A_281] {strides = array<i32>} : memref<12288xf32, #tpu.memory_space<vmem>>, vector<16xf32>,
          %swap3A_283 = vector.shape_cast %swap3A_282 : vector<16xf32> to vector<16xf32>
          %swap3A_284 = vector.shape_cast %max3A_280 : vector<16xf32> to vector<16xf32>
          tpu.vector_store %arg8[%swap3A_281], %swap3A_284 {strides = array<i32>} : memref<12288xf32, #tpu.memory_space<vmem>>, vector<16xf32>,
          %add3A_285 = arith.constant 96 : i32
          %add3A_286 = arith.addi %mul3A_153, %add3A_285 : i32
          %get3A_287 = arith.index_cast %add3A_286 : i32 to index
          %get3A_288 = tpu.vector_load %arg8[%get3A_287] {strides = array<i32>} : memref<12288xf32, #tpu.memory_space<vmem>>, vector<16xf32>,
          %get3A_289 = vector.shape_cast %get3A_288 : vector<16xf32> to vector<16xf32>
          %add3A_290 = arith.addf %get3A_289, %while3A_151#6 : vector<16xf32>
          %swap3A_291 = arith.index_cast %add3A_286 : i32 to index
          %swap3A_292 = tpu.vector_load %arg8[%swap3A_291] {strides = array<i32>} : memref<12288xf32, #tpu.memory_space<vmem>>, vector<16xf32>,
          %swap3A_293 = vector.shape_cast %swap3A_292 : vector<16xf32> to vector<16xf32>
          %swap3A_294 = vector.shape_cast %add3A_290 : vector<16xf32> to vector<16xf32>
          tpu.vector_store %arg8[%swap3A_291], %swap3A_294 {strides = array<i32>} : memref<12288xf32, #tpu.memory_space<vmem>>, vector<16xf32>,
          %add3A_295 = arith.constant 128 : i32
          %add3A_296 = arith.addi %mul3A_153, %add3A_295 : i32
          %add3A_297 = arith.constant 96 : i32
          %add3A_298 = arith.addi %add3A_296, %add3A_297 : i32
          %get3A_299 = arith.index_cast %add3A_298 : i32 to index
          %get3A_300 = tpu.vector_load %arg8[%get3A_299] {strides = array<i32>} : memref<12288xf32, #tpu.memory_space<vmem>>, vector<16xf32>,
          %get3A_301 = vector.shape_cast %get3A_300 : vector<16xf32> to vector<16xf32>
          %max3A_302 = arith.maximumf %get3A_301, %while3A_151#14 : vector<16xf32>
          %swap3A_303 = arith.index_cast %add3A_298 : i32 to index
          %swap3A_304 = tpu.vector_load %arg8[%swap3A_303] {strides = array<i32>} : memref<12288xf32, #tpu.memory_space<vmem>>, vector<16xf32>,
          %swap3A_305 = vector.shape_cast %swap3A_304 : vector<16xf32> to vector<16xf32>
          %swap3A_306 = vector.shape_cast %max3A_302 : vector<16xf32> to vector<16xf32>
          tpu.vector_store %arg8[%swap3A_303], %swap3A_306 {strides = array<i32>} : memref<12288xf32, #tpu.memory_space<vmem>>, vector<16xf32>,
          %add3A_307 = arith.constant 112 : i32
          %add3A_308 = arith.addi %mul3A_153, %add3A_307 : i32
          %get3A_309 = arith.index_cast %add3A_308 : i32 to index
          %get3A_310 = tpu.vector_load %arg8[%get3A_309] {strides = array<i32>} : memref<12288xf32, #tpu.memory_space<vmem>>, vector<16xf32>,
          %get3A_311 = vector.shape_cast %get3A_310 : vector<16xf32> to vector<16xf32>
          %add3A_312 = arith.addf %get3A_311, %while3A_151#7 : vector<16xf32>
          %swap3A_313 = arith.index_cast %add3A_308 : i32 to index
          %swap3A_314 = tpu.vector_load %arg8[%swap3A_313] {strides = array<i32>} : memref<12288xf32, #tpu.memory_space<vmem>>, vector<16xf32>,
          %swap3A_315 = vector.shape_cast %swap3A_314 : vector<16xf32> to vector<16xf32>
          %swap3A_316 = vector.shape_cast %add3A_312 : vector<16xf32> to vector<16xf32>
          tpu.vector_store %arg8[%swap3A_313], %swap3A_316 {strides = array<i32>} : memref<12288xf32, #tpu.memory_space<vmem>>, vector<16xf32>,
          %add3A_317 = arith.constant 128 : i32
          %add3A_318 = arith.addi %mul3A_153, %add3A_317 : i32
          %add3A_319 = arith.constant 112 : i32
          %add3A_320 = arith.addi %add3A_318, %add3A_319 : i32
          %get3A_321 = arith.index_cast %add3A_320 : i32 to index
          %get3A_322 = tpu.vector_load %arg8[%get3A_321] {strides = array<i32>} : memref<12288xf32, #tpu.memory_space<vmem>>, vector<16xf32>,
          %get3A_323 = vector.shape_cast %get3A_322 : vector<16xf32> to vector<16xf32>
          %max3A_324 = arith.maximumf %get3A_323, %while3A_151#15 : vector<16xf32>
          %swap3A_325 = arith.index_cast %add3A_320 : i32 to index
          %swap3A_326 = tpu.vector_load %arg8[%swap3A_325] {strides = array<i32>} : memref<12288xf32, #tpu.memory_space<vmem>>, vector<16xf32>,
          %swap3A_327 = vector.shape_cast %swap3A_326 : vector<16xf32> to vector<16xf32>
          %swap3A_328 = vector.shape_cast %max3A_324 : vector<16xf32> to vector<16xf32>
          tpu.vector_store %arg8[%swap3A_325], %swap3A_328 {strides = array<i32>} : memref<12288xf32, #tpu.memory_space<vmem>>, vector<16xf32>,
        } else {
        }
        %scan3A_141 = arith.constant 0 : i32
        scf.yield %scan3A_141 : i32
      }
      %scan3A_113 = arith.constant 32 : i32
      %lt3A_114 = arith.cmpi slt, %add3A_93, %select_n3A : i32
      %convert_element_type3A_115 = arith.extui %lt3A_114 : i1 to i32
      %cond3A_116 = arith.constant 0 : i32
      %cond3A_117 = arith.cmpi ne, %convert_element_type3A_115, %cond3A_116 : i32
      scf.if %cond3A_117 {
        %add3A_119 = arith.constant 1 : i32
        %add3A_120 = arith.addi %add3A_93, %add3A_119 : i32
        %lt3A_121 = arith.cmpi slt, %add3A_120, %select_n3A : i32
        %convert_element_type3A_122 = arith.extui %lt3A_121 : i1 to i32
        %cond3A_123 = arith.constant 0 : i32
        %cond3A_124 = arith.cmpi ne, %convert_element_type3A_122, %cond3A_123 : i32
        scf.if %cond3A_124 {
          %add3A_144 = arith.constant 1 : i32
          %add3A_145 = arith.addi %add3A_93, %add3A_144 : i32
          %mul3A_146 = arith.constant 256 : i32
          %mul3A_147 = arith.muli %add3A_145, %mul3A_146 : i32
          %add3A_148 = arith.addi %squeeze3A, %mul3A_147 : i32
          %min3A_149 = arith.constant 99744 : i32
          %min3A_150 = arith.minsi %add3A_148, %min3A_149 : i32
          %mul3A_151 = arith.constant 128 : i32
          %mul3A_152 = arith.muli %min3A_150, %mul3A_151 : i32
          %dma_start3A = tpu.memref_slice %arg2[%mul3A_152] : memref<12800000xf32, #tpu.memory_space<hbm>> -> memref<32768xf32, #tpu.memory_space<hbm>>
          %dma_start3A_153 = tpu.memref_slice %arg2[%mul3A_152] : memref<12800000xf32, #tpu.memory_space<hbm>> -> memref<32768xf32, #tpu.memory_space<hbm>>
          tpu.enqueue_dma source(%dma_start3A_153 : memref<32768xf32, #tpu.memory_space<hbm>>) target(%arg6 : memref<32768xf32, #tpu.memory_space<vmem>>) target_semaphore(%arg11 : memref<!tpu.dma_semaphore, #tpu.memory_space<semaphore_mem>>)
        } else {
        }
        %dma_wait3A_125 = arith.constant 0 : i32
        %dma_wait3A_126 = tpu.memref_slice %arg2[%dma_wait3A_125] : memref<12800000xf32, #tpu.memory_space<hbm>> -> memref<32768xf32, #tpu.memory_space<hbm>>
        %dma_wait3A_127 = arith.constant 0 : i32
        %dma_wait3A_128 = tpu.memref_slice %arg2[%dma_wait3A_127] : memref<12800000xf32, #tpu.memory_space<hbm>> -> memref<32768xf32, #tpu.memory_space<hbm>>
        tpu.wait_dma2 semaphore(%arg12 : memref<!tpu.dma_semaphore, #tpu.memory_space<semaphore_mem>>) src(%dma_wait3A_128 : memref<32768xf32, #tpu.memory_space<hbm>>) dst(%arg7 : memref<32768xf32, #tpu.memory_space<vmem>>)
        %mul3A_129 = arith.constant 256 : i32
        %mul3A_130 = arith.muli %add3A_93, %mul3A_129 : i32
        %add3A_131 = arith.addi %squeeze3A, %mul3A_130 : i32
        %add3A_132 = arith.constant 256 : i32
        %add3A_133 = arith.addi %add3A_131, %add3A_132 : i32
        %min3A_134 = arith.minsi %add3A_133, %squeeze3A_18 : i32
        %min3A_135 = arith.constant 99744 : i32
        %min3A_136 = arith.minsi %add3A_131, %min3A_135 : i32
        %scan3A_137 = arith.constant 0 : i32
        %scan3A_138 = arith.constant 0 : i32
        %scan3A_139 = arith.constant 32 : i32
        %scan3A_140 = arith.addi %scan3A_138, %scan3A_139 : i32
        %scan3A_141 = arith.constant 1 : i32
        %scan3A_142 = scf.for %scan3A_144 = %scan3A_138 to %scan3A_140 step %scan3A_141 iter_args(%scan3A_145 = %scan3A_137) -> (i32)  : i32 {
          %get3A_146 = arith.index_cast %scan3A_144 : i32 to index
          %get3A_147 = tpu.vector_load %arg9[%get3A_146] {strides = array<i32>} : memref<48xi32, #tpu.memory_space<vmem>>, vector<16xi32>,
          %get3A_148 = vector.shape_cast %get3A_147 : vector<16xi32> to vector<16xi32>
          %slice3A_149 = vector.extract_strided_slice %get3A_148 {offsets = [0], sizes = [1], strides = [1]} : vector<16xi32> to vector<1xi32>
          %squeeze3A_150 = vector.extract %slice3A_149[0] : i32 from vector<1xi32>
          %add3A_151 = arith.constant 1 : i32
          %add3A_152 = arith.addi %scan3A_144, %add3A_151 : i32
          %get3A_153 = arith.index_cast %add3A_152 : i32 to index
          %get3A_154 = tpu.vector_load %arg9[%get3A_153] {strides = array<i32>} : memref<48xi32, #tpu.memory_space<vmem>>, vector<16xi32>,
          %get3A_155 = vector.shape_cast %get3A_154 : vector<16xi32> to vector<16xi32>
          %slice3A_156 = vector.extract_strided_slice %get3A_155 {offsets = [0], sizes = [1], strides = [1]} : vector<16xi32> to vector<1xi32>
          %squeeze3A_157 = vector.extract %slice3A_156[0] : i32 from vector<1xi32>
          %max3A = arith.maxsi %squeeze3A_150, %add3A_131 : i32
          %min3A_158 = arith.minsi %squeeze3A_157, %min3A_134 : i32
          %max3A_159 = arith.maxsi %max3A, %min3A_158 : i32
          %sub3A_160 = arith.subi %max3A, %min3A_136 : i32
          %sub3A_161 = arith.subi %max3A_159, %min3A_136 : i32
          %gt3A_162 = arith.cmpi sgt, %sub3A_161, %sub3A_160 : i32
          %convert_element_type3A_163 = arith.extui %gt3A_162 : i1 to i32
          %cond3A_164 = arith.constant 0 : i32
          %cond3A_165 = arith.cmpi ne, %convert_element_type3A_163, %cond3A_164 : i32
          scf.if %cond3A_165 {
            %while3A_167 = arith.subi %sub3A_161, %sub3A_160 : i32
            %while3A_168 = arith.addi %sub3A_160, %while3A_167 : i32
            %while3A_169 = arith.constant 1 : i32
            %while3A_170 = arith.divsi %while3A_167, %while3A_169 : i32
            %while3A_171 = arith.muli %while3A_170, %while3A_169 : i32
            %while3A_172 = arith.addi %sub3A_160, %while3A_171 : i32
            %while3A_173 = arith.constant 1 : i32
            %while3A_174:16 = scf.for %while3A_354 = %sub3A_160 to %while3A_172 step %while3A_173 iter_args(%while3A_355 = %broadcast_in_dim3A_3, %while3A_356 = %broadcast_in_dim3A_3, %while3A_357 = %broadcast_in_dim3A_3, %while3A_358 = %broadcast_in_dim3A_3, %while3A_359 = %broadcast_in_dim3A_3, %while3A_360 = %broadcast_in_dim3A_3, %while3A_361 = %broadcast_in_dim3A_3, %while3A_362 = %broadcast_in_dim3A_3, %while3A_363 = %broadcast_in_dim3A_5, %while3A_364 = %broadcast_in_dim3A_5, %while3A_365 = %broadcast_in_dim3A_5, %while3A_366 = %broadcast_in_dim3A_5, %while3A_367 = %broadcast_in_dim3A_5, %while3A_368 = %broadcast_in_dim3A_5, %while3A_369 = %broadcast_in_dim3A_5, %while3A_370 = %broadcast_in_dim3A_5) -> (vector<16xf32>, vector<16xf32>, vector<16xf32>, vector<16xf32>, vector<16xf32>, vector<16xf32>, vector<16xf32>, vector<16xf32>, vector<16xf32>, vector<16xf32>, vector<16xf32>, vector<16xf32>, vector<16xf32>, vector<16xf32>, vector<16xf32>, vector<16xf32>)  : i32 {
              %mul3A_371 = arith.constant 128 : i32
              %mul3A_372 = arith.muli %while3A_354, %mul3A_371 : i32
              %add3A_373 = arith.constant 0 : i32
              %add3A_374 = arith.addi %mul3A_372, %add3A_373 : i32
              %get3A_375 = arith.index_cast %add3A_374 : i32 to index
              %get3A_376 = tpu.vector_load %arg7[%get3A_375] {strides = array<i32>} : memref<32768xf32, #tpu.memory_space<vmem>>, vector<16xf32>,
              %get3A_377 = vector.shape_cast %get3A_376 : vector<16xf32> to vector<16xf32>
              %add3A_378 = arith.addf %while3A_355, %get3A_377 : vector<16xf32>
              %max3A_379 = arith.maximumf %while3A_363, %get3A_377 : vector<16xf32>
              %mul3A_380 = arith.constant 128 : i32
              %mul3A_381 = arith.muli %while3A_354, %mul3A_380 : i32
              %add3A_382 = arith.constant 16 : i32
              %add3A_383 = arith.addi %mul3A_381, %add3A_382 : i32
              %get3A_384 = arith.index_cast %add3A_383 : i32 to index
              %get3A_385 = tpu.vector_load %arg7[%get3A_384] {strides = array<i32>} : memref<32768xf32, #tpu.memory_space<vmem>>, vector<16xf32>,
              %get3A_386 = vector.shape_cast %get3A_385 : vector<16xf32> to vector<16xf32>
              %add3A_387 = arith.addf %while3A_356, %get3A_386 : vector<16xf32>
              %max3A_388 = arith.maximumf %while3A_364, %get3A_386 : vector<16xf32>
              %mul3A_389 = arith.constant 128 : i32
              %mul3A_390 = arith.muli %while3A_354, %mul3A_389 : i32
              %add3A_391 = arith.constant 32 : i32
              %add3A_392 = arith.addi %mul3A_390, %add3A_391 : i32
              %get3A_393 = arith.index_cast %add3A_392 : i32 to index
              %get3A_394 = tpu.vector_load %arg7[%get3A_393] {strides = array<i32>} : memref<32768xf32, #tpu.memory_space<vmem>>, vector<16xf32>,
              %get3A_395 = vector.shape_cast %get3A_394 : vector<16xf32> to vector<16xf32>
              %add3A_396 = arith.addf %while3A_357, %get3A_395 : vector<16xf32>
              %max3A_397 = arith.maximumf %while3A_365, %get3A_395 : vector<16xf32>
              %mul3A_398 = arith.constant 128 : i32
              %mul3A_399 = arith.muli %while3A_354, %mul3A_398 : i32
              %add3A_400 = arith.constant 48 : i32
              %add3A_401 = arith.addi %mul3A_399, %add3A_400 : i32
              %get3A_402 = arith.index_cast %add3A_401 : i32 to index
              %get3A_403 = tpu.vector_load %arg7[%get3A_402] {strides = array<i32>} : memref<32768xf32, #tpu.memory_space<vmem>>, vector<16xf32>,
              %get3A_404 = vector.shape_cast %get3A_403 : vector<16xf32> to vector<16xf32>
              %add3A_405 = arith.addf %while3A_358, %get3A_404 : vector<16xf32>
              %max3A_406 = arith.maximumf %while3A_366, %get3A_404 : vector<16xf32>
              %mul3A_407 = arith.constant 128 : i32
              %mul3A_408 = arith.muli %while3A_354, %mul3A_407 : i32
              %add3A_409 = arith.constant 64 : i32
              %add3A_410 = arith.addi %mul3A_408, %add3A_409 : i32
              %get3A_411 = arith.index_cast %add3A_410 : i32 to index
              %get3A_412 = tpu.vector_load %arg7[%get3A_411] {strides = array<i32>} : memref<32768xf32, #tpu.memory_space<vmem>>, vector<16xf32>,
              %get3A_413 = vector.shape_cast %get3A_412 : vector<16xf32> to vector<16xf32>
              %add3A_414 = arith.addf %while3A_359, %get3A_413 : vector<16xf32>
              %max3A_415 = arith.maximumf %while3A_367, %get3A_413 : vector<16xf32>
              %mul3A_416 = arith.constant 128 : i32
              %mul3A_417 = arith.muli %while3A_354, %mul3A_416 : i32
              %add3A_418 = arith.constant 80 : i32
              %add3A_419 = arith.addi %mul3A_417, %add3A_418 : i32
              %get3A_420 = arith.index_cast %add3A_419 : i32 to index
              %get3A_421 = tpu.vector_load %arg7[%get3A_420] {strides = array<i32>} : memref<32768xf32, #tpu.memory_space<vmem>>, vector<16xf32>,
              %get3A_422 = vector.shape_cast %get3A_421 : vector<16xf32> to vector<16xf32>
              %add3A_423 = arith.addf %while3A_360, %get3A_422 : vector<16xf32>
              %max3A_424 = arith.maximumf %while3A_368, %get3A_422 : vector<16xf32>
              %mul3A_425 = arith.constant 128 : i32
              %mul3A_426 = arith.muli %while3A_354, %mul3A_425 : i32
              %add3A_427 = arith.constant 96 : i32
              %add3A_428 = arith.addi %mul3A_426, %add3A_427 : i32
              %get3A_429 = arith.index_cast %add3A_428 : i32 to index
              %get3A_430 = tpu.vector_load %arg7[%get3A_429] {strides = array<i32>} : memref<32768xf32, #tpu.memory_space<vmem>>, vector<16xf32>,
              %get3A_431 = vector.shape_cast %get3A_430 : vector<16xf32> to vector<16xf32>
              %add3A_432 = arith.addf %while3A_361, %get3A_431 : vector<16xf32>
              %max3A_433 = arith.maximumf %while3A_369, %get3A_431 : vector<16xf32>
              %mul3A_434 = arith.constant 128 : i32
              %mul3A_435 = arith.muli %while3A_354, %mul3A_434 : i32
              %add3A_436 = arith.constant 112 : i32
              %add3A_437 = arith.addi %mul3A_435, %add3A_436 : i32
              %get3A_438 = arith.index_cast %add3A_437 : i32 to index
              %get3A_439 = tpu.vector_load %arg7[%get3A_438] {strides = array<i32>} : memref<32768xf32, #tpu.memory_space<vmem>>, vector<16xf32>,
              %get3A_440 = vector.shape_cast %get3A_439 : vector<16xf32> to vector<16xf32>
              %add3A_441 = arith.addf %while3A_362, %get3A_440 : vector<16xf32>
              %max3A_442 = arith.maximumf %while3A_370, %get3A_440 : vector<16xf32>
              scf.yield %add3A_378, %add3A_387, %add3A_396, %add3A_405, %add3A_414, %add3A_423, %add3A_432, %add3A_441, %max3A_379, %max3A_388, %max3A_397, %max3A_406, %max3A_415, %max3A_424, %max3A_433, %max3A_442 : vector<16xf32>, vector<16xf32>, vector<16xf32>, vector<16xf32>, vector<16xf32>, vector<16xf32>, vector<16xf32>, vector<16xf32>, vector<16xf32>, vector<16xf32>, vector<16xf32>, vector<16xf32>, vector<16xf32>, vector<16xf32>, vector<16xf32>, vector<16xf32>
            }
            %while3A_175 = arith.constant 1 : i32
            %while3A_176:16 = scf.for %while3A_354 = %while3A_172 to %while3A_168 step %while3A_175 iter_args(%while3A_355 = %while3A_174#0, %while3A_356 = %while3A_174#1, %while3A_357 = %while3A_174#2, %while3A_358 = %while3A_174#3, %while3A_359 = %while3A_174#4, %while3A_360 = %while3A_174#5, %while3A_361 = %while3A_174#6, %while3A_362 = %while3A_174#7, %while3A_363 = %while3A_174#8, %while3A_364 = %while3A_174#9, %while3A_365 = %while3A_174#10, %while3A_366 = %while3A_174#11, %while3A_367 = %while3A_174#12, %while3A_368 = %while3A_174#13, %while3A_369 = %while3A_174#14, %while3A_370 = %while3A_174#15) -> (vector<16xf32>, vector<16xf32>, vector<16xf32>, vector<16xf32>, vector<16xf32>, vector<16xf32>, vector<16xf32>, vector<16xf32>, vector<16xf32>, vector<16xf32>, vector<16xf32>, vector<16xf32>, vector<16xf32>, vector<16xf32>, vector<16xf32>, vector<16xf32>)  : i32 {
              %mul3A_371 = arith.constant 128 : i32
              %mul3A_372 = arith.muli %while3A_354, %mul3A_371 : i32
              %add3A_373 = arith.constant 0 : i32
              %add3A_374 = arith.addi %mul3A_372, %add3A_373 : i32
              %get3A_375 = arith.index_cast %add3A_374 : i32 to index
              %get3A_376 = tpu.vector_load %arg7[%get3A_375] {strides = array<i32>} : memref<32768xf32, #tpu.memory_space<vmem>>, vector<16xf32>,
              %get3A_377 = vector.shape_cast %get3A_376 : vector<16xf32> to vector<16xf32>
              %add3A_378 = arith.addf %while3A_355, %get3A_377 : vector<16xf32>
              %max3A_379 = arith.maximumf %while3A_363, %get3A_377 : vector<16xf32>
              %mul3A_380 = arith.constant 128 : i32
              %mul3A_381 = arith.muli %while3A_354, %mul3A_380 : i32
              %add3A_382 = arith.constant 16 : i32
              %add3A_383 = arith.addi %mul3A_381, %add3A_382 : i32
              %get3A_384 = arith.index_cast %add3A_383 : i32 to index
              %get3A_385 = tpu.vector_load %arg7[%get3A_384] {strides = array<i32>} : memref<32768xf32, #tpu.memory_space<vmem>>, vector<16xf32>,
              %get3A_386 = vector.shape_cast %get3A_385 : vector<16xf32> to vector<16xf32>
              %add3A_387 = arith.addf %while3A_356, %get3A_386 : vector<16xf32>
              %max3A_388 = arith.maximumf %while3A_364, %get3A_386 : vector<16xf32>
              %mul3A_389 = arith.constant 128 : i32
              %mul3A_390 = arith.muli %while3A_354, %mul3A_389 : i32
              %add3A_391 = arith.constant 32 : i32
              %add3A_392 = arith.addi %mul3A_390, %add3A_391 : i32
              %get3A_393 = arith.index_cast %add3A_392 : i32 to index
              %get3A_394 = tpu.vector_load %arg7[%get3A_393] {strides = array<i32>} : memref<32768xf32, #tpu.memory_space<vmem>>, vector<16xf32>,
              %get3A_395 = vector.shape_cast %get3A_394 : vector<16xf32> to vector<16xf32>
              %add3A_396 = arith.addf %while3A_357, %get3A_395 : vector<16xf32>
              %max3A_397 = arith.maximumf %while3A_365, %get3A_395 : vector<16xf32>
              %mul3A_398 = arith.constant 128 : i32
              %mul3A_399 = arith.muli %while3A_354, %mul3A_398 : i32
              %add3A_400 = arith.constant 48 : i32
              %add3A_401 = arith.addi %mul3A_399, %add3A_400 : i32
              %get3A_402 = arith.index_cast %add3A_401 : i32 to index
              %get3A_403 = tpu.vector_load %arg7[%get3A_402] {strides = array<i32>} : memref<32768xf32, #tpu.memory_space<vmem>>, vector<16xf32>,
              %get3A_404 = vector.shape_cast %get3A_403 : vector<16xf32> to vector<16xf32>
              %add3A_405 = arith.addf %while3A_358, %get3A_404 : vector<16xf32>
              %max3A_406 = arith.maximumf %while3A_366, %get3A_404 : vector<16xf32>
              %mul3A_407 = arith.constant 128 : i32
              %mul3A_408 = arith.muli %while3A_354, %mul3A_407 : i32
              %add3A_409 = arith.constant 64 : i32
              %add3A_410 = arith.addi %mul3A_408, %add3A_409 : i32
              %get3A_411 = arith.index_cast %add3A_410 : i32 to index
              %get3A_412 = tpu.vector_load %arg7[%get3A_411] {strides = array<i32>} : memref<32768xf32, #tpu.memory_space<vmem>>, vector<16xf32>,
              %get3A_413 = vector.shape_cast %get3A_412 : vector<16xf32> to vector<16xf32>
              %add3A_414 = arith.addf %while3A_359, %get3A_413 : vector<16xf32>
              %max3A_415 = arith.maximumf %while3A_367, %get3A_413 : vector<16xf32>
              %mul3A_416 = arith.constant 128 : i32
              %mul3A_417 = arith.muli %while3A_354, %mul3A_416 : i32
              %add3A_418 = arith.constant 80 : i32
              %add3A_419 = arith.addi %mul3A_417, %add3A_418 : i32
              %get3A_420 = arith.index_cast %add3A_419 : i32 to index
              %get3A_421 = tpu.vector_load %arg7[%get3A_420] {strides = array<i32>} : memref<32768xf32, #tpu.memory_space<vmem>>, vector<16xf32>,
              %get3A_422 = vector.shape_cast %get3A_421 : vector<16xf32> to vector<16xf32>
              %add3A_423 = arith.addf %while3A_360, %get3A_422 : vector<16xf32>
              %max3A_424 = arith.maximumf %while3A_368, %get3A_422 : vector<16xf32>
              %mul3A_425 = arith.constant 128 : i32
              %mul3A_426 = arith.muli %while3A_354, %mul3A_425 : i32
              %add3A_427 = arith.constant 96 : i32
              %add3A_428 = arith.addi %mul3A_426, %add3A_427 : i32
              %get3A_429 = arith.index_cast %add3A_428 : i32 to index
              %get3A_430 = tpu.vector_load %arg7[%get3A_429] {strides = array<i32>} : memref<32768xf32, #tpu.memory_space<vmem>>, vector<16xf32>,
              %get3A_431 = vector.shape_cast %get3A_430 : vector<16xf32> to vector<16xf32>
              %add3A_432 = arith.addf %while3A_361, %get3A_431 : vector<16xf32>
              %max3A_433 = arith.maximumf %while3A_369, %get3A_431 : vector<16xf32>
              %mul3A_434 = arith.constant 128 : i32
              %mul3A_435 = arith.muli %while3A_354, %mul3A_434 : i32
              %add3A_436 = arith.constant 112 : i32
              %add3A_437 = arith.addi %mul3A_435, %add3A_436 : i32
              %get3A_438 = arith.index_cast %add3A_437 : i32 to index
              %get3A_439 = tpu.vector_load %arg7[%get3A_438] {strides = array<i32>} : memref<32768xf32, #tpu.memory_space<vmem>>, vector<16xf32>,
              %get3A_440 = vector.shape_cast %get3A_439 : vector<16xf32> to vector<16xf32>
              %add3A_441 = arith.addf %while3A_362, %get3A_440 : vector<16xf32>
              %max3A_442 = arith.maximumf %while3A_370, %get3A_440 : vector<16xf32>
              scf.yield %add3A_378, %add3A_387, %add3A_396, %add3A_405, %add3A_414, %add3A_423, %add3A_432, %add3A_441, %max3A_379, %max3A_388, %max3A_397, %max3A_406, %max3A_415, %max3A_424, %max3A_433, %max3A_442 : vector<16xf32>, vector<16xf32>, vector<16xf32>, vector<16xf32>, vector<16xf32>, vector<16xf32>, vector<16xf32>, vector<16xf32>, vector<16xf32>, vector<16xf32>, vector<16xf32>, vector<16xf32>, vector<16xf32>, vector<16xf32>, vector<16xf32>, vector<16xf32>
            }
            %mul3A_177 = arith.constant 384 : i32
            %mul3A_178 = arith.muli %scan3A_144, %mul3A_177 : i32
            %add3A_179 = arith.constant 0 : i32
            %add3A_180 = arith.addi %mul3A_178, %add3A_179 : i32
            %get3A_181 = arith.index_cast %add3A_180 : i32 to index
            %get3A_182 = tpu.vector_load %arg8[%get3A_181] {strides = array<i32>} : memref<12288xf32, #tpu.memory_space<vmem>>, vector<16xf32>,
            %get3A_183 = vector.shape_cast %get3A_182 : vector<16xf32> to vector<16xf32>
            %add3A_184 = arith.addf %get3A_183, %while3A_176#0 : vector<16xf32>
            %swap3A = arith.index_cast %add3A_180 : i32 to index
            %swap3A_185 = tpu.vector_load %arg8[%swap3A] {strides = array<i32>} : memref<12288xf32, #tpu.memory_space<vmem>>, vector<16xf32>,
            %swap3A_186 = vector.shape_cast %swap3A_185 : vector<16xf32> to vector<16xf32>
            %swap3A_187 = vector.shape_cast %add3A_184 : vector<16xf32> to vector<16xf32>
            tpu.vector_store %arg8[%swap3A], %swap3A_187 {strides = array<i32>} : memref<12288xf32, #tpu.memory_space<vmem>>, vector<16xf32>,
            %add3A_188 = arith.constant 128 : i32
            %add3A_189 = arith.addi %mul3A_178, %add3A_188 : i32
            %add3A_190 = arith.constant 0 : i32
            %add3A_191 = arith.addi %add3A_189, %add3A_190 : i32
            %get3A_192 = arith.index_cast %add3A_191 : i32 to index
            %get3A_193 = tpu.vector_load %arg8[%get3A_192] {strides = array<i32>} : memref<12288xf32, #tpu.memory_space<vmem>>, vector<16xf32>,
            %get3A_194 = vector.shape_cast %get3A_193 : vector<16xf32> to vector<16xf32>
            %max3A_195 = arith.maximumf %get3A_194, %while3A_176#8 : vector<16xf32>
            %swap3A_196 = arith.index_cast %add3A_191 : i32 to index
            %swap3A_197 = tpu.vector_load %arg8[%swap3A_196] {strides = array<i32>} : memref<12288xf32, #tpu.memory_space<vmem>>, vector<16xf32>,
            %swap3A_198 = vector.shape_cast %swap3A_197 : vector<16xf32> to vector<16xf32>
            %swap3A_199 = vector.shape_cast %max3A_195 : vector<16xf32> to vector<16xf32>
            tpu.vector_store %arg8[%swap3A_196], %swap3A_199 {strides = array<i32>} : memref<12288xf32, #tpu.memory_space<vmem>>, vector<16xf32>,
            %add3A_200 = arith.constant 16 : i32
            %add3A_201 = arith.addi %mul3A_178, %add3A_200 : i32
            %get3A_202 = arith.index_cast %add3A_201 : i32 to index
            %get3A_203 = tpu.vector_load %arg8[%get3A_202] {strides = array<i32>} : memref<12288xf32, #tpu.memory_space<vmem>>, vector<16xf32>,
            %get3A_204 = vector.shape_cast %get3A_203 : vector<16xf32> to vector<16xf32>
            %add3A_205 = arith.addf %get3A_204, %while3A_176#1 : vector<16xf32>
            %swap3A_206 = arith.index_cast %add3A_201 : i32 to index
            %swap3A_207 = tpu.vector_load %arg8[%swap3A_206] {strides = array<i32>} : memref<12288xf32, #tpu.memory_space<vmem>>, vector<16xf32>,
            %swap3A_208 = vector.shape_cast %swap3A_207 : vector<16xf32> to vector<16xf32>
            %swap3A_209 = vector.shape_cast %add3A_205 : vector<16xf32> to vector<16xf32>
            tpu.vector_store %arg8[%swap3A_206], %swap3A_209 {strides = array<i32>} : memref<12288xf32, #tpu.memory_space<vmem>>, vector<16xf32>,
            %add3A_210 = arith.constant 128 : i32
            %add3A_211 = arith.addi %mul3A_178, %add3A_210 : i32
            %add3A_212 = arith.constant 16 : i32
            %add3A_213 = arith.addi %add3A_211, %add3A_212 : i32
            %get3A_214 = arith.index_cast %add3A_213 : i32 to index
            %get3A_215 = tpu.vector_load %arg8[%get3A_214] {strides = array<i32>} : memref<12288xf32, #tpu.memory_space<vmem>>, vector<16xf32>,
            %get3A_216 = vector.shape_cast %get3A_215 : vector<16xf32> to vector<16xf32>
            %max3A_217 = arith.maximumf %get3A_216, %while3A_176#9 : vector<16xf32>
            %swap3A_218 = arith.index_cast %add3A_213 : i32 to index
            %swap3A_219 = tpu.vector_load %arg8[%swap3A_218] {strides = array<i32>} : memref<12288xf32, #tpu.memory_space<vmem>>, vector<16xf32>,
            %swap3A_220 = vector.shape_cast %swap3A_219 : vector<16xf32> to vector<16xf32>
            %swap3A_221 = vector.shape_cast %max3A_217 : vector<16xf32> to vector<16xf32>
            tpu.vector_store %arg8[%swap3A_218], %swap3A_221 {strides = array<i32>} : memref<12288xf32, #tpu.memory_space<vmem>>, vector<16xf32>,
            %add3A_222 = arith.constant 32 : i32
            %add3A_223 = arith.addi %mul3A_178, %add3A_222 : i32
            %get3A_224 = arith.index_cast %add3A_223 : i32 to index
            %get3A_225 = tpu.vector_load %arg8[%get3A_224] {strides = array<i32>} : memref<12288xf32, #tpu.memory_space<vmem>>, vector<16xf32>,
            %get3A_226 = vector.shape_cast %get3A_225 : vector<16xf32> to vector<16xf32>
            %add3A_227 = arith.addf %get3A_226, %while3A_176#2 : vector<16xf32>
            %swap3A_228 = arith.index_cast %add3A_223 : i32 to index
            %swap3A_229 = tpu.vector_load %arg8[%swap3A_228] {strides = array<i32>} : memref<12288xf32, #tpu.memory_space<vmem>>, vector<16xf32>,
            %swap3A_230 = vector.shape_cast %swap3A_229 : vector<16xf32> to vector<16xf32>
            %swap3A_231 = vector.shape_cast %add3A_227 : vector<16xf32> to vector<16xf32>
            tpu.vector_store %arg8[%swap3A_228], %swap3A_231 {strides = array<i32>} : memref<12288xf32, #tpu.memory_space<vmem>>, vector<16xf32>,
            %add3A_232 = arith.constant 128 : i32
            %add3A_233 = arith.addi %mul3A_178, %add3A_232 : i32
            %add3A_234 = arith.constant 32 : i32
            %add3A_235 = arith.addi %add3A_233, %add3A_234 : i32
            %get3A_236 = arith.index_cast %add3A_235 : i32 to index
            %get3A_237 = tpu.vector_load %arg8[%get3A_236] {strides = array<i32>} : memref<12288xf32, #tpu.memory_space<vmem>>, vector<16xf32>,
            %get3A_238 = vector.shape_cast %get3A_237 : vector<16xf32> to vector<16xf32>
            %max3A_239 = arith.maximumf %get3A_238, %while3A_176#10 : vector<16xf32>
            %swap3A_240 = arith.index_cast %add3A_235 : i32 to index
            %swap3A_241 = tpu.vector_load %arg8[%swap3A_240] {strides = array<i32>} : memref<12288xf32, #tpu.memory_space<vmem>>, vector<16xf32>,
            %swap3A_242 = vector.shape_cast %swap3A_241 : vector<16xf32> to vector<16xf32>
            %swap3A_243 = vector.shape_cast %max3A_239 : vector<16xf32> to vector<16xf32>
            tpu.vector_store %arg8[%swap3A_240], %swap3A_243 {strides = array<i32>} : memref<12288xf32, #tpu.memory_space<vmem>>, vector<16xf32>,
            %add3A_244 = arith.constant 48 : i32
            %add3A_245 = arith.addi %mul3A_178, %add3A_244 : i32
            %get3A_246 = arith.index_cast %add3A_245 : i32 to index
            %get3A_247 = tpu.vector_load %arg8[%get3A_246] {strides = array<i32>} : memref<12288xf32, #tpu.memory_space<vmem>>, vector<16xf32>,
            %get3A_248 = vector.shape_cast %get3A_247 : vector<16xf32> to vector<16xf32>
            %add3A_249 = arith.addf %get3A_248, %while3A_176#3 : vector<16xf32>
            %swap3A_250 = arith.index_cast %add3A_245 : i32 to index
            %swap3A_251 = tpu.vector_load %arg8[%swap3A_250] {strides = array<i32>} : memref<12288xf32, #tpu.memory_space<vmem>>, vector<16xf32>,
            %swap3A_252 = vector.shape_cast %swap3A_251 : vector<16xf32> to vector<16xf32>
            %swap3A_253 = vector.shape_cast %add3A_249 : vector<16xf32> to vector<16xf32>
            tpu.vector_store %arg8[%swap3A_250], %swap3A_253 {strides = array<i32>} : memref<12288xf32, #tpu.memory_space<vmem>>, vector<16xf32>,
            %add3A_254 = arith.constant 128 : i32
            %add3A_255 = arith.addi %mul3A_178, %add3A_254 : i32
            %add3A_256 = arith.constant 48 : i32
            %add3A_257 = arith.addi %add3A_255, %add3A_256 : i32
            %get3A_258 = arith.index_cast %add3A_257 : i32 to index
            %get3A_259 = tpu.vector_load %arg8[%get3A_258] {strides = array<i32>} : memref<12288xf32, #tpu.memory_space<vmem>>, vector<16xf32>,
            %get3A_260 = vector.shape_cast %get3A_259 : vector<16xf32> to vector<16xf32>
            %max3A_261 = arith.maximumf %get3A_260, %while3A_176#11 : vector<16xf32>
            %swap3A_262 = arith.index_cast %add3A_257 : i32 to index
            %swap3A_263 = tpu.vector_load %arg8[%swap3A_262] {strides = array<i32>} : memref<12288xf32, #tpu.memory_space<vmem>>, vector<16xf32>,
            %swap3A_264 = vector.shape_cast %swap3A_263 : vector<16xf32> to vector<16xf32>
            %swap3A_265 = vector.shape_cast %max3A_261 : vector<16xf32> to vector<16xf32>
            tpu.vector_store %arg8[%swap3A_262], %swap3A_265 {strides = array<i32>} : memref<12288xf32, #tpu.memory_space<vmem>>, vector<16xf32>,
            %add3A_266 = arith.constant 64 : i32
            %add3A_267 = arith.addi %mul3A_178, %add3A_266 : i32
            %get3A_268 = arith.index_cast %add3A_267 : i32 to index
            %get3A_269 = tpu.vector_load %arg8[%get3A_268] {strides = array<i32>} : memref<12288xf32, #tpu.memory_space<vmem>>, vector<16xf32>,
            %get3A_270 = vector.shape_cast %get3A_269 : vector<16xf32> to vector<16xf32>
            %add3A_271 = arith.addf %get3A_270, %while3A_176#4 : vector<16xf32>
            %swap3A_272 = arith.index_cast %add3A_267 : i32 to index
            %swap3A_273 = tpu.vector_load %arg8[%swap3A_272] {strides = array<i32>} : memref<12288xf32, #tpu.memory_space<vmem>>, vector<16xf32>,
            %swap3A_274 = vector.shape_cast %swap3A_273 : vector<16xf32> to vector<16xf32>
            %swap3A_275 = vector.shape_cast %add3A_271 : vector<16xf32> to vector<16xf32>
            tpu.vector_store %arg8[%swap3A_272], %swap3A_275 {strides = array<i32>} : memref<12288xf32, #tpu.memory_space<vmem>>, vector<16xf32>,
            %add3A_276 = arith.constant 128 : i32
            %add3A_277 = arith.addi %mul3A_178, %add3A_276 : i32
            %add3A_278 = arith.constant 64 : i32
            %add3A_279 = arith.addi %add3A_277, %add3A_278 : i32
            %get3A_280 = arith.index_cast %add3A_279 : i32 to index
            %get3A_281 = tpu.vector_load %arg8[%get3A_280] {strides = array<i32>} : memref<12288xf32, #tpu.memory_space<vmem>>, vector<16xf32>,
            %get3A_282 = vector.shape_cast %get3A_281 : vector<16xf32> to vector<16xf32>
            %max3A_283 = arith.maximumf %get3A_282, %while3A_176#12 : vector<16xf32>
            %swap3A_284 = arith.index_cast %add3A_279 : i32 to index
            %swap3A_285 = tpu.vector_load %arg8[%swap3A_284] {strides = array<i32>} : memref<12288xf32, #tpu.memory_space<vmem>>, vector<16xf32>,
            %swap3A_286 = vector.shape_cast %swap3A_285 : vector<16xf32> to vector<16xf32>
            %swap3A_287 = vector.shape_cast %max3A_283 : vector<16xf32> to vector<16xf32>
            tpu.vector_store %arg8[%swap3A_284], %swap3A_287 {strides = array<i32>} : memref<12288xf32, #tpu.memory_space<vmem>>, vector<16xf32>,
            %add3A_288 = arith.constant 80 : i32
            %add3A_289 = arith.addi %mul3A_178, %add3A_288 : i32
            %get3A_290 = arith.index_cast %add3A_289 : i32 to index
            %get3A_291 = tpu.vector_load %arg8[%get3A_290] {strides = array<i32>} : memref<12288xf32, #tpu.memory_space<vmem>>, vector<16xf32>,
            %get3A_292 = vector.shape_cast %get3A_291 : vector<16xf32> to vector<16xf32>
            %add3A_293 = arith.addf %get3A_292, %while3A_176#5 : vector<16xf32>
            %swap3A_294 = arith.index_cast %add3A_289 : i32 to index
            %swap3A_295 = tpu.vector_load %arg8[%swap3A_294] {strides = array<i32>} : memref<12288xf32, #tpu.memory_space<vmem>>, vector<16xf32>,
            %swap3A_296 = vector.shape_cast %swap3A_295 : vector<16xf32> to vector<16xf32>
            %swap3A_297 = vector.shape_cast %add3A_293 : vector<16xf32> to vector<16xf32>
            tpu.vector_store %arg8[%swap3A_294], %swap3A_297 {strides = array<i32>} : memref<12288xf32, #tpu.memory_space<vmem>>, vector<16xf32>,
            %add3A_298 = arith.constant 128 : i32
            %add3A_299 = arith.addi %mul3A_178, %add3A_298 : i32
            %add3A_300 = arith.constant 80 : i32
            %add3A_301 = arith.addi %add3A_299, %add3A_300 : i32
            %get3A_302 = arith.index_cast %add3A_301 : i32 to index
            %get3A_303 = tpu.vector_load %arg8[%get3A_302] {strides = array<i32>} : memref<12288xf32, #tpu.memory_space<vmem>>, vector<16xf32>,
            %get3A_304 = vector.shape_cast %get3A_303 : vector<16xf32> to vector<16xf32>
            %max3A_305 = arith.maximumf %get3A_304, %while3A_176#13 : vector<16xf32>
            %swap3A_306 = arith.index_cast %add3A_301 : i32 to index
            %swap3A_307 = tpu.vector_load %arg8[%swap3A_306] {strides = array<i32>} : memref<12288xf32, #tpu.memory_space<vmem>>, vector<16xf32>,
            %swap3A_308 = vector.shape_cast %swap3A_307 : vector<16xf32> to vector<16xf32>
            %swap3A_309 = vector.shape_cast %max3A_305 : vector<16xf32> to vector<16xf32>
            tpu.vector_store %arg8[%swap3A_306], %swap3A_309 {strides = array<i32>} : memref<12288xf32, #tpu.memory_space<vmem>>, vector<16xf32>,
            %add3A_310 = arith.constant 96 : i32
            %add3A_311 = arith.addi %mul3A_178, %add3A_310 : i32
            %get3A_312 = arith.index_cast %add3A_311 : i32 to index
            %get3A_313 = tpu.vector_load %arg8[%get3A_312] {strides = array<i32>} : memref<12288xf32, #tpu.memory_space<vmem>>, vector<16xf32>,
            %get3A_314 = vector.shape_cast %get3A_313 : vector<16xf32> to vector<16xf32>
            %add3A_315 = arith.addf %get3A_314, %while3A_176#6 : vector<16xf32>
            %swap3A_316 = arith.index_cast %add3A_311 : i32 to index
            %swap3A_317 = tpu.vector_load %arg8[%swap3A_316] {strides = array<i32>} : memref<12288xf32, #tpu.memory_space<vmem>>, vector<16xf32>,
            %swap3A_318 = vector.shape_cast %swap3A_317 : vector<16xf32> to vector<16xf32>
            %swap3A_319 = vector.shape_cast %add3A_315 : vector<16xf32> to vector<16xf32>
            tpu.vector_store %arg8[%swap3A_316], %swap3A_319 {strides = array<i32>} : memref<12288xf32, #tpu.memory_space<vmem>>, vector<16xf32>,
            %add3A_320 = arith.constant 128 : i32
            %add3A_321 = arith.addi %mul3A_178, %add3A_320 : i32
            %add3A_322 = arith.constant 96 : i32
            %add3A_323 = arith.addi %add3A_321, %add3A_322 : i32
            %get3A_324 = arith.index_cast %add3A_323 : i32 to index
            %get3A_325 = tpu.vector_load %arg8[%get3A_324] {strides = array<i32>} : memref<12288xf32, #tpu.memory_space<vmem>>, vector<16xf32>,
            %get3A_326 = vector.shape_cast %get3A_325 : vector<16xf32> to vector<16xf32>
            %max3A_327 = arith.maximumf %get3A_326, %while3A_176#14 : vector<16xf32>
            %swap3A_328 = arith.index_cast %add3A_323 : i32 to index
            %swap3A_329 = tpu.vector_load %arg8[%swap3A_328] {strides = array<i32>} : memref<12288xf32, #tpu.memory_space<vmem>>, vector<16xf32>,
            %swap3A_330 = vector.shape_cast %swap3A_329 : vector<16xf32> to vector<16xf32>
            %swap3A_331 = vector.shape_cast %max3A_327 : vector<16xf32> to vector<16xf32>
            tpu.vector_store %arg8[%swap3A_328], %swap3A_331 {strides = array<i32>} : memref<12288xf32, #tpu.memory_space<vmem>>, vector<16xf32>,
            %add3A_332 = arith.constant 112 : i32
            %add3A_333 = arith.addi %mul3A_178, %add3A_332 : i32
            %get3A_334 = arith.index_cast %add3A_333 : i32 to index
            %get3A_335 = tpu.vector_load %arg8[%get3A_334] {strides = array<i32>} : memref<12288xf32, #tpu.memory_space<vmem>>, vector<16xf32>,
            %get3A_336 = vector.shape_cast %get3A_335 : vector<16xf32> to vector<16xf32>
            %add3A_337 = arith.addf %get3A_336, %while3A_176#7 : vector<16xf32>
            %swap3A_338 = arith.index_cast %add3A_333 : i32 to index
            %swap3A_339 = tpu.vector_load %arg8[%swap3A_338] {strides = array<i32>} : memref<12288xf32, #tpu.memory_space<vmem>>, vector<16xf32>,
            %swap3A_340 = vector.shape_cast %swap3A_339 : vector<16xf32> to vector<16xf32>
            %swap3A_341 = vector.shape_cast %add3A_337 : vector<16xf32> to vector<16xf32>
            tpu.vector_store %arg8[%swap3A_338], %swap3A_341 {strides = array<i32>} : memref<12288xf32, #tpu.memory_space<vmem>>, vector<16xf32>,
            %add3A_342 = arith.constant 128 : i32
            %add3A_343 = arith.addi %mul3A_178, %add3A_342 : i32
            %add3A_344 = arith.constant 112 : i32
            %add3A_345 = arith.addi %add3A_343, %add3A_344 : i32
            %get3A_346 = arith.index_cast %add3A_345 : i32 to index
            %get3A_347 = tpu.vector_load %arg8[%get3A_346] {strides = array<i32>} : memref<12288xf32, #tpu.memory_space<vmem>>, vector<16xf32>,
            %get3A_348 = vector.shape_cast %get3A_347 : vector<16xf32> to vector<16xf32>
            %max3A_349 = arith.maximumf %get3A_348, %while3A_176#15 : vector<16xf32>
            %swap3A_350 = arith.index_cast %add3A_345 : i32 to index
            %swap3A_351 = tpu.vector_load %arg8[%swap3A_350] {strides = array<i32>} : memref<12288xf32, #tpu.memory_space<vmem>>, vector<16xf32>,
            %swap3A_352 = vector.shape_cast %swap3A_351 : vector<16xf32> to vector<16xf32>
            %swap3A_353 = vector.shape_cast %max3A_349 : vector<16xf32> to vector<16xf32>
            tpu.vector_store %arg8[%swap3A_350], %swap3A_353 {strides = array<i32>} : memref<12288xf32, #tpu.memory_space<vmem>>, vector<16xf32>,
          } else {
          }
          %scan3A_166 = arith.constant 0 : i32
          scf.yield %scan3A_166 : i32
        }
        %scan3A_143 = arith.constant 32 : i32
      } else {
      }
      %while3A_118 = arith.constant 0 : i32
      scf.yield %while3A_118 : i32
    }
    %scan3A_79 = arith.constant 0 : i32
    %scan3A_80 = arith.constant 0 : i32
    %scan3A_81 = arith.constant 32 : i32
    %scan3A_82 = arith.addi %scan3A_80, %scan3A_81 : i32
    %scan3A_83 = arith.constant 1 : i32
    %scan3A_84 = scf.for %scan3A_88 = %scan3A_80 to %scan3A_82 step %scan3A_83 iter_args(%scan3A_89 = %scan3A_79) -> (i32)  : i32 {
      %get3A_90 = arith.index_cast %scan3A_88 : i32 to index
      %get3A_91 = tpu.vector_load %arg9[%get3A_90] {strides = array<i32>} : memref<48xi32, #tpu.memory_space<vmem>>, vector<16xi32>,
      %get3A_92 = vector.shape_cast %get3A_91 : vector<16xi32> to vector<16xi32>
      %slice3A_93 = vector.extract_strided_slice %get3A_92 {offsets = [0], sizes = [1], strides = [1]} : vector<16xi32> to vector<1xi32>
      %squeeze3A_94 = vector.extract %slice3A_93[0] : i32 from vector<1xi32>
      %add3A_95 = arith.constant 1 : i32
      %add3A_96 = arith.addi %scan3A_88, %add3A_95 : i32
      %get3A_97 = arith.index_cast %add3A_96 : i32 to index
      %get3A_98 = tpu.vector_load %arg9[%get3A_97] {strides = array<i32>} : memref<48xi32, #tpu.memory_space<vmem>>, vector<16xi32>,
      %get3A_99 = vector.shape_cast %get3A_98 : vector<16xi32> to vector<16xi32>
      %slice3A_100 = vector.extract_strided_slice %get3A_99 {offsets = [0], sizes = [1], strides = [1]} : vector<16xi32> to vector<1xi32>
      %squeeze3A_101 = vector.extract %slice3A_100[0] : i32 from vector<1xi32>
      %sub3A_102 = arith.subi %squeeze3A_101, %squeeze3A_94 : i32
      %convert_element_type3A_103 = arith.sitofp %sub3A_102 : i32 to f32
      %get3A_104 = arith.index_cast %scan3A_88 : i32 to index
      %get3A_105 = tpu.vector_load %arg10[%get3A_104] {strides = array<i32>} : memref<48xf32, #tpu.memory_space<vmem>>, vector<16xf32>,
      %get3A_106 = vector.shape_cast %get3A_105 : vector<16xf32> to vector<16xf32>
      %slice3A_107 = vector.extract_strided_slice %get3A_106 {offsets = [0], sizes = [1], strides = [1]} : vector<16xf32> to vector<1xf32>
      %squeeze3A_108 = vector.extract %slice3A_107[0] : f32 from vector<1xf32>
      %min3A = arith.constant 1.000000e+00 : f32
      %min3A_109 = arith.minimumf %convert_element_type3A_103, %min3A : f32
      %mul3A_110 = arith.constant 384 : i32
      %mul3A_111 = arith.muli %scan3A_88, %mul3A_110 : i32
      %add3A_112 = arith.constant 0 : i32
      %add3A_113 = arith.addi %mul3A_111, %add3A_112 : i32
      %get3A_114 = arith.index_cast %add3A_113 : i32 to index
      %get3A_115 = tpu.vector_load %arg8[%get3A_114] {strides = array<i32>} : memref<12288xf32, #tpu.memory_space<vmem>>, vector<16xf32>,
      %get3A_116 = vector.shape_cast %get3A_115 : vector<16xf32> to vector<16xf32>
      %mul3A_117 = vector.broadcast %squeeze3A_108 : f32 to vector<16xf32>
      %mul3A_118 = arith.mulf %get3A_116, %mul3A_117 : vector<16xf32>
      %add3A_119 = arith.constant 256 : i32
      %add3A_120 = arith.addi %mul3A_111, %add3A_119 : i32
      %add3A_121 = arith.constant 0 : i32
      %add3A_122 = arith.addi %add3A_120, %add3A_121 : i32
      %swap3A = arith.index_cast %add3A_122 : i32 to index
      %swap3A_123 = tpu.vector_load %arg8[%swap3A] {strides = array<i32>} : memref<12288xf32, #tpu.memory_space<vmem>>, vector<16xf32>,
      %swap3A_124 = vector.shape_cast %swap3A_123 : vector<16xf32> to vector<16xf32>
      %swap3A_125 = vector.shape_cast %mul3A_118 : vector<16xf32> to vector<16xf32>
      tpu.vector_store %arg8[%swap3A], %swap3A_125 {strides = array<i32>} : memref<12288xf32, #tpu.memory_space<vmem>>, vector<16xf32>,
      %add3A_126 = arith.constant 128 : i32
      %add3A_127 = arith.addi %mul3A_111, %add3A_126 : i32
      %add3A_128 = arith.constant 0 : i32
      %add3A_129 = arith.addi %add3A_127, %add3A_128 : i32
      %get3A_130 = arith.index_cast %add3A_129 : i32 to index
      %get3A_131 = tpu.vector_load %arg8[%get3A_130] {strides = array<i32>} : memref<12288xf32, #tpu.memory_space<vmem>>, vector<16xf32>,
      %get3A_132 = vector.shape_cast %get3A_131 : vector<16xf32> to vector<16xf32>
      %mul3A_133 = vector.broadcast %min3A_109 : f32 to vector<16xf32>
      %mul3A_134 = arith.mulf %get3A_132, %mul3A_133 : vector<16xf32>
      %add3A_135 = arith.constant 0.000000e+00 : f32
      %add3A_136 = vector.broadcast %add3A_135 : f32 to vector<16xf32>
      %add3A_137 = arith.addf %mul3A_134, %add3A_136 : vector<16xf32>
      %swap3A_138 = arith.index_cast %add3A_129 : i32 to index
      %swap3A_139 = tpu.vector_load %arg8[%swap3A_138] {strides = array<i32>} : memref<12288xf32, #tpu.memory_space<vmem>>, vector<16xf32>,
      %swap3A_140 = vector.shape_cast %swap3A_139 : vector<16xf32> to vector<16xf32>
      %swap3A_141 = vector.shape_cast %add3A_137 : vector<16xf32> to vector<16xf32>
      tpu.vector_store %arg8[%swap3A_138], %swap3A_141 {strides = array<i32>} : memref<12288xf32, #tpu.memory_space<vmem>>, vector<16xf32>,
      %add3A_142 = arith.constant 16 : i32
      %add3A_143 = arith.addi %mul3A_111, %add3A_142 : i32
      %get3A_144 = arith.index_cast %add3A_143 : i32 to index
      %get3A_145 = tpu.vector_load %arg8[%get3A_144] {strides = array<i32>} : memref<12288xf32, #tpu.memory_space<vmem>>, vector<16xf32>,
      %get3A_146 = vector.shape_cast %get3A_145 : vector<16xf32> to vector<16xf32>
      %mul3A_147 = vector.broadcast %squeeze3A_108 : f32 to vector<16xf32>
      %mul3A_148 = arith.mulf %get3A_146, %mul3A_147 : vector<16xf32>
      %add3A_149 = arith.constant 256 : i32
      %add3A_150 = arith.addi %mul3A_111, %add3A_149 : i32
      %add3A_151 = arith.constant 16 : i32
      %add3A_152 = arith.addi %add3A_150, %add3A_151 : i32
      %swap3A_153 = arith.index_cast %add3A_152 : i32 to index
      %swap3A_154 = tpu.vector_load %arg8[%swap3A_153] {strides = array<i32>} : memref<12288xf32, #tpu.memory_space<vmem>>, vector<16xf32>,
      %swap3A_155 = vector.shape_cast %swap3A_154 : vector<16xf32> to vector<16xf32>
      %swap3A_156 = vector.shape_cast %mul3A_148 : vector<16xf32> to vector<16xf32>
      tpu.vector_store %arg8[%swap3A_153], %swap3A_156 {strides = array<i32>} : memref<12288xf32, #tpu.memory_space<vmem>>, vector<16xf32>,
      %add3A_157 = arith.constant 128 : i32
      %add3A_158 = arith.addi %mul3A_111, %add3A_157 : i32
      %add3A_159 = arith.constant 16 : i32
      %add3A_160 = arith.addi %add3A_158, %add3A_159 : i32
      %get3A_161 = arith.index_cast %add3A_160 : i32 to index
      %get3A_162 = tpu.vector_load %arg8[%get3A_161] {strides = array<i32>} : memref<12288xf32, #tpu.memory_space<vmem>>, vector<16xf32>,
      %get3A_163 = vector.shape_cast %get3A_162 : vector<16xf32> to vector<16xf32>
      %mul3A_164 = vector.broadcast %min3A_109 : f32 to vector<16xf32>
      %mul3A_165 = arith.mulf %get3A_163, %mul3A_164 : vector<16xf32>
      %add3A_166 = arith.constant 0.000000e+00 : f32
      %add3A_167 = vector.broadcast %add3A_166 : f32 to vector<16xf32>
      %add3A_168 = arith.addf %mul3A_165, %add3A_167 : vector<16xf32>
      %swap3A_169 = arith.index_cast %add3A_160 : i32 to index
      %swap3A_170 = tpu.vector_load %arg8[%swap3A_169] {strides = array<i32>} : memref<12288xf32, #tpu.memory_space<vmem>>, vector<16xf32>,
      %swap3A_171 = vector.shape_cast %swap3A_170 : vector<16xf32> to vector<16xf32>
      %swap3A_172 = vector.shape_cast %add3A_168 : vector<16xf32> to vector<16xf32>
      tpu.vector_store %arg8[%swap3A_169], %swap3A_172 {strides = array<i32>} : memref<12288xf32, #tpu.memory_space<vmem>>, vector<16xf32>,
      %add3A_173 = arith.constant 32 : i32
      %add3A_174 = arith.addi %mul3A_111, %add3A_173 : i32
      %get3A_175 = arith.index_cast %add3A_174 : i32 to index
      %get3A_176 = tpu.vector_load %arg8[%get3A_175] {strides = array<i32>} : memref<12288xf32, #tpu.memory_space<vmem>>, vector<16xf32>,
      %get3A_177 = vector.shape_cast %get3A_176 : vector<16xf32> to vector<16xf32>
      %mul3A_178 = vector.broadcast %squeeze3A_108 : f32 to vector<16xf32>
      %mul3A_179 = arith.mulf %get3A_177, %mul3A_178 : vector<16xf32>
      %add3A_180 = arith.constant 256 : i32
      %add3A_181 = arith.addi %mul3A_111, %add3A_180 : i32
      %add3A_182 = arith.constant 32 : i32
      %add3A_183 = arith.addi %add3A_181, %add3A_182 : i32
      %swap3A_184 = arith.index_cast %add3A_183 : i32 to index
      %swap3A_185 = tpu.vector_load %arg8[%swap3A_184] {strides = array<i32>} : memref<12288xf32, #tpu.memory_space<vmem>>, vector<16xf32>,
      %swap3A_186 = vector.shape_cast %swap3A_185 : vector<16xf32> to vector<16xf32>
      %swap3A_187 = vector.shape_cast %mul3A_179 : vector<16xf32> to vector<16xf32>
      tpu.vector_store %arg8[%swap3A_184], %swap3A_187 {strides = array<i32>} : memref<12288xf32, #tpu.memory_space<vmem>>, vector<16xf32>,
      %add3A_188 = arith.constant 128 : i32
      %add3A_189 = arith.addi %mul3A_111, %add3A_188 : i32
      %add3A_190 = arith.constant 32 : i32
      %add3A_191 = arith.addi %add3A_189, %add3A_190 : i32
      %get3A_192 = arith.index_cast %add3A_191 : i32 to index
      %get3A_193 = tpu.vector_load %arg8[%get3A_192] {strides = array<i32>} : memref<12288xf32, #tpu.memory_space<vmem>>, vector<16xf32>,
      %get3A_194 = vector.shape_cast %get3A_193 : vector<16xf32> to vector<16xf32>
      %mul3A_195 = vector.broadcast %min3A_109 : f32 to vector<16xf32>
      %mul3A_196 = arith.mulf %get3A_194, %mul3A_195 : vector<16xf32>
      %add3A_197 = arith.constant 0.000000e+00 : f32
      %add3A_198 = vector.broadcast %add3A_197 : f32 to vector<16xf32>
      %add3A_199 = arith.addf %mul3A_196, %add3A_198 : vector<16xf32>
      %swap3A_200 = arith.index_cast %add3A_191 : i32 to index
      %swap3A_201 = tpu.vector_load %arg8[%swap3A_200] {strides = array<i32>} : memref<12288xf32, #tpu.memory_space<vmem>>, vector<16xf32>,
      %swap3A_202 = vector.shape_cast %swap3A_201 : vector<16xf32> to vector<16xf32>
      %swap3A_203 = vector.shape_cast %add3A_199 : vector<16xf32> to vector<16xf32>
      tpu.vector_store %arg8[%swap3A_200], %swap3A_203 {strides = array<i32>} : memref<12288xf32, #tpu.memory_space<vmem>>, vector<16xf32>,
      %add3A_204 = arith.constant 48 : i32
      %add3A_205 = arith.addi %mul3A_111, %add3A_204 : i32
      %get3A_206 = arith.index_cast %add3A_205 : i32 to index
      %get3A_207 = tpu.vector_load %arg8[%get3A_206] {strides = array<i32>} : memref<12288xf32, #tpu.memory_space<vmem>>, vector<16xf32>,
      %get3A_208 = vector.shape_cast %get3A_207 : vector<16xf32> to vector<16xf32>
      %mul3A_209 = vector.broadcast %squeeze3A_108 : f32 to vector<16xf32>
      %mul3A_210 = arith.mulf %get3A_208, %mul3A_209 : vector<16xf32>
      %add3A_211 = arith.constant 256 : i32
      %add3A_212 = arith.addi %mul3A_111, %add3A_211 : i32
      %add3A_213 = arith.constant 48 : i32
      %add3A_214 = arith.addi %add3A_212, %add3A_213 : i32
      %swap3A_215 = arith.index_cast %add3A_214 : i32 to index
      %swap3A_216 = tpu.vector_load %arg8[%swap3A_215] {strides = array<i32>} : memref<12288xf32, #tpu.memory_space<vmem>>, vector<16xf32>,
      %swap3A_217 = vector.shape_cast %swap3A_216 : vector<16xf32> to vector<16xf32>
      %swap3A_218 = vector.shape_cast %mul3A_210 : vector<16xf32> to vector<16xf32>
      tpu.vector_store %arg8[%swap3A_215], %swap3A_218 {strides = array<i32>} : memref<12288xf32, #tpu.memory_space<vmem>>, vector<16xf32>,
      %add3A_219 = arith.constant 128 : i32
      %add3A_220 = arith.addi %mul3A_111, %add3A_219 : i32
      %add3A_221 = arith.constant 48 : i32
      %add3A_222 = arith.addi %add3A_220, %add3A_221 : i32
      %get3A_223 = arith.index_cast %add3A_222 : i32 to index
      %get3A_224 = tpu.vector_load %arg8[%get3A_223] {strides = array<i32>} : memref<12288xf32, #tpu.memory_space<vmem>>, vector<16xf32>,
      %get3A_225 = vector.shape_cast %get3A_224 : vector<16xf32> to vector<16xf32>
      %mul3A_226 = vector.broadcast %min3A_109 : f32 to vector<16xf32>
      %mul3A_227 = arith.mulf %get3A_225, %mul3A_226 : vector<16xf32>
      %add3A_228 = arith.constant 0.000000e+00 : f32
      %add3A_229 = vector.broadcast %add3A_228 : f32 to vector<16xf32>
      %add3A_230 = arith.addf %mul3A_227, %add3A_229 : vector<16xf32>
      %swap3A_231 = arith.index_cast %add3A_222 : i32 to index
      %swap3A_232 = tpu.vector_load %arg8[%swap3A_231] {strides = array<i32>} : memref<12288xf32, #tpu.memory_space<vmem>>, vector<16xf32>,
      %swap3A_233 = vector.shape_cast %swap3A_232 : vector<16xf32> to vector<16xf32>
      %swap3A_234 = vector.shape_cast %add3A_230 : vector<16xf32> to vector<16xf32>
      tpu.vector_store %arg8[%swap3A_231], %swap3A_234 {strides = array<i32>} : memref<12288xf32, #tpu.memory_space<vmem>>, vector<16xf32>,
      %add3A_235 = arith.constant 64 : i32
      %add3A_236 = arith.addi %mul3A_111, %add3A_235 : i32
      %get3A_237 = arith.index_cast %add3A_236 : i32 to index
      %get3A_238 = tpu.vector_load %arg8[%get3A_237] {strides = array<i32>} : memref<12288xf32, #tpu.memory_space<vmem>>, vector<16xf32>,
      %get3A_239 = vector.shape_cast %get3A_238 : vector<16xf32> to vector<16xf32>
      %mul3A_240 = vector.broadcast %squeeze3A_108 : f32 to vector<16xf32>
      %mul3A_241 = arith.mulf %get3A_239, %mul3A_240 : vector<16xf32>
      %add3A_242 = arith.constant 256 : i32
      %add3A_243 = arith.addi %mul3A_111, %add3A_242 : i32
      %add3A_244 = arith.constant 64 : i32
      %add3A_245 = arith.addi %add3A_243, %add3A_244 : i32
      %swap3A_246 = arith.index_cast %add3A_245 : i32 to index
      %swap3A_247 = tpu.vector_load %arg8[%swap3A_246] {strides = array<i32>} : memref<12288xf32, #tpu.memory_space<vmem>>, vector<16xf32>,
      %swap3A_248 = vector.shape_cast %swap3A_247 : vector<16xf32> to vector<16xf32>
      %swap3A_249 = vector.shape_cast %mul3A_241 : vector<16xf32> to vector<16xf32>
      tpu.vector_store %arg8[%swap3A_246], %swap3A_249 {strides = array<i32>} : memref<12288xf32, #tpu.memory_space<vmem>>, vector<16xf32>,
      %add3A_250 = arith.constant 128 : i32
      %add3A_251 = arith.addi %mul3A_111, %add3A_250 : i32
      %add3A_252 = arith.constant 64 : i32
      %add3A_253 = arith.addi %add3A_251, %add3A_252 : i32
      %get3A_254 = arith.index_cast %add3A_253 : i32 to index
      %get3A_255 = tpu.vector_load %arg8[%get3A_254] {strides = array<i32>} : memref<12288xf32, #tpu.memory_space<vmem>>, vector<16xf32>,
      %get3A_256 = vector.shape_cast %get3A_255 : vector<16xf32> to vector<16xf32>
      %mul3A_257 = vector.broadcast %min3A_109 : f32 to vector<16xf32>
      %mul3A_258 = arith.mulf %get3A_256, %mul3A_257 : vector<16xf32>
      %add3A_259 = arith.constant 0.000000e+00 : f32
      %add3A_260 = vector.broadcast %add3A_259 : f32 to vector<16xf32>
      %add3A_261 = arith.addf %mul3A_258, %add3A_260 : vector<16xf32>
      %swap3A_262 = arith.index_cast %add3A_253 : i32 to index
      %swap3A_263 = tpu.vector_load %arg8[%swap3A_262] {strides = array<i32>} : memref<12288xf32, #tpu.memory_space<vmem>>, vector<16xf32>,
      %swap3A_264 = vector.shape_cast %swap3A_263 : vector<16xf32> to vector<16xf32>
      %swap3A_265 = vector.shape_cast %add3A_261 : vector<16xf32> to vector<16xf32>
      tpu.vector_store %arg8[%swap3A_262], %swap3A_265 {strides = array<i32>} : memref<12288xf32, #tpu.memory_space<vmem>>, vector<16xf32>,
      %add3A_266 = arith.constant 80 : i32
      %add3A_267 = arith.addi %mul3A_111, %add3A_266 : i32
      %get3A_268 = arith.index_cast %add3A_267 : i32 to index
      %get3A_269 = tpu.vector_load %arg8[%get3A_268] {strides = array<i32>} : memref<12288xf32, #tpu.memory_space<vmem>>, vector<16xf32>,
      %get3A_270 = vector.shape_cast %get3A_269 : vector<16xf32> to vector<16xf32>
      %mul3A_271 = vector.broadcast %squeeze3A_108 : f32 to vector<16xf32>
      %mul3A_272 = arith.mulf %get3A_270, %mul3A_271 : vector<16xf32>
      %add3A_273 = arith.constant 256 : i32
      %add3A_274 = arith.addi %mul3A_111, %add3A_273 : i32
      %add3A_275 = arith.constant 80 : i32
      %add3A_276 = arith.addi %add3A_274, %add3A_275 : i32
      %swap3A_277 = arith.index_cast %add3A_276 : i32 to index
      %swap3A_278 = tpu.vector_load %arg8[%swap3A_277] {strides = array<i32>} : memref<12288xf32, #tpu.memory_space<vmem>>, vector<16xf32>,
      %swap3A_279 = vector.shape_cast %swap3A_278 : vector<16xf32> to vector<16xf32>
      %swap3A_280 = vector.shape_cast %mul3A_272 : vector<16xf32> to vector<16xf32>
      tpu.vector_store %arg8[%swap3A_277], %swap3A_280 {strides = array<i32>} : memref<12288xf32, #tpu.memory_space<vmem>>, vector<16xf32>,
      %add3A_281 = arith.constant 128 : i32
      %add3A_282 = arith.addi %mul3A_111, %add3A_281 : i32
      %add3A_283 = arith.constant 80 : i32
      %add3A_284 = arith.addi %add3A_282, %add3A_283 : i32
      %get3A_285 = arith.index_cast %add3A_284 : i32 to index
      %get3A_286 = tpu.vector_load %arg8[%get3A_285] {strides = array<i32>} : memref<12288xf32, #tpu.memory_space<vmem>>, vector<16xf32>,
      %get3A_287 = vector.shape_cast %get3A_286 : vector<16xf32> to vector<16xf32>
      %mul3A_288 = vector.broadcast %min3A_109 : f32 to vector<16xf32>
      %mul3A_289 = arith.mulf %get3A_287, %mul3A_288 : vector<16xf32>
      %add3A_290 = arith.constant 0.000000e+00 : f32
      %add3A_291 = vector.broadcast %add3A_290 : f32 to vector<16xf32>
      %add3A_292 = arith.addf %mul3A_289, %add3A_291 : vector<16xf32>
      %swap3A_293 = arith.index_cast %add3A_284 : i32 to index
      %swap3A_294 = tpu.vector_load %arg8[%swap3A_293] {strides = array<i32>} : memref<12288xf32, #tpu.memory_space<vmem>>, vector<16xf32>,
      %swap3A_295 = vector.shape_cast %swap3A_294 : vector<16xf32> to vector<16xf32>
      %swap3A_296 = vector.shape_cast %add3A_292 : vector<16xf32> to vector<16xf32>
      tpu.vector_store %arg8[%swap3A_293], %swap3A_296 {strides = array<i32>} : memref<12288xf32, #tpu.memory_space<vmem>>, vector<16xf32>,
      %add3A_297 = arith.constant 96 : i32
      %add3A_298 = arith.addi %mul3A_111, %add3A_297 : i32
      %get3A_299 = arith.index_cast %add3A_298 : i32 to index
      %get3A_300 = tpu.vector_load %arg8[%get3A_299] {strides = array<i32>} : memref<12288xf32, #tpu.memory_space<vmem>>, vector<16xf32>,
      %get3A_301 = vector.shape_cast %get3A_300 : vector<16xf32> to vector<16xf32>
      %mul3A_302 = vector.broadcast %squeeze3A_108 : f32 to vector<16xf32>
      %mul3A_303 = arith.mulf %get3A_301, %mul3A_302 : vector<16xf32>
      %add3A_304 = arith.constant 256 : i32
      %add3A_305 = arith.addi %mul3A_111, %add3A_304 : i32
      %add3A_306 = arith.constant 96 : i32
      %add3A_307 = arith.addi %add3A_305, %add3A_306 : i32
      %swap3A_308 = arith.index_cast %add3A_307 : i32 to index
      %swap3A_309 = tpu.vector_load %arg8[%swap3A_308] {strides = array<i32>} : memref<12288xf32, #tpu.memory_space<vmem>>, vector<16xf32>,
      %swap3A_310 = vector.shape_cast %swap3A_309 : vector<16xf32> to vector<16xf32>
      %swap3A_311 = vector.shape_cast %mul3A_303 : vector<16xf32> to vector<16xf32>
      tpu.vector_store %arg8[%swap3A_308], %swap3A_311 {strides = array<i32>} : memref<12288xf32, #tpu.memory_space<vmem>>, vector<16xf32>,
      %add3A_312 = arith.constant 128 : i32
      %add3A_313 = arith.addi %mul3A_111, %add3A_312 : i32
      %add3A_314 = arith.constant 96 : i32
      %add3A_315 = arith.addi %add3A_313, %add3A_314 : i32
      %get3A_316 = arith.index_cast %add3A_315 : i32 to index
      %get3A_317 = tpu.vector_load %arg8[%get3A_316] {strides = array<i32>} : memref<12288xf32, #tpu.memory_space<vmem>>, vector<16xf32>,
      %get3A_318 = vector.shape_cast %get3A_317 : vector<16xf32> to vector<16xf32>
      %mul3A_319 = vector.broadcast %min3A_109 : f32 to vector<16xf32>
      %mul3A_320 = arith.mulf %get3A_318, %mul3A_319 : vector<16xf32>
      %add3A_321 = arith.constant 0.000000e+00 : f32
      %add3A_322 = vector.broadcast %add3A_321 : f32 to vector<16xf32>
      %add3A_323 = arith.addf %mul3A_320, %add3A_322 : vector<16xf32>
      %swap3A_324 = arith.index_cast %add3A_315 : i32 to index
      %swap3A_325 = tpu.vector_load %arg8[%swap3A_324] {strides = array<i32>} : memref<12288xf32, #tpu.memory_space<vmem>>, vector<16xf32>,
      %swap3A_326 = vector.shape_cast %swap3A_325 : vector<16xf32> to vector<16xf32>
      %swap3A_327 = vector.shape_cast %add3A_323 : vector<16xf32> to vector<16xf32>
      tpu.vector_store %arg8[%swap3A_324], %swap3A_327 {strides = array<i32>} : memref<12288xf32, #tpu.memory_space<vmem>>, vector<16xf32>,
      %add3A_328 = arith.constant 112 : i32
      %add3A_329 = arith.addi %mul3A_111, %add3A_328 : i32
      %get3A_330 = arith.index_cast %add3A_329 : i32 to index
      %get3A_331 = tpu.vector_load %arg8[%get3A_330] {strides = array<i32>} : memref<12288xf32, #tpu.memory_space<vmem>>, vector<16xf32>,
      %get3A_332 = vector.shape_cast %get3A_331 : vector<16xf32> to vector<16xf32>
      %mul3A_333 = vector.broadcast %squeeze3A_108 : f32 to vector<16xf32>
      %mul3A_334 = arith.mulf %get3A_332, %mul3A_333 : vector<16xf32>
      %add3A_335 = arith.constant 256 : i32
      %add3A_336 = arith.addi %mul3A_111, %add3A_335 : i32
      %add3A_337 = arith.constant 112 : i32
      %add3A_338 = arith.addi %add3A_336, %add3A_337 : i32
      %swap3A_339 = arith.index_cast %add3A_338 : i32 to index
      %swap3A_340 = tpu.vector_load %arg8[%swap3A_339] {strides = array<i32>} : memref<12288xf32, #tpu.memory_space<vmem>>, vector<16xf32>,
      %swap3A_341 = vector.shape_cast %swap3A_340 : vector<16xf32> to vector<16xf32>
      %swap3A_342 = vector.shape_cast %mul3A_334 : vector<16xf32> to vector<16xf32>
      tpu.vector_store %arg8[%swap3A_339], %swap3A_342 {strides = array<i32>} : memref<12288xf32, #tpu.memory_space<vmem>>, vector<16xf32>,
      %add3A_343 = arith.constant 128 : i32
      %add3A_344 = arith.addi %mul3A_111, %add3A_343 : i32
      %add3A_345 = arith.constant 112 : i32
      %add3A_346 = arith.addi %add3A_344, %add3A_345 : i32
      %get3A_347 = arith.index_cast %add3A_346 : i32 to index
      %get3A_348 = tpu.vector_load %arg8[%get3A_347] {strides = array<i32>} : memref<12288xf32, #tpu.memory_space<vmem>>, vector<16xf32>,
      %get3A_349 = vector.shape_cast %get3A_348 : vector<16xf32> to vector<16xf32>
      %mul3A_350 = vector.broadcast %min3A_109 : f32 to vector<16xf32>
      %mul3A_351 = arith.mulf %get3A_349, %mul3A_350 : vector<16xf32>
      %add3A_352 = arith.constant 0.000000e+00 : f32
      %add3A_353 = vector.broadcast %add3A_352 : f32 to vector<16xf32>
      %add3A_354 = arith.addf %mul3A_351, %add3A_353 : vector<16xf32>
      %swap3A_355 = arith.index_cast %add3A_346 : i32 to index
      %swap3A_356 = tpu.vector_load %arg8[%swap3A_355] {strides = array<i32>} : memref<12288xf32, #tpu.memory_space<vmem>>, vector<16xf32>,
      %swap3A_357 = vector.shape_cast %swap3A_356 : vector<16xf32> to vector<16xf32>
      %swap3A_358 = vector.shape_cast %add3A_354 : vector<16xf32> to vector<16xf32>
      tpu.vector_store %arg8[%swap3A_355], %swap3A_358 {strides = array<i32>} : memref<12288xf32, #tpu.memory_space<vmem>>, vector<16xf32>,
      %scan3A_359 = arith.constant 0 : i32
      scf.yield %scan3A_359 : i32
    }
    %scan3A_85 = arith.constant 32 : i32
    %mul3A_86 = arith.constant 12288 : i32
    %mul3A_87 = arith.muli %add3A, %mul3A_86 : i32
    "tpu.region"() ({
      %run_scoped3A = tpu.sem_alloc : memref<!tpu.dma_semaphore, #tpu.memory_space<semaphore_mem>>
      %dma_start3A = tpu.memref_slice %arg5[%mul3A_87] : memref<393216xf32, #tpu.memory_space<hbm>> -> memref<12288xf32, #tpu.memory_space<hbm>>
      %dma_start3A_88 = tpu.memref_slice %arg5[%mul3A_87] : memref<393216xf32, #tpu.memory_space<hbm>> -> memref<12288xf32, #tpu.memory_space<hbm>>
      tpu.enqueue_dma source(%arg8 : memref<12288xf32, #tpu.memory_space<vmem>>) target(%dma_start3A_88 : memref<12288xf32, #tpu.memory_space<hbm>>) target_semaphore(%run_scoped3A : memref<!tpu.dma_semaphore, #tpu.memory_space<semaphore_mem>>)
      %dma_wait3A = tpu.memref_slice %arg5[%mul3A_87] : memref<393216xf32, #tpu.memory_space<hbm>> -> memref<12288xf32, #tpu.memory_space<hbm>>
      %dma_wait3A_89 = tpu.memref_slice %arg5[%mul3A_87] : memref<393216xf32, #tpu.memory_space<hbm>> -> memref<12288xf32, #tpu.memory_space<hbm>>
      tpu.wait_dma2 semaphore(%run_scoped3A : memref<!tpu.dma_semaphore, #tpu.memory_space<semaphore_mem>>) src(%arg8 : memref<12288xf32, #tpu.memory_space<vmem>>) dst(%dma_wait3A_89 : memref<12288xf32, #tpu.memory_space<hbm>>)
      tpu.yield
    }) : () -> ()
    return
  }
}

</mosaic_0001>

<sc_bundles>
// kernel: kernel.3.cloned.1.call-start
scs
__scs_entry_jumppad:
0x0: {  	(pc) =	sbr.rel $0x88, $3  }
0x1: {  	(tag) =	ssettag $0x0;
	lr =	simm.s32 $0x1  }
0x2: {  	[smem:$0x3F9F] =	sst lr;
	_ =	strace $0xD0000000  }
0x3: {  	_ = 	snop  }
0x4: {  	_ = 	snop  }
0x5: {  	_ = 	snop  }
0x6: {  	_ = 	snop  }
0x7: {  	_ = 	snop  }
__scs_overlays_trampoline_lowered:
0x8: {  	[smem:$0x3FAE] =	sst s0  }
0x9: {  	[smem:$0x3FAF] =	sst s1  }
0xa: {  	[smem:$0x3FB0] =	sst s2  }
0xb: {  	[smem:$0x3FB1] =	sst s3  }
0xc: {  	[smem:$0x3FB2] =	sst s4  }
0xd: {  	[smem:$0x3FB3] =	sst s5  }
0xe: {  	[smem:$0x3FB4] =	sst s6  }
0xf: {  	[smem:$0x3FB5] =	sst s7  }
0x10: {  	[smem:$0x3FB6] =	sst s8  }
0x11: {  	[smem:$0x3FB7] =	sst s9;
	s0 =	simm.s32 @!p0 $0x0  }
0x12: {  	s1 =	sld [smem:$0x3F9D];
	s0 =	simm.s32 @p0 $0x1  }
0x13: {  	[smem:$0x3FB8] =	sst s0;
	s0 =	simm.s32 @!p1 $0x0  }
0x14: {  	s2 =	sld [smem:$0x3F9C];
	s0 =	simm.s32 @p1 $0x1  }
0x15: {  	[smem:$0x3FB9] =	sst s0;
	s0 =	simm.s32 @!p2 $0x0  }
0x16: {  	s3 =	sld [smem:$0x3FDB];
	s0 =	simm.s32 @p2 $0x1  }
0x17: {  	s4 =	simm.s32 $0x1BF5;
	[smem:$0x3FBB] =	sst s0  }
0x18: {  	s0 =	sld [smem:$0x3F9E];
	_ =	swait.ge [sflag:s4], $0x0  }
0x19: {  	s7 =	sld [smem:$0x3F9F]  }
0x1a: {  	s8 =	sadd.s32 $0xFFFFE003, lr  }
0x1b: {  	s9 =	sadd.s32 $0xFFFFFEF7, lr;
	s5 =	simm.s32 $0xFFFFFFFF;
	p2 =	slt.u32 s8, $0xFFFFF086  }
0x1c: {  	p1 =	slt.u32 s9, $0xF7A;
	s5 =	simm.s32 @!p2 $0x0  }
0x1d: {  	s5 =	simm.s32 @p1 $0x1;
	p0 =	seq.s32 s7, s2  }
0x1e: {  	s7 =	smul.u32 @!p0 $0xF7A, s2;
	p2 =	seq.s32 @!p0 s5, $0x0  }
0x1f: {  	s9 =	smul.u32 $0xF7A, s1;
	s8 =	simm.s32 @!p0 $0x1BF5;
	p2 =	por !p2, p0  }
0x20: {  	[sflag:s8] =	ssyncset.s32 @!p0 $0xFFFFF086;
	s6 =	sadd.s32 @!p0 s3, s7;
	s7 =	simm.s32 @!p0 $0x108  }
0x21: {  	s3 =	sadd.s32 s3, s9;
	s6 =	sadd.s32 @!p0 $0x88, s6;
	s7 =	simm.s32 @p2 $0x1082  }
0x22: {  	[simem:s7], [sflag:s8] =	dma.local @!p0 [hbm:s6], $0xF7A  }
0x23: {  	s9 =	sor.u32 $0xD0000000, s2;
	s6 =	simm.s32 $0x108;
	_ =	swait.ge @!p0 [sflag:s8], $0x0  }
0x24: {  	s3 =	sadd.s32 $0x88, s3;
	s6 =	simm.s32 @!p1 $0x1082;
	[sflag:s4] =	ssyncset.s32 $0xFFFFF086  }
0x25: {  	[simem:s6], [sflag:s4] =	dma.local [hbm:s3], $0xF7A  }
0x26: {  	[smem:$0x3F9F] =	sst s1;
	(tag) =	ssettag s2;
	_ =	strace s9  }
0x27: {  	s1 =	sld [smem:$0x3FAF]  }
0x28: {  	s2 =	sld [smem:$0x3FB0]  }
0x29: {  	s4 =	sld [smem:$0x3FB2]  }
0x2a: {  	p0 =	seq.s32 s5, $0x0;
	s5 =	sld [smem:$0x3FB3]  }
0x2b: {  	s6 =	sld [smem:$0x3FB4]  }
0x2c: {  	s7 =	sld [smem:$0x3FB5]  }
0x2d: {  	s3 =	simm.s32 $0x108;
	s8 =	sld [smem:$0x3FB6]  }
0x2e: {  	s3 =	simm.s32 @!p0 $0x1082;
	s9 =	sld [smem:$0x3FB7]  }
0x2f: {  	lr =	sadd.s32 s0, s3;
	s0 =	sld [smem:$0x3FAE]  }
0x30: {  	s3 =	sld [smem:$0x3FB1]  }
0x31: {  	[smem:$0x3FBA] =	sst s10  }
0x32: {  	s10 =	sld [smem:$0x3FB8];
	_ =	sdelay $0x3  }
0x33: {  	p0 =	seq.s32 s10, $0x1;
	s10 =	sld [smem:$0x3FBA];
	_ =	sdelay $0x3  }
0x34: {  	[smem:$0x3FBA] =	sst s10  }
0x35: {  	s10 =	sld [smem:$0x3FB9];
	_ =	sdelay $0x3  }
0x36: {  	p1 =	seq.s32 s10, $0x1;
	s10 =	sld [smem:$0x3FBA];
	_ =	sdelay $0x3  }
0x37: {  	[smem:$0x3FBA] =	sst s10  }
0x38: {  	s10 =	sld [smem:$0x3FBB]  }
0x39: {  	_ = 	snop;
	(pc) =	sbr.ind lr, $3  }
0x3a: {  	_ = 	snop  }
0x3b: {  	_ = 	snop  }
0x3c: {  	p2 =	seq.s32 s10, $0x1;
	s10 =	sld [smem:$0x3FBA]  }
0x3d: {  	_ =	shalt  }
0x3e: {  	_ =	shalt  }
0x3f: {  	_ =	shalt  }
0x40: {  	_ =	shalt  }
0x41: {  	_ =	shalt  }
0x42: {  	_ =	shalt  }
0x43: {  	_ =	shalt  }
0x44: {  	_ =	shalt  }
0x45: {  	_ =	shalt  }
0x46: {  	_ =	shalt  }
0x47: {  	_ =	shalt  }
0x48: {  	_ =	shalt  }
0x49: {  	_ =	shalt  }
0x4a: {  	_ =	shalt  }
0x4b: {  	_ =	shalt  }
0x4c: {  	_ =	shalt  }
0x4d: {  	_ =	shalt  }
0x4e: {  	_ =	shalt  }
0x4f: {  	_ =	shalt  }
0x50: {  	_ =	shalt  }
0x51: {  	_ =	shalt  }
0x52: {  	_ =	shalt  }
0x53: {  	_ =	shalt  }
0x54: {  	_ =	shalt  }
0x55: {  	_ =	shalt  }
0x56: {  	_ =	shalt  }
0x57: {  	_ =	shalt  }
0x58: {  	_ =	shalt  }
0x59: {  	_ =	shalt  }
0x5a: {  	_ =	shalt  }
0x5b: {  	_ =	shalt  }
0x5c: {  	_ =	shalt  }
0x5d: {  	_ =	shalt  }
0x5e: {  	_ =	shalt  }
0x5f: {  	_ =	shalt  }
0x60: {  	_ =	shalt  }
0x61: {  	_ =	shalt  }
0x62: {  	_ =	shalt  }
0x63: {  	_ =	shalt  }
0x64: {  	_ =	shalt  }
0x65: {  	_ =	shalt  }
0x66: {  	_ =	shalt  }
0x67: {  	_ =	shalt  }
0x68: {  	_ =	shalt  }
0x69: {  	_ =	shalt  }
0x6a: {  	_ =	shalt  }
0x6b: {  	_ =	shalt  }
0x6c: {  	_ =	shalt  }
0x6d: {  	_ =	shalt  }
0x6e: {  	_ =	shalt  }
0x6f: {  	_ =	shalt  }
0x70: {  	_ =	shalt  }
0x71: {  	_ =	shalt  }
0x72: {  	_ =	shalt  }
0x73: {  	_ =	shalt  }
0x74: {  	_ =	shalt  }
0x75: {  	_ =	shalt  }
0x76: {  	_ =	shalt  }
0x77: {  	_ =	shalt  }
0x78: {  	_ =	shalt  }
0x79: {  	_ =	shalt  }
0x7a: {  	_ =	shalt  }
0x7b: {  	_ =	shalt  }
0x7c: {  	_ =	shalt  }
0x7d: {  	_ =	shalt  }
0x7e: {  	_ =	shalt  }
0x7f: {  	_ =	shalt  }
0x80: {  	_ =	shalt  }
0x81: {  	_ =	shalt  }
0x82: {  	_ =	shalt  }
0x83: {  	_ =	shalt  }
0x84: {  	_ =	shalt  }
0x85: {  	_ =	shalt  }
0x86: {  	_ =	shalt  }
0x87: {  	_ =	shalt  }
.Lfunc_end0:
.L_simem_size_0:
called_computation_lowered:
.L_overlay_start_0:
0x88: {  	s2 =	sld [smem:$0x3FD9]  }
0x89: {  	s3 =	sld [smem:$0x3FFE];
	_ =	sdelay $0x1  }
0x8a: {  	s1 =	srdreg.scid  }
0x8b: {  	s0 =	sand.u32 $0x1, s1  }
0x8c: {  	s17 =	sshll.u32 s0, $0xA;
	s2 =	sadd.s32 s3, s2  }
0x8d: {  	s2 =	sadd.s32 s2, s17  }
0x8e: {  	[smem:$0x3FC6] =	sst s2  }
0x8f: {  	_ = 	snop  }
0x90: {  	s2 =	sld [smem:$0x3FC9]  }
0x91: {  	s18 =	sld [smem:$0x3FD0];
	(tm) =	ssettm $0x1  }
0x92: {  	s4 =	sld [smem:$0x3FFB];
	_ =	sdelay $0x3  }
0x93: {  	_ =	strace s4  }
0x94: {  	s4 =	sld [smem:$0x3FFC];
	_ =	sdelay $0x3  }
0x95: {  	_ =	strace s4  }
0x96: {  	s4 =	sld [smem:$0x3FFD];
	_ =	sdelay $0x3  }
0x97: {  	_ =	strace s4  }
0x98: {  	_ =	strace $0x8FFFFFFF  }
0x99: {  	s19 =	sld [smem:$0x3FDB];
	_ =	sdelay $0x1  }
0x9a: {  	s5 =	simm.s32 $_scs_section_size  }
0x9b: {  	s6 =	simm.s32 $_size__tile_overlayer_lowered;
	s7 =	simm.s32 $_tile_overlayer_lowered  }
0x9c: {  	s22 =	simm.s32 $0x1BFF;
	s21 =	sshll.u32 s7, $0x1;
	s4 =	sadd.s32 s5, s19  }
0x9d: {  	s8 =	simm.s32 $0x0;
	s20 =	sshll.u32 s6, $0x1;
	s6 =	sadd.s32 s21, s4  }
0x9e: {  	[timem:s8], [sflag:s22] =	dma.local [hbm:s6], s20  }
0x9f: {  	_ =	swait.ge [sflag:s22], s20  }
0xa0: {  	s5 =	ssub.s32 $0x0, s20;
	[sflag:s22] =	ssyncset.done $0x0  }
0xa1: {  	[sflag:s22] =	ssyncadd.s32 s5;
	_ =	sdelay $0x1  }
0xa2: {  	s23 =	simm.s32 $0x1B8B  }
0xa3: {  	_ =	swait.ge [sflag:s23], $0x1  }
0xa4: {  	[sflag:s23] =	ssyncset.done $0x0  }
0xa5: {  	s25 =	simm.s32 $0x1B8E;
	s24 =	sld [smem:$0x3FFE];
	[sflag:s23] =	ssyncadd.s32 $0xFFFFFFFF  }
0xa6: {  	s26 =	simm.s32 $execute0_lowered;
	[smem:$0x3FD2] =	sst s25  }
0xa7: {  	s6 =	sshll.u32 s26, $0x1;
	_ =	strace $0x80000046;
	[dreg:$0x1] =	wrdreg $0xFFFFFFFF  }
0xa8: {  	s28 =	simm.s32 $_size_execute0_lowered;
	s4 =	sadd.s32 s4, s6;
	[dreg:$0x0] =	wrdreg $0x0  }
0xa9: {  	s6 =	sshll.u32 s28, $0x1;
	[dreg:$0x2] =	wrdreg s4  }
0xaa: {  	[dreg:$0x3] =	wrdreg s6  }
0xab: {  	[dreg:$0x4] =	wrdreg $0xC0  }
0xac: {  	_ =	task [dreg:s8], $0x5FFFF  }
0xad: {  	[dreg:$0x1] =	wrdreg $0xFFFFFFFF  }
0xae: {  	[dreg:$0x0] =	wrdreg $0x60  }
0xaf: {  	[dreg:$0x2] =	wrdreg s2  }
0xb0: {  	[dreg:$0x3] =	wrdreg s18  }
0xb1: {  	[dreg:$0x4] =	wrdreg s24  }
0xb2: {  	[dreg:$0x5] =	wrdreg $0x9  }
0xb3: {  	_ =	task.clear_ibuf [dreg:s8], $0x6FFFF;
	_ =	strace $0x90000046  }
0xb4: {  	s29 =	simm.s32 $0x9;
	_ =	strace $0x80000048  }
0xb5: {  	_ =	swait.ge [sflag:s29], $0x1  }
0xb6: {  	[sflag:s29] =	ssyncadd.s32 $0xFFFFFFFF  }
0xb7: {  	_ =	strace $0x90000048  }
0xb8: {  	_ =	sfence  }
0xb9: {  	s30 =	sld [smem:$0x0];
	_ =	sdelay $0x2  }
0xba: {  	s31 =	sshll.u32 s1, $0xD;
	s1 =	sshrl.u32 s1, $0x2  }
0xbb: {  	s3 =	sand.u32 $0x4000, s31;
	s1 =	sadd.s32 s1, s30  }
0xbc: {  	s0 =	sor.u32 s3, s0;
	s1 =	sshll.u32 s1, $0x11  }
0xbd: {  	s0 =	sor.u32 s1, s0  }
0xbe: {  	s0 =	sadd.s32 $0x8F2B, s0  }
0xbf: {  	[sflag:s0] =	ssyncadd.remote.s32 $0x1  }
0xc0: {  	_ =	sfence.sel $0xFFFF  }
0xc1: {  	[dreg:$0x0] =	wrdreg $0xFFFFFFFF;
	(pc) =	sbr.abs _section_cstart, $3  }
0xc2: {  	[dreg:$0x1] =	wrdreg $0xFFFFFFFF  }
0xc3: {  	_ =	task.clear_ibuf [dreg:s8], $0x2FFFF;
	_ =	strace $0x9FFFFFFF  }
0xc4: {  	(tm) =	ssettm $0x7FFFFFFF  }
0xc5: {  	_ =	shalt  }
tec
execute0_lowered:
.L_overlay_start_1:
0x0: {  	(tag) =	ssettag $0x1  }
0x1: {  	s1 =	rddreg [dreg:$0x0]  }
0x2: {  	s0 =	rddreg [dreg:$0x1];
	s2 =	srdreg.scid  }
0x3: {  	s3 =	stileid.u32;
	s5 =	rddreg [dreg:$0x2];
	s9 =	simm.s32 $0x3  }
0x4: {  	s10 =	simm.s32 $0x13080;
	s11 =	simm.s32 $0x1;
	s12 =	simm.s32 $0x2  }
0x5: {  	s13 =	simm.s32 $0x10000;
	s2 =	sand.u32 $0x1, s2;
	s4 =	sshll.u32 s3, $0x1  }
0x6: {  	s14 =	simm.s32 $0x0;
	s3 =	simm.s32 $0x0;
	s4 =	sor.u32 s2, s4  }
0x7: {  	[smem:$0x7FF] =	sst s3;
	s2 =	ssub.s32 $0x2, s2;
	s6 =	smul.u32 $0x600, s4  }
0x8: {  	_ =	strace $0x80000047;
	s7 =	sshrl.u32 s2, $0x1;
	s8 =	sshll.u32 s4, $0x2  }
0x9: {  	s2 =	ssub.s32 s2, s7;
	s4 =	sadd.s32 s0, s8;
	s6 =	sadd.s32 s6, s5  }
0xa: {  	v0 =	vimm.f32 $0.0e+00;
	v1 =	vimm.f32 $-3.402823470e+38;
	s5 =	sadd.s32 s5, s8;
	s7 =	smax.u32 s2, $0x1;
	s6 =	sadd.s32 $0x200, s6  }
.LBB2_1:
0xb: {  	s0 =	simm.s32 $0x13000  }
0xc: {  	[tilespmem:s0], [sflag:$0x3] =	stream.linear.gather [hbm4b:s4+s3], $0x30, $0x38;
	[tilespmem:$0x13100] =	vst v63  }
0xd: {  	_ =	swait.ge [sflag:s9], $0x30  }
0xe: {  	[sflag:s9] =	ssyncset.done $0x0  }
0xf: {  	[sflag:s9] =	ssyncadd.s32 $0xFFFFFFD0  }
0x10: {  	[tilespmem:s10], [sflag:$0x3] =	stream.linear.gather [hbm4b:s5+s3], $0x30, $0x38;
	[tilespmem:$0x13100] =	vst v63  }
0x11: {  	_ =	swait.ge [sflag:s9], $0x30  }
0x12: {  	[sflag:s9] =	ssyncset.done $0x0  }
0x13: {  	s15 =	simm.s32 $0x0;
	s0 =	simm.s32 $0x600;
	[sflag:s9] =	ssyncadd.s32 $0xFFFFFFD0  }
.LBB2_2:
0x14: {  	p0 =	sne.s32 s0, $0xBA00;
	[tilespmem:s15+$0x100F0] =	vst v1  }
0x15: {  	[tilespmem:s15+$0x10000] =	vst v0  }
0x16: {  	[tilespmem:s15+$0x10080] =	vst v1  }
0x17: {  	[tilespmem:s15+$0x10010] =	vst v0  }
0x18: {  	[tilespmem:s15+$0x10090] =	vst v1  }
0x19: {  	[tilespmem:s15+$0x10020] =	vst v0  }
0x1a: {  	[tilespmem:s15+$0x100A0] =	vst v1  }
0x1b: {  	[tilespmem:s15+$0x10030] =	vst v0  }
0x1c: {  	[tilespmem:s15+$0x100B0] =	vst v1  }
0x1d: {  	[tilespmem:s15+$0x10040] =	vst v0  }
0x1e: {  	[tilespmem:s15+$0x100C0] =	vst v1  }
.Ltmp0:
0x1f: {  	[tilespmem:s15+$0x10050] =	vst v0;
	(pc) =	sbr.rel @p0 .LBB2_2-.Ltmp0, $4  }
0x20: {  	[tilespmem:s15+$0x100D0] =	vst v1  }
0x21: {  	[tilespmem:s15+$0x10060] =	vst v0  }
0x22: {  	[tilespmem:s15+$0x100E0] =	vst v1  }
0x23: {  	[tilespmem:s15+$0x10070] =	vst v0;
	s15 =	sshra.s32 s0, $0x2;
	s0 =	sadd.s32 $0x600, s0  }
0x24: {  	[tilespmem:s15+$0x100F0] =	vst v1  }
0x25: {  	[tilespmem:s15+$0x10000] =	vst v0  }
0x26: {  	[tilespmem:s15+$0x10080] =	vst v1  }
0x27: {  	[tilespmem:s15+$0x10010] =	vst v0  }
0x28: {  	[tilespmem:s15+$0x10090] =	vst v1  }
0x29: {  	[tilespmem:s15+$0x10020] =	vst v0  }
0x2a: {  	[tilespmem:s15+$0x100A0] =	vst v1  }
0x2b: {  	[tilespmem:s15+$0x10030] =	vst v0  }
0x2c: {  	[tilespmem:s15+$0x100B0] =	vst v1  }
0x2d: {  	[tilespmem:s15+$0x10040] =	vst v0  }
0x2e: {  	[tilespmem:s15+$0x100C0] =	vst v1  }
0x2f: {  	[tilespmem:s15+$0x10050] =	vst v0  }
0x30: {  	[tilespmem:s15+$0x100D0] =	vst v1  }
0x31: {  	[tilespmem:s15+$0x10060] =	vst v0  }
0x32: {  	[tilespmem:s15+$0x100E0] =	vst v1  }
0x33: {  	[tilespmem:s15+$0x10070] =	vst v0  }
0x34: {  	v2 =	vld [tilespmem:$0x13000]  }
0x35: {  	v3 =	vld [tilespmem:$0x13020];
	_ =	sdelay $0x3  }
0x36: {  	(v2sf) =	vpush v2, $0x0  }
0x37: {  	(v2sf) =	vpush v3, $0x0;
	_ =	sdelay $0xd  }
0x38: {  	s15 =	spop (v2sf)  }
0x39: {  	s8 =	spop (v2sf)  }
0x3a: {  	s0 =	ssub.s32 s8, s15  }
0x3b: {  	s0 =	sadd.s32 $0xFF, s0  }
0x3c: {  	s2 =	sand.u32 $0xFF, s0  }
0x3d: {  	s17 =	sshra.s32 s0, $0x1F;
	p0 =	slt.s32 s0, $0x1;
	p1 =	sne.s32 s2, $0x0  }
0x3e: {  	s28 =	sshrl.u32 s17, $0x18;
	p0 =	por !p0, !p1  }
0x3f: {  	s2 =	simm.s32 $0x1;
	s0 =	sadd.s32 s28, s0;
	p0 =	por !p0, !p0  }
0x40: {  	s0 =	sshra.s32 s0, $0x8;
	s2 =	simm.s32 @!p0 $0x0  }
0x41: {  	s17 =	ssub.s32 s0, s2  }
0x42: {  	p0 =	slt.s32 s17, $0x1  }
0x43: {  	p1 =	slt.s32 @!p0 s15, $0x185A0  }
0x44: {  	s0 =	smov.u32 s15;
	p1 =	por !p1, p0  }
0x45: {  	s0 =	simm.s32 @p1 $0x185A0  }
0x46: {  	s29 =	sadd.s32 $0x1, s17;
	s0 =	sshll.u32 @!p0 s0, $0x4  }
0x47: {  	p5 =	slt.s32 s17, $0x0;
	s30 =	sand.u32 $0x1, s29;
	s0 =	sand.u32 @!p0 $0x1FFFFFF0, s0  }
0x48: {  	s2 =	simm.s32 @!p0 $0x0;
	p6 =	seq.s32 s30, $0x1;
	s0 =	sadd.s32 @!p0 s1, s0  }
0x49: {  	[tilespmem:s2], [sflag:$0x1] =	stream.linear.gather @!p0 [hbm4b:s0+s2], $0x8000, $0x38;
	[tilespmem:$0x13100] =	vst v63  }
0x4a: {  	s31 =	sshrl.u32 s29, $0x1F;
	p0 =	por !p5, !p6  }
0x4b: {  	s0 =	sadd.s32 s31, s29;
	s2 =	simm.s32 $0x1;
	p0 =	por !p0, !p0  }
0x4c: {  	s0 =	sshra.s32 s0, $0x1;
	s2 =	simm.s32 @!p0 $0x0  }
0x4d: {  	s18 =	ssub.s32 s0, s2  }
0x4e: {  	p0 =	slt.s32 s18, $0x1  }
.Ltmp1:
0x4f: {  	_ = 	snop;
	(pc) =	sbr.rel @p0 .LBB2_19-.Ltmp1, $1  }
0x50: {  	_ =	sdelay $0x3  }
.Ltmp2:
0x51: {  	(pc) =	sbr.rel .LBB2_5-.Ltmp2, $2  }
0x52: {  	_ =	sdelay $0x2  }
0x53: {  	s19 =	sadd.s32 $0x100, s15;
	s20 =	simm.s32 $0x0;
	s21 =	smov.u32 s15  }
.LBB2_18:
0x54: {  	s20 =	sadd.s32 $0x1, s20  }
0x55: {  	p0 =	sne.s32 s20, s18  }
.Ltmp3:
0x56: {  	_ = 	snop;
	(pc) =	sbr.rel @!p0 .LBB2_19-.Ltmp3, $2  }
0x57: {  	_ =	sdelay $0x2  }
0x58: {  	s21 =	sadd.s32 $0x200, s21;
	s19 =	sadd.s32 $0x200, s19  }
.LBB2_5:
0x59: {  	s22 =	sshllo.u32 s20, $0x1  }
0x5a: {  	p0 =	sge.s32 s22, s17  }
0x5b: {  	s0 =	sshll.u32 @!p0 s22, $0x8  }
0x5c: {  	s0 =	sadd.s32 @!p0 s15, s0  }
0x5d: {  	s2 =	smov.u32 s19;
	p1 =	slt.s32 @!p0 s0, $0x185A0  }
0x5e: {  	s25 =	smov.u32 s21;
	s16 =	smov.u32 s8;
	p1 =	por !p1, p0  }
0x5f: {  	s30 =	simm.s32 $0x0;
	s23 =	simm.s32 @!p0 $0x0;
	s0 =	simm.s32 @p1 $0x185A0  }
0x60: {  	s24 =	simm.s32 @!p0 $0x8000;
	p1 =	slt.s32 s19, $0x185A0;
	s0 =	sshll.u32 @!p0 s0, $0x4  }
0x61: {  	s2 =	simm.s32 @!p1 $0x185A0;
	p1 =	slt.s32 s21, $0x185A0;
	s0 =	sand.u32 @!p0 $0x1FFFFFF0, s0  }
0x62: {  	s2 =	sshll.u32 s2, $0x9;
	s25 =	simm.s32 @!p1 $0x185A0;
	s0 =	sadd.s32 @!p0 s1, s0  }
0x63: {  	[tilespmem:s24], [sflag:$0x2] =	stream.linear.gather @!p0 [hbm4b:s0+s23], $0x8000, $0x38;
	[tilespmem:$0x13100] =	vst v63  }
0x64: {  	s26 =	sshll.u32 s25, $0x9;
	s23 =	ssub.s32 $0x0, s2;
	s24 =	sshll.u32 s20, $0x9  }
.Ltmp4:
0x65: {  	s31 =	ssub.s32 $0x0, s26;
	s25 =	sadd.s32 s15, s24;
	(pc) =	sbr.rel .LBB2_6-.Ltmp4, $4  }
0x66: {  	_ =	swait.ge [sflag:s11], $0x8000;
	s24 =	sshll.u32 s20, $0x1;
	s2 =	sadd.s32 $0x100, s25  }
0x67: {  	s0 =	sshra.s32 s31, $0x2;
	[sflag:s11] =	ssyncset.done $0x0;
	p1 =	slt.s32 s2, s8  }
0x68: {  	s28 =	smov.u32 s25;
	s16 =	smov.u32 @p1 s2;
	p1 =	slt.s32 s25, $0x185A0  }
0x69: {  	s29 =	sadd.s32 $0x40, s0;
	[sflag:s11] =	ssyncadd.s32 $0xFFFF8000;
	s28 =	simm.s32 @!p1 $0x185A0  }
.LBB2_9:
0x6a: {  	s0 =	smul.u32 $0x600, s30;
	_ =	sdelay $0x1  }
0x6b: {  	s0 =	sshra.s32 s0, $0x2  }
0x6c: {  	v23 =	vld [tilespmem:s0+$0x10000]  }
0x6d: {  	v24 =	vld [tilespmem:s0+$0x10080]  }
0x6e: {  	v26 =	vld [tilespmem:s0+$0x10090]  }
0x6f: {  	v49 =	vld [tilespmem:s0+$0x100A0]  }
0x70: {  	v51 =	vld [tilespmem:s0+$0x100B0]  }
0x71: {  	v20 =	vmax.f32 v20, v22;
	v53 =	vld [tilespmem:s0+$0x100C0]  }
0x72: {  	v55 =	vld [tilespmem:s0+$0x100D0];
	v20 =	vmax.f32 v24, v20  }
0x73: {  	v58 =	vld [tilespmem:s0+$0x100E0];
	v18 =	vmax.f32 v26, v18;
	[tilespmem:s0+$0x10080] =	vst v20  }
0x74: {  	v5 =	vmax.f32 v5, v13;
	v62 =	vld [tilespmem:s0+$0x100F0];
	v15 =	vmax.f32 v49, v15;
	[tilespmem:s0+$0x10090] =	vst v18  }
0x75: {  	v7 =	vmax.f32 v7, v10;
	v25 =	vld [tilespmem:s0+$0x10010];
	v5 =	vmax.f32 v51, v5;
	[tilespmem:s0+$0x100A0] =	vst v15  }
0x76: {  	v6 =	vmax.f32 v6, v8;
	v27 =	vld [tilespmem:s0+$0x10020];
	v7 =	vmax.f32 v53, v7;
	[tilespmem:s0+$0x100B0] =	vst v5  }
0x77: {  	v21 =	vadd.f32 v22, v21;
	v4 =	vmax.f32 v4, v9;
	v50 =	vld [tilespmem:s0+$0x10030];
	v6 =	vmax.f32 v55, v6;
	[tilespmem:s0+$0x100C0] =	vst v7  }
0x78: {  	v52 =	vld [tilespmem:s0+$0x10040];
	v4 =	vmax.f32 v58, v4;
	[tilespmem:s0+$0x100D0] =	vst v6  }
0x79: {  	v54 =	vld [tilespmem:s0+$0x10050];
	v21 =	vadd.f32 v23, v21;
	v2 =	vmax.f32 v62, v2;
	[tilespmem:s0+$0x100E0] =	vst v4  }
0x7a: {  	v12 =	vadd.f32 v13, v12;
	v56 =	vld [tilespmem:s0+$0x10060];
	v19 =	vadd.f32 v25, v19;
	[tilespmem:s0+$0x100F0] =	vst v2  }
0x7b: {  	v16 =	vadd.f32 v10, v16;
	v59 =	vld [tilespmem:s0+$0x10070];
	v17 =	vadd.f32 v27, v17;
	[tilespmem:s0+$0x10000] =	vst v21  }
0x7c: {  	v14 =	vadd.f32 v8, v14;
	v12 =	vadd.f32 v50, v12;
	[tilespmem:s0+$0x10010] =	vst v19  }
0x7d: {  	v60 =	vadd.f32 v9, v11;
	v57 =	vadd.f32 v52, v16;
	[tilespmem:s0+$0x10020] =	vst v17  }
0x7e: {  	v61 =	vadd.f32 v54, v14;
	[tilespmem:s0+$0x10030] =	vst v12  }
0x7f: {  	v63 =	vadd.f32 v56, v60;
	[tilespmem:s0+$0x10040] =	vst v57  }
0x80: {  	v3 =	vadd.f32 v59, v3;
	[tilespmem:s0+$0x10050] =	vst v61  }
0x81: {  	[tilespmem:s0+$0x10060] =	vst v63  }
0x82: {  	[tilespmem:s0+$0x10070] =	vst v3  }
.LBB2_10:
0x83: {  	s30 =	sadd.s32 $0x1, s30  }
0x84: {  	p1 =	sne.s32 s30, $0x20  }
.Ltmp5:
0x85: {  	_ = 	snop;
	(pc) =	sbr.rel @!p1 .LBB2_11-.Ltmp5, $1  }
0x86: {  	_ =	sdelay $0x3  }
.LBB2_6:
0x87: {  	v2 =	vld [tilespmem:s30+$0x13000]  }
0x88: {  	v3 =	vld [tilespmem:s30+$0x13001];
	_ =	sdelay $0x3  }
0x89: {  	(v2sf) =	vpush v2, $0x0  }
0x8a: {  	(v2sf) =	vpush v3, $0x0;
	_ =	sdelay $0xd  }
0x8b: {  	s2 =	spop (v2sf)  }
0x8c: {  	s31 =	smov.u32 s25;
	s0 =	spop (v2sf)  }
0x8d: {  	s26 =	smov.u32 s16;
	p1 =	sgt.s32 s2, s25;
	p2 =	slt.s32 s0, s16  }
0x8e: {  	s31 =	smov.u32 @p1 s2;
	s26 =	smov.u32 @p2 s0  }
0x8f: {  	p1 =	sgt.s32 s31, s26  }
0x90: {  	s26 =	smov.u32 @p1 s31  }
0x91: {  	s0 =	ssub.s32 s31, s28;
	s31 =	ssub.s32 s26, s28  }
0x92: {  	p1 =	sle.s32 s31, s0  }
.Ltmp6:
0x93: {  	_ = 	snop;
	(pc) =	sbr.rel @p1 .LBB2_10-.Ltmp6, $1  }
0x94: {  	_ =	sdelay $0x3  }
0x95: {  	p1 =	sgt.s32 s2, s21;
	s26 =	smov.u32 s21  }
0x96: {  	s26 =	smov.u32 @p1 s2  }
0x97: {  	s2 =	sshll.u32 s26, $0x9  }
0x98: {  	s2 =	sshra.s32 s2, $0x2  }
0x99: {  	s26 =	sadd.s32 s2, s29  }
0x9a: {  	v2 =	vld [tilespmem:s26+$0x30]  }
0x9b: {  	v4 =	vld [tilespmem:s26+$0xFFFFFFD0]  }
0x9c: {  	s2 =	sadd.s32 $0x1, s0;
	v6 =	vld [tilespmem:s26+$0xFFFFFFE0]  }
0x9d: {  	v12 =	vimm.f32 $0.0e+00;
	p1 =	slt.s32 s2, s31  }
.Ltmp7:
0x9e: {  	v5 =	vimm.f32 $-3.402823470e+38;
	v16 =	vimm.f32 $0.0e+00;
	v7 =	vimm.f32 $-3.402823470e+38;
	v13 =	vld [tilespmem:s26+$0xFFFFFFF0];
	(pc) =	sbr.rel @!p1 .LBB2_9-.Ltmp7, $4  }
0x9f: {  	v14 =	vimm.f32 $0.0e+00;
	v11 =	vimm.f32 $0.0e+00;
	v21 =	vimm.f32 $0.0e+00;
	v10 =	vld [tilespmem:s26+$0x0]  }
0xa0: {  	v20 =	vimm.f32 $-3.402823470e+38;
	v8 =	vld [tilespmem:s26+$0x10];
	v3 =	vadd.f32 v2, v12;
	v2 =	vmax.f32 v5, v2  }
0xa1: {  	v9 =	vld [tilespmem:s26+$0x20];
	v19 =	vadd.f32 v4, v12;
	v18 =	vmax.f32 v5, v4;
	v17 =	vadd.f32 v6, v12  }
0xa2: {  	v22 =	vld [tilespmem:s26+$0xFFFFFFC0];
	s0 =	sadd.s32 $0x80, s26;
	v15 =	vmax.f32 v5, v6;
	v6 =	vimm.f32 $-3.402823470e+38;
	v4 =	vimm.f32 $-3.402823470e+38  }
.LBB2_8:
0xa3: {  	v23 =	vld [tilespmem:s0+$0x30];
	s2 =	sadd.s32 $0x1, s2;
	v12 =	vadd.f32 v13, v12;
	v5 =	vmax.f32 v5, v13  }
0xa4: {  	v16 =	vadd.f32 v10, v16;
	v7 =	vmax.f32 v7, v10;
	v24 =	vld [tilespmem:s0+$0xFFFFFFD0];
	p1 =	slt.s32 s2, s31  }
0xa5: {  	v14 =	vadd.f32 v8, v14;
	v6 =	vmax.f32 v6, v8;
	v25 =	vld [tilespmem:s0+$0xFFFFFFE0]  }
.Ltmp8:
0xa6: {  	v11 =	vadd.f32 v9, v11;
	v4 =	vmax.f32 v4, v9;
	v13 =	vld [tilespmem:s0+$0xFFFFFFF0];
	(pc) =	sbr.rel @p1 .LBB2_8-.Ltmp8, $4  }
0xa7: {  	v21 =	vadd.f32 v22, v21;
	v20 =	vmax.f32 v20, v22;
	v10 =	vld [tilespmem:s0+$0x0]  }
0xa8: {  	v8 =	vld [tilespmem:s0+$0x10];
	v3 =	vadd.f32 v23, v3;
	v2 =	vmax.f32 v2, v23  }
0xa9: {  	v19 =	vadd.f32 v24, v19;
	v18 =	vmax.f32 v18, v24;
	v9 =	vld [tilespmem:s0+$0x20]  }
0xaa: {  	v22 =	vld [tilespmem:s0+$0xFFFFFFC0];
	v17 =	vadd.f32 v25, v17;
	v15 =	vmax.f32 v15, v25;
	s0 =	sadd.s32 $0x80, s0  }
.Ltmp9:
0xab: {  	_ = 	snop;
	(pc) =	sbr.rel .LBB2_9-.Ltmp9, $1  }
0xac: {  	_ =	sdelay $0x3  }
.LBB2_11:
.Ltmp10:
0xad: {  	(pc) =	sbr.rel @p0 .LBB2_18-.Ltmp10, $1  }
0xae: {  	_ =	sdelay $0x3  }
0xaf: {  	s0 =	sadd.s32 $0x2, s24  }
0xb0: {  	p0 =	sge.s32 s0, s17  }
0xb1: {  	s0 =	sshll.u32 @!p0 s0, $0x8  }
0xb2: {  	s0 =	sadd.s32 @!p0 s15, s0  }
0xb3: {  	p1 =	slt.s32 @!p0 s0, $0x185A0  }
0xb4: {  	p1 =	por !p1, p0  }
0xb5: {  	s0 =	simm.s32 @p1 $0x185A0  }
0xb6: {  	s0 =	sshll.u32 @!p0 s0, $0x4  }
0xb7: {  	s0 =	sand.u32 @!p0 $0x1FFFFFF0, s0  }
0xb8: {  	s30 =	sshll.u32 s22, $0x8;
	s2 =	simm.s32 @!p0 $0x0;
	s0 =	sadd.s32 @!p0 s1, s0  }
0xb9: {  	[tilespmem:s2], [sflag:$0x1] =	stream.linear.gather @!p0 [hbm4b:s0+s2], $0x8000, $0x38;
	[tilespmem:$0x13100] =	vst v63  }
.Ltmp11:
0xba: {  	s24 =	smov.u32 s8;
	s22 =	sadd.s32 s15, s30;
	(pc) =	sbr.rel .LBB2_13-.Ltmp11, $4  }
0xbb: {  	s31 =	sshra.s32 s23, $0x2;
	s26 =	simm.s32 $0x0;
	s0 =	sadd.s32 $0x100, s22  }
0xbc: {  	s25 =	smov.u32 s22;
	_ =	swait.ge [sflag:s12], $0x8000;
	p0 =	slt.s32 s0, s8  }
0xbd: {  	[sflag:s12] =	ssyncset.done $0x0;
	s24 =	smov.u32 @p0 s0;
	p0 =	slt.s32 s22, $0x185A0  }
0xbe: {  	s23 =	sadd.s32 $0x8040, s31;
	[sflag:s12] =	ssyncadd.s32 $0xFFFF8000;
	s25 =	simm.s32 @!p0 $0x185A0  }
.LBB2_16:
0xbf: {  	s0 =	smul.u32 $0x600, s26;
	_ =	sdelay $0x1  }
0xc0: {  	s0 =	sshra.s32 s0, $0x2  }
0xc1: {  	v23 =	vld [tilespmem:s0+$0x10000]  }
0xc2: {  	v24 =	vld [tilespmem:s0+$0x10080]  }
0xc3: {  	v26 =	vld [tilespmem:s0+$0x10090]  }
0xc4: {  	v49 =	vld [tilespmem:s0+$0x100A0]  }
0xc5: {  	v51 =	vld [tilespmem:s0+$0x100B0]  }
0xc6: {  	v20 =	vmax.f32 v20, v22;
	v53 =	vld [tilespmem:s0+$0x100C0]  }
0xc7: {  	v55 =	vld [tilespmem:s0+$0x100D0];
	v20 =	vmax.f32 v24, v20  }
0xc8: {  	v58 =	vld [tilespmem:s0+$0x100E0];
	v18 =	vmax.f32 v26, v18;
	[tilespmem:s0+$0x10080] =	vst v20  }
0xc9: {  	v5 =	vmax.f32 v5, v13;
	v62 =	vld [tilespmem:s0+$0x100F0];
	v15 =	vmax.f32 v49, v15;
	[tilespmem:s0+$0x10090] =	vst v18  }
0xca: {  	v7 =	vmax.f32 v7, v10;
	v25 =	vld [tilespmem:s0+$0x10010];
	v5 =	vmax.f32 v51, v5;
	[tilespmem:s0+$0x100A0] =	vst v15  }
0xcb: {  	v6 =	vmax.f32 v6, v8;
	v27 =	vld [tilespmem:s0+$0x10020];
	v7 =	vmax.f32 v53, v7;
	[tilespmem:s0+$0x100B0] =	vst v5  }
0xcc: {  	v21 =	vadd.f32 v22, v21;
	v4 =	vmax.f32 v4, v9;
	v50 =	vld [tilespmem:s0+$0x10030];
	v6 =	vmax.f32 v55, v6;
	[tilespmem:s0+$0x100C0] =	vst v7  }
0xcd: {  	v52 =	vld [tilespmem:s0+$0x10040];
	v4 =	vmax.f32 v58, v4;
	[tilespmem:s0+$0x100D0] =	vst v6  }
0xce: {  	v54 =	vld [tilespmem:s0+$0x10050];
	v21 =	vadd.f32 v23, v21;
	v2 =	vmax.f32 v62, v2;
	[tilespmem:s0+$0x100E0] =	vst v4  }
0xcf: {  	v12 =	vadd.f32 v13, v12;
	v56 =	vld [tilespmem:s0+$0x10060];
	v19 =	vadd.f32 v25, v19;
	[tilespmem:s0+$0x100F0] =	vst v2  }
0xd0: {  	v16 =	vadd.f32 v10, v16;
	v59 =	vld [tilespmem:s0+$0x10070];
	v17 =	vadd.f32 v27, v17;
	[tilespmem:s0+$0x10000] =	vst v21  }
0xd1: {  	v14 =	vadd.f32 v8, v14;
	v12 =	vadd.f32 v50, v12;
	[tilespmem:s0+$0x10010] =	vst v19  }
0xd2: {  	v60 =	vadd.f32 v9, v11;
	v57 =	vadd.f32 v52, v16;
	[tilespmem:s0+$0x10020] =	vst v17  }
0xd3: {  	v61 =	vadd.f32 v54, v14;
	[tilespmem:s0+$0x10030] =	vst v12  }
0xd4: {  	v63 =	vadd.f32 v56, v60;
	[tilespmem:s0+$0x10040] =	vst v57  }
0xd5: {  	v3 =	vadd.f32 v59, v3;
	[tilespmem:s0+$0x10050] =	vst v61  }
0xd6: {  	[tilespmem:s0+$0x10060] =	vst v63  }
0xd7: {  	[tilespmem:s0+$0x10070] =	vst v3  }
.LBB2_17:
0xd8: {  	s26 =	sadd.s32 $0x1, s26  }
0xd9: {  	p0 =	sne.s32 s26, $0x20  }
.Ltmp12:
0xda: {  	_ = 	snop;
	(pc) =	sbr.rel @!p0 .LBB2_18-.Ltmp12, $1  }
0xdb: {  	_ =	sdelay $0x3  }
.LBB2_13:
0xdc: {  	v2 =	vld [tilespmem:s26+$0x13000]  }
0xdd: {  	v3 =	vld [tilespmem:s26+$0x13001];
	_ =	sdelay $0x3  }
0xde: {  	(v2sf) =	vpush v2, $0x0  }
0xdf: {  	(v2sf) =	vpush v3, $0x0;
	_ =	sdelay $0xd  }
0xe0: {  	s2 =	spop (v2sf)  }
0xe1: {  	s16 =	smov.u32 s22;
	s0 =	spop (v2sf)  }
0xe2: {  	s28 =	smov.u32 s24;
	p0 =	sgt.s32 s2, s22;
	p1 =	slt.s32 s0, s24  }
0xe3: {  	s16 =	smov.u32 @p0 s2;
	s28 =	smov.u32 @p1 s0  }
0xe4: {  	p0 =	sgt.s32 s16, s28  }
0xe5: {  	s28 =	smov.u32 @p0 s16  }
0xe6: {  	s0 =	ssub.s32 s16, s25;
	s28 =	ssub.s32 s28, s25  }
0xe7: {  	p0 =	sle.s32 s28, s0  }
.Ltmp13:
0xe8: {  	_ = 	snop;
	(pc) =	sbr.rel @p0 .LBB2_17-.Ltmp13, $1  }
0xe9: {  	_ =	sdelay $0x3  }
0xea: {  	p0 =	sgt.s32 s2, s19;
	s16 =	smov.u32 s19  }
0xeb: {  	s16 =	smov.u32 @p0 s2  }
0xec: {  	s2 =	sshll.u32 s16, $0x9  }
0xed: {  	s2 =	sshra.s32 s2, $0x2  }
0xee: {  	s31 =	sadd.s32 s2, s23  }
0xef: {  	v2 =	vld [tilespmem:s31+$0x30]  }
0xf0: {  	v4 =	vld [tilespmem:s31+$0xFFFFFFD0]  }
0xf1: {  	s2 =	sadd.s32 $0x1, s0;
	v6 =	vld [tilespmem:s31+$0xFFFFFFE0]  }
0xf2: {  	v12 =	vimm.f32 $0.0e+00;
	p0 =	slt.s32 s2, s28  }
.Ltmp14:
0xf3: {  	v5 =	vimm.f32 $-3.402823470e+38;
	v16 =	vimm.f32 $0.0e+00;
	v7 =	vimm.f32 $-3.402823470e+38;
	v13 =	vld [tilespmem:s31+$0xFFFFFFF0];
	(pc) =	sbr.rel @!p0 .LBB2_16-.Ltmp14, $4  }
0xf4: {  	v14 =	vimm.f32 $0.0e+00;
	v11 =	vimm.f32 $0.0e+00;
	v21 =	vimm.f32 $0.0e+00;
	v10 =	vld [tilespmem:s31+$0x0]  }
0xf5: {  	v20 =	vimm.f32 $-3.402823470e+38;
	v8 =	vld [tilespmem:s31+$0x10];
	v3 =	vadd.f32 v2, v12;
	v2 =	vmax.f32 v5, v2  }
0xf6: {  	v9 =	vld [tilespmem:s31+$0x20];
	v19 =	vadd.f32 v4, v12;
	v18 =	vmax.f32 v5, v4;
	v17 =	vadd.f32 v6, v12  }
0xf7: {  	v22 =	vld [tilespmem:s31+$0xFFFFFFC0];
	s0 =	sadd.s32 $0x80, s31;
	v15 =	vmax.f32 v5, v6;
	v6 =	vimm.f32 $-3.402823470e+38;
	v4 =	vimm.f32 $-3.402823470e+38  }
.LBB2_15:
0xf8: {  	v23 =	vld [tilespmem:s0+$0x30];
	s2 =	sadd.s32 $0x1, s2;
	v12 =	vadd.f32 v13, v12;
	v5 =	vmax.f32 v5, v13  }
0xf9: {  	v16 =	vadd.f32 v10, v16;
	v7 =	vmax.f32 v7, v10;
	v24 =	vld [tilespmem:s0+$0xFFFFFFD0];
	p0 =	slt.s32 s2, s28  }
0xfa: {  	v14 =	vadd.f32 v8, v14;
	v6 =	vmax.f32 v6, v8;
	v25 =	vld [tilespmem:s0+$0xFFFFFFE0]  }
.Ltmp15:
0xfb: {  	v11 =	vadd.f32 v9, v11;
	v4 =	vmax.f32 v4, v9;
	v13 =	vld [tilespmem:s0+$0xFFFFFFF0];
	(pc) =	sbr.rel @p0 .LBB2_15-.Ltmp15, $4  }
0xfc: {  	v21 =	vadd.f32 v22, v21;
	v20 =	vmax.f32 v20, v22;
	v10 =	vld [tilespmem:s0+$0x0]  }
0xfd: {  	v8 =	vld [tilespmem:s0+$0x10];
	v3 =	vadd.f32 v23, v3;
	v2 =	vmax.f32 v2, v23  }
0xfe: {  	v19 =	vadd.f32 v24, v19;
	v18 =	vmax.f32 v18, v24;
	v9 =	vld [tilespmem:s0+$0x20]  }
0xff: {  	v22 =	vld [tilespmem:s0+$0xFFFFFFC0];
	v17 =	vadd.f32 v25, v17;
	v15 =	vmax.f32 v15, v25;
	s0 =	sadd.s32 $0x80, s0  }
.Ltmp16:
0x100: {  	_ = 	snop;
	(pc) =	sbr.rel .LBB2_16-.Ltmp16, $1  }
0x101: {  	_ =	sdelay $0x3  }
.LBB2_19:
0x102: {  	s15 =	simm.s32 $0x100C0  }
0x103: {  	v2 =	vld [tilespmem:s15+$0xFFFFFF50]  }
0x104: {  	s0 =	simm.s32 $0x0;
	v3 =	vld [tilespmem:s15+$0xFFFFFF40]  }
0x105: {  	v5 =	vld [tilespmem:s0+$0x13000]  }
0x106: {  	v6 =	vld [tilespmem:s0+$0x13001]  }
0x107: {  	v7 =	vld.msk [tilespmem:s0+$0x13080 ss:$0x0], $0xffff  }
0x108: {  	v4 =	vld [tilespmem:s15+$0xFFFFFFB0]  }
0x109: {  	v8 =	vld [tilespmem:s15+$0xFFFFFFA0]  }
0x10a: {  	v9 =	vld [tilespmem:s15+$0xFFFFFF80];
	(v2sf) =	vpush v5, $0x0  }
0x10b: {  	v10 =	vld [tilespmem:s15+$0xFFFFFF60];
	(v2sf) =	vpush v6, $0x0  }
0x10c: {  	v12 =	vld [tilespmem:s15+$0xFFFFFF90];
	v3 =	vmul.f32 v7, v3  }
0x10d: {  	v11 =	vld [tilespmem:s15+$0xFFFFFF70];
	v4 =	vmul.f32 v4, v7  }
0x10e: {  	v2 =	vmul.f32 v2, v7;
	[tilespmem:s15+$0x40] =	vst v3  }
0x10f: {  	v9 =	vmul.f32 v9, v7;
	[tilespmem:s15+$0xB0] =	vst v4  }
0x110: {  	v10 =	vmul.f32 v10, v7;
	[tilespmem:s15+$0x50] =	vst v2  }
0x111: {  	v5 =	vmul.f32 v12, v7;
	v3 =	vld [tilespmem:s15+$0xFFFFFFC0];
	[tilespmem:s15+$0x80] =	vst v9  }
0x112: {  	s16 =	simm.s32 $0x4;
	s17 =	simm.s32 $0x100C0;
	v6 =	vmul.f32 v11, v7;
	v4 =	vmul.f32 v8, v7;
	v2 =	vld [tilespmem:s15+$0xFFFFFFD0];
	[tilespmem:s15+$0x60] =	vst v10  }
.LBB2_20:
0x113: {  	p0 =	sne.s32 s16, $0x7C  }
0x114: {  	[tilespmem:s15+$0x70] =	vst v6;
	s17 =	sadd.s32 $0x180, s17;
	s0 =	smov.u32 s16;
	s16 =	sadd.s32 $0x4, s16  }
0x115: {  	[tilespmem:s15+$0x90] =	vst v5  }
0x116: {  	v5 =	vld [tilespmem:s15+$0xFFFFFFF0];
	[tilespmem:s15+$0xA0] =	vst v4  }
0x117: {  	v4 =	vld [tilespmem:s15+$0xFFFFFFE0]  }
0x118: {  	v6 =	vld [tilespmem:s15+$0x10]  }
0x119: {  	v7 =	vld [tilespmem:s15+$0x30];
	s2 =	spop (v2sf)  }
0x11a: {  	v8 =	vld [tilespmem:s15+$0x0];
	s8 =	spop (v2sf)  }
0x11b: {  	v9 =	vld [tilespmem:s17+$0xFFFFFF50];
	s2 =	ssub.s32 s8, s2  }
0x11c: {  	s0 =	sshra.s32 s0, $0x2;
	v10 =	vld [tilespmem:s17+$0xFFFFFF40];
	s2 =	scvt.s32.f32 s2  }
0x11d: {  	v11 =	vld [tilespmem:s15+$0x20]  }
0x11e: {  	s2 =	smin.f32 s2, $1.000000000e+00  }
0x11f: {  	v3 =	vmul.f32 s2, v3;
	v6 =	vmul.f32 s2, v6  }
0x120: {  	v2 =	vmul.f32 s2, v2;
	v4 =	vmul.f32 s2, v4  }
0x121: {  	v5 =	vmul.f32 s2, v5;
	v8 =	vmul.f32 s2, v8;
	v3 =	vadd.f32 $0.0e+00, v3  }
0x122: {  	v2 =	vadd.f32 $0.0e+00, v2;
	v6 =	vadd.f32 $0.0e+00, v6;
	v11 =	vmul.f32 s2, v11  }
0x123: {  	v7 =	vmul.f32 s2, v7;
	[tilespmem:s15+$0xFFFFFFC0] =	vst v3;
	v3 =	vadd.f32 $0.0e+00, v5;
	v5 =	vadd.f32 $0.0e+00, v8  }
0x124: {  	v4 =	vadd.f32 $0.0e+00, v4;
	[tilespmem:s15+$0x10] =	vst v6;
	v6 =	vadd.f32 $0.0e+00, v11  }
0x125: {  	[tilespmem:s15+$0xFFFFFFD0] =	vst v2;
	v2 =	vadd.f32 $0.0e+00, v7  }
0x126: {  	[tilespmem:s15+$0xFFFFFFF0] =	vst v3  }
0x127: {  	[tilespmem:s15+$0x30] =	vst v2  }
0x128: {  	[tilespmem:s15+$0x20] =	vst v6  }
0x129: {  	[tilespmem:s15+$0x0] =	vst v5  }
0x12a: {  	v2 =	vld [tilespmem:s17+$0xFFFFFFB0];
	[tilespmem:s15+$0xFFFFFFE0] =	vst v4;
	s15 =	smov.u32 s17  }
0x12b: {  	v3 =	vld [tilespmem:s0+$0x13000]  }
0x12c: {  	v4 =	vld [tilespmem:s0+$0x13001]  }
0x12d: {  	v5 =	vld.msk [tilespmem:s0+$0x13080 ss:$0x0], $0xffff  }
0x12e: {  	v6 =	vld [tilespmem:s17+$0xFFFFFFA0]  }
0x12f: {  	v7 =	vld [tilespmem:s17+$0xFFFFFF80]  }
0x130: {  	(v2sf) =	vpush v3, $0x0  }
0x131: {  	(v2sf) =	vpush v4, $0x0  }
0x132: {  	v8 =	vld [tilespmem:s17+$0xFFFFFF60]  }
0x133: {  	v3 =	vmul.f32 v5, v10;
	v10 =	vld [tilespmem:s17+$0xFFFFFF70];
	v4 =	vmul.f32 v6, v5  }
0x134: {  	v2 =	vmul.f32 v2, v5;
	v7 =	vmul.f32 v7, v5;
	v11 =	vld [tilespmem:s17+$0xFFFFFF90]  }
.Ltmp17:
0x135: {  	v6 =	vmul.f32 v9, v5;
	[tilespmem:s17+$0x40] =	vst v3;
	(pc) =	sbr.rel @p0 .LBB2_20-.Ltmp17, $4  }
0x136: {  	[tilespmem:s17+$0xB0] =	vst v2  }
0x137: {  	v3 =	vld [tilespmem:s17+$0xFFFFFFC0];
	[tilespmem:s17+$0x50] =	vst v6;
	v8 =	vmul.f32 v8, v5  }
0x138: {  	v2 =	vld [tilespmem:s17+$0xFFFFFFD0];
	v6 =	vmul.f32 v10, v5;
	[tilespmem:s17+$0x80] =	vst v7  }
0x139: {  	[tilespmem:s17+$0x60] =	vst v8;
	v5 =	vmul.f32 v11, v5  }
0x13a: {  	_ =	sdelay $0x4  }
0x13b: {  	s0 =	spop (v2sf)  }
0x13c: {  	s2 =	spop (v2sf)  }
0x13d: {  	v7 =	vld [tilespmem:s15+$0x10];
	s0 =	ssub.s32 s2, s0  }
0x13e: {  	s0 =	scvt.s32.f32 s0  }
0x13f: {  	v8 =	vld [tilespmem:s15+$0xFFFFFFF0]  }
0x140: {  	v10 =	vld [tilespmem:s15+$0x20];
	s0 =	smin.f32 s0, $1.000000000e+00  }
0x141: {  	v9 =	vld [tilespmem:s15+$0x30];
	v3 =	vmul.f32 s0, v3  }
0x142: {  	[tilespmem:s15+$0x70] =	vst v6;
	v58 =	vld [tilespmem:s15+$0x0];
	v7 =	vmul.f32 s0, v7  }
0x143: {  	v59 =	vld [tilespmem:s15+$0xFFFFFFE0];
	[tilespmem:s15+$0xA0] =	vst v4;
	v2 =	vmul.f32 s0, v2;
	v3 =	vadd.f32 $0.0e+00, v3  }
0x144: {  	[tilespmem:s15+$0x90] =	vst v5;
	v60 =	vmul.f32 s0, v8;
	v7 =	vadd.f32 $0.0e+00, v7  }
0x145: {  	v61 =	vmul.f32 s0, v10;
	v2 =	vadd.f32 $0.0e+00, v2;
	[tilespmem:s15+$0xFFFFFFC0] =	vst v3  }
0x146: {  	v4 =	vadd.f32 $0.0e+00, v60;
	v3 =	vmul.f32 s0, v9;
	[tilespmem:s15+$0x10] =	vst v7  }
0x147: {  	v6 =	vmul.f32 s0, v58;
	v62 =	vadd.f32 $0.0e+00, v61;
	[tilespmem:s15+$0xFFFFFFD0] =	vst v2  }
0x148: {  	[tilespmem:s15+$0xFFFFFFF0] =	vst v4;
	v2 =	vadd.f32 $0.0e+00, v3;
	v3 =	vmul.f32 s0, v59  }
0x149: {  	v63 =	vadd.f32 $0.0e+00, v6;
	[tilespmem:s15+$0x20] =	vst v62  }
0x14a: {  	s14 =	sadd.s32 $0x1, s14;
	[tilespmem:s15+$0x30] =	vst v2;
	v2 =	vadd.f32 $0.0e+00, v3  }
0x14b: {  	p0 =	sne.s32 s14, s7;
	[tilespmem:s15+$0x0] =	vst v63  }
.Ltmp18:
0x14c: {  	[tilespmem:s15+$0xFFFFFFE0] =	vst v2;
	(pc) =	sbr.rel @p0 .LBB2_1-.Ltmp18, $4  }
0x14d: {  	[hbm4b:s6+s3] =	stream.linear.scatter [tilespmem:s13], [sflag:$0x3], $0x3000, $0x38;
	[tilespmem:$0x13100] =	vst v63  }
0x14e: {  	_ =	swait.ge [sflag:s9], $0x3000  }
0x14f: {  	[sflag:s9] =	ssyncset.done $0x0  }
0x150: {  	[sflag:s9] =	ssyncadd.s32 $0xFFFFD000  }
0x151: {  	_ =	sfence.sel $0x180000  }
0x152: {  	[bflag:$0x0] =	sbarrier.arrive $0xFFFF  }
0x153: {  	_ =	strace $0x90000047  }
0x154: {  	s0 =	stileid.u32;
	[bflag:$0x2] =	sbarrier.arrive $0xFFFF  }
0x155: {  	p0 =	sne.s32 s0, $0x0;
	s0 =	rddreg [dreg:$0x3]  }
0x156: {  	s0 =	sadd.s32 @!p0 $0x100000, s0  }
0x157: {  	[sflag:s0] =	ssyncadd.tile.s32 @!p0 $0x1;
	_ =	shalt  }
.Lfunc_end2:
_tile_overlayer_lowered:
.L_overlay_start_2:
0x158: {  	(tag) =	ssettag $0x2  }
0x159: {  	s0 =	rddreg [dreg:$0x0];
	s2 =	stileid.u32  }
0x15a: {  	s1 =	rddreg [dreg:$0x1];
	p0 =	sne.s32 s2, $0x0  }
0x15b: {  	s3 =	rddreg [dreg:$0x2];
	[bflag:$0x3] =	sbarrier.arrive $0xFFFF;
	s2 =	simm.s32 @!p0 $0x1C03  }
0x15c: {  	[timem:s3], [sflag:s2] =	dma.local @!p0 [hbm:s0], s1  }
0x15d: {  	s0 =	simm.s32 @!p0 $0x3  }
0x15e: {  	_ =	swait.ge @!p0 [sflag:s0], s1  }
0x15f: {  	s1 =	ssub.s32 @!p0 $0x0, s1;
	[sflag:s0] =	ssyncset.done @!p0 $0x0  }
0x160: {  	[sflag:s0] =	ssyncadd.s32 @!p0 s1  }
0x161: {  	[bflag:$0x3] =	sbarrier.arrive $0xFFFF  }
0x162: {  	_ =	shalt  }

</sc_bundles>
